<compile_context>
chip_gen: v7x
topology: tpu7x:2x2x1
jax: 0.10.2.dev20260603
libtpu: 0.0.44.dev20260713+nightly
codegen_flags: <defaults>
</compile_context>

<pallas_src>
import functools

import jax
import jax.numpy as jnp
from jax import lax
from jax.experimental import pallas as pl
from jax.experimental.pallas import tpu as pltpu
from jax.experimental.pallas import tpu_sc as plsc

MAXLEN = 200
EMBED = 32
BATCH = 16384

NC = 2
NS = 16
NW = NC * NS

SEQ_PER_W = BATCH // NW
C = 4
ROWS = C * MAXLEN
NCHUNK = SEQ_PER_W // C
GSUB = 100
NG = ROWS // GSUB
XROW_PER_W = (SEQ_PER_W * MAXLEN) // GSUB
ROW_PER_W = SEQ_PER_W * MAXLEN
NBUF = 4
NBLK = NCHUNK // NBUF

_mesh = plsc.VectorSubcoreMesh(core_axis_name="c", subcore_axis_name="s")


@functools.partial(
    pl.kernel,
    mesh=_mesh,
    compiler_params=pltpu.CompilerParams(use_tc_tiling_on_sc=False),
    out_type=jax.ShapeDtypeStruct((BATCH * MAXLEN, EMBED), jnp.float32),
    scratch_types=[
        pltpu.VMEM((NBUF, NG, GSUB), jnp.int32),
        pltpu.VMEM((NBUF, ROWS, EMBED), jnp.float32),
        pltpu.SemaphoreType.DMA((NBUF,)),
        pltpu.SemaphoreType.DMA((NBUF,)),
    ],
)
def _gather_kernel(x_hbm, tok_hbm, out_hbm, idx_v, buf, gsem, osem):
    wid = lax.axis_index("s") * NC + lax.axis_index("c")

    def stage_and_fire(g, k):
        pltpu.sync_copy(
            x_hbm.at[pl.ds(wid * XROW_PER_W + g * NG, NG)], idx_v.at[k])
        for j in range(NG):
            pltpu.async_copy(
                tok_hbm.at[idx_v.at[k].at[j]],
                buf.at[k].at[pl.ds(j * GSUB, GSUB)],
                gsem.at[k],
            )

    def wait_gather(k):
        pltpu.make_async_copy(
            out_hbm.at[pl.ds(0, ROWS)], buf.at[k], gsem.at[k]).wait()

    def wait_out(k):
        pltpu.make_async_copy(
            buf.at[k], out_hbm.at[pl.ds(0, ROWS)], osem.at[k]).wait()

    stage_and_fire(0, 0)

    def block_body(b, carry):
        for k in range(NBUF):
            g = b * NBUF + k
            k1 = (k + 1) % NBUF
            gnext = g + 1

            @pl.when(jnp.logical_and(gnext < NCHUNK, gnext >= NBUF))
            def _():
                wait_out(k1)

            @pl.when(gnext < NCHUNK)
            def _():
                stage_and_fire(gnext, k1)

            wait_gather(k)
            pltpu.async_copy(
                buf.at[k],
                out_hbm.at[pl.ds(wid * ROW_PER_W + g * ROWS, ROWS)],
                osem.at[k],
            )
        return carry

    lax.fori_loop(0, NBLK, block_body, 0)
    for k in range(NBUF):
        wait_out(k)


BBLK = 128
T4 = MAXLEN // 4


def _tc_body(i_ref, pos_ref, o_ref):
    blk = i_ref[...]
    blk = blk.reshape(BBLK, T4, 128).transpose(1, 2, 0)
    blk = blk.reshape(MAXLEN, EMBED, BBLK)
    o_ref[...] = blk + pos_ref[...][:, :, None]


_tc_relayout = pl.pallas_call(
    _tc_body,
    grid=(BATCH // BBLK,),
    in_specs=[
        pl.BlockSpec((BBLK * T4, 128), lambda i: (i, 0)),
        pl.BlockSpec((MAXLEN, EMBED), lambda i: (0, 0)),
    ],
    out_specs=pl.BlockSpec((MAXLEN, EMBED, BBLK), lambda i: (0, 0, i)),
    out_shape=jax.ShapeDtypeStruct((MAXLEN, EMBED, BATCH), jnp.float32),
)


def kernel(x, token_table, pos_table):
    x_flat = x.reshape(-1).astype(jnp.int32).reshape(-1, GSUB)
    tok = _gather_kernel(x_flat, token_table)
    tok128 = tok.reshape(BATCH * T4, 128)
    out_tdb = _tc_relayout(tok128, pos_table)
    return out_tdb.transpose(2, 0, 1)

# --- scband reference (transcript-rebuilt; emitter-appended) ---
"""Pipeline reference for scband-token-and-position-embedding-3659312136627 (READ-ONLY COPY).

The authoritative reference and input builder live on the scoring server;
editing this copy changes nothing except your own understanding.
"""

import jax, jax.numpy as jnp
import numpy as np

MAXLEN = 200
VOCAB_SIZE = 1000000
EMBED_DIM = 32
BATCH = 16384

def setup_inputs(seed: int = 0) -> dict:
    key = jax.random.key(seed)
    k1, k2, k3 = jax.random.split(key, 3)
    x = jax.random.randint(k1, (BATCH, MAXLEN), 0, VOCAB_SIZE, dtype=jnp.int64 if jax.config.jax_enable_x64 else jnp.int32)
    token_table = jax.random.normal(k2, (VOCAB_SIZE, EMBED_DIM), dtype=jnp.float32) * 0.05
    pos_table = jax.random.normal(k3, (MAXLEN, EMBED_DIM), dtype=jnp.float32) * 0.05
    return {"x": x, "token_table": token_table, "pos_table": pos_table}

def reference(x, token_table, pos_table):
    # TokenAndPositionEmbedding.call:
    #   maxlen = tf.shape(x)[-1]; positions = range(maxlen)
    #   pos = pos_emb(positions); tok = token_emb(x); return tok + pos
    maxlen = x.shape[-1]
    positions = jnp.arange(0, maxlen)
    pos = jnp.take(pos_table, positions, axis=0)            # [maxlen, D]
    tok = jnp.take(token_table, x, axis=0)                  # [B, maxlen, D]
    return tok + pos[None, :, :]

if __name__ == "__main__":
    import jax
    _d = setup_inputs()
    print(jax.jit(kernel)(*tuple(_d.values())))

</pallas_src>

<mosaic_0001>
#map = affine_map<(d0, d1) -> (0, 0)>
module attributes {stable_mosaic.version = 14 : i64} {
  func.func @_gather_kernel(%arg0: i32, %arg1: i32, %arg2: memref<32768x100xi32, #tpu.memory_space<hbm>>, %arg3: memref<1000000x32xf32, #tpu.memory_space<hbm>>, %arg4: memref<3276800x32xf32, #tpu.memory_space<hbm>>, %arg5: memref<4x8x100xi32, #tpu.memory_space<vmem>>, %arg6: memref<4x800x32xf32, #tpu.memory_space<vmem>>, %arg7: memref<4x!tpu.dma_semaphore, #tpu.memory_space<semaphore_mem>>, %arg8: memref<4x!tpu.dma_semaphore, #tpu.memory_space<semaphore_mem>>) attributes {dimension_semantics = [#tpu.dimension_semantics<core_parallel>, #tpu.dimension_semantics<subcore_parallel>], iteration_bounds = array<i64: 2, 16>, scalar_prefetch = 0 : i64, scratch_operands = 4 : i64, tpu.core_type = #tpu.core_type<sc_vector_subcore>, window_params = [{transform_indices = #map}, {transform_indices = #map}, {transform_indices = #map}]} {
    %mul3A = arith.constant 2 : i32
    %mul3A_0 = arith.muli %arg1, %mul3A : i32
    %add3A = arith.addi %mul3A_0, %arg0 : i32
    %mul3A_1 = arith.constant 1024 : i32
    %mul3A_2 = arith.muli %add3A, %mul3A_1 : i32
    %add3A_3 = arith.constant 0 : i32
    %add3A_4 = arith.addi %mul3A_2, %add3A_3 : i32
    %run_scoped3A = arith.constant 0 : i32
    "tpu.region"() ({
      %run_scoped3A_264 = tpu.sem_alloc : memref<!tpu.dma_semaphore, #tpu.memory_space<semaphore_mem>>
      %dma_start3A_265 = arith.constant 0 : i32
      %dma_start3A_266 = arith.constant 0 : i32
      %dma_start3A_267 = tpu.memref_slice %arg5[%run_scoped3A, %dma_start3A_265, %dma_start3A_266] : memref<4x8x100xi32, #tpu.memory_space<vmem>> -> memref<1x8x100xi32, #tpu.memory_space<vmem>>
      %dma_start3A_268 = tpu.memref_squeeze %dma_start3A_267 : memref<1x8x100xi32, #tpu.memory_space<vmem>> -> memref<8x100xi32, #tpu.memory_space<vmem>>
      %dma_start3A_269 = arith.constant 0 : i32
      %dma_start3A_270 = tpu.memref_slice %arg2[%add3A_4, %dma_start3A_269] : memref<32768x100xi32, #tpu.memory_space<hbm>> -> memref<8x100xi32, #tpu.memory_space<hbm>>
      %dma_start3A_271 = arith.constant 0 : i32
      %dma_start3A_272 = arith.constant 0 : i32
      %dma_start3A_273 = tpu.memref_slice %arg5[%run_scoped3A, %dma_start3A_271, %dma_start3A_272] : memref<4x8x100xi32, #tpu.memory_space<vmem>> -> memref<1x8x100xi32, #tpu.memory_space<vmem>>
      %dma_start3A_274 = tpu.memref_squeeze %dma_start3A_273 : memref<1x8x100xi32, #tpu.memory_space<vmem>> -> memref<8x100xi32, #tpu.memory_space<vmem>>
      %dma_start3A_275 = arith.constant 0 : i32
      %dma_start3A_276 = tpu.memref_slice %arg2[%add3A_4, %dma_start3A_275] : memref<32768x100xi32, #tpu.memory_space<hbm>> -> memref<8x100xi32, #tpu.memory_space<hbm>>
      tpu.enqueue_dma source(%dma_start3A_276 : memref<8x100xi32, #tpu.memory_space<hbm>>) target(%dma_start3A_274 : memref<8x100xi32, #tpu.memory_space<vmem>>) target_semaphore(%run_scoped3A_264 : memref<!tpu.dma_semaphore, #tpu.memory_space<semaphore_mem>>)
      %dma_wait3A_277 = arith.constant 0 : i32
      %dma_wait3A_278 = arith.constant 0 : i32
      %dma_wait3A_279 = tpu.memref_slice %arg5[%run_scoped3A, %dma_wait3A_277, %dma_wait3A_278] : memref<4x8x100xi32, #tpu.memory_space<vmem>> -> memref<1x8x100xi32, #tpu.memory_space<vmem>>
      %dma_wait3A_280 = tpu.memref_squeeze %dma_wait3A_279 : memref<1x8x100xi32, #tpu.memory_space<vmem>> -> memref<8x100xi32, #tpu.memory_space<vmem>>
      %dma_wait3A_281 = arith.constant 0 : i32
      %dma_wait3A_282 = tpu.memref_slice %arg2[%add3A_4, %dma_wait3A_281] : memref<32768x100xi32, #tpu.memory_space<hbm>> -> memref<8x100xi32, #tpu.memory_space<hbm>>
      %dma_wait3A_283 = arith.constant 0 : i32
      %dma_wait3A_284 = arith.constant 0 : i32
      %dma_wait3A_285 = tpu.memref_slice %arg5[%run_scoped3A, %dma_wait3A_283, %dma_wait3A_284] : memref<4x8x100xi32, #tpu.memory_space<vmem>> -> memref<1x8x100xi32, #tpu.memory_space<vmem>>
      %dma_wait3A_286 = tpu.memref_squeeze %dma_wait3A_285 : memref<1x8x100xi32, #tpu.memory_space<vmem>> -> memref<8x100xi32, #tpu.memory_space<vmem>>
      %dma_wait3A_287 = arith.constant 0 : i32
      %dma_wait3A_288 = tpu.memref_slice %arg2[%add3A_4, %dma_wait3A_287] : memref<32768x100xi32, #tpu.memory_space<hbm>> -> memref<8x100xi32, #tpu.memory_space<hbm>>
      tpu.wait_dma2 semaphore(%run_scoped3A_264 : memref<!tpu.dma_semaphore, #tpu.memory_space<semaphore_mem>>) src(%dma_wait3A_288 : memref<8x100xi32, #tpu.memory_space<hbm>>) dst(%dma_wait3A_286 : memref<8x100xi32, #tpu.memory_space<vmem>>)
      tpu.yield
    }) : () -> ()
    %dma_start3A = arith.constant 0 : i32
    %dma_start3A_5 = arith.constant 0 : i32
    %dma_start3A_6 = arith.constant 0 : i32
    %dma_start3A_7 = arith.constant 0 : i32
    %dma_start3A_8 = arith.constant 0 : i32
    %dma_start3A_9 = arith.constant 0 : i32
    %dma_start3A_10 = tpu.memref_slice %arg6[%dma_start3A_6, %dma_start3A_8, %dma_start3A_9] : memref<4x800x32xf32, #tpu.memory_space<vmem>> -> memref<1x800x32xf32, #tpu.memory_space<vmem>>
    %dma_start3A_11 = tpu.memref_squeeze %dma_start3A_10 : memref<1x800x32xf32, #tpu.memory_space<vmem>> -> memref<800x32xf32, #tpu.memory_space<vmem>>
    %dma_start3A_12 = arith.constant 0 : i32
    %dma_start3A_13 = arith.constant 0 : i32
    %dma_start3A_14 = tpu.memref_slice %dma_start3A_11[%dma_start3A_12, %dma_start3A_13] : memref<800x32xf32, #tpu.memory_space<vmem>> -> memref<100x32xf32, #tpu.memory_space<vmem>>
    %dma_start3A_15 = arith.constant 0 : i32
    %dma_start3A_16 = arith.constant 0 : i32
    %dma_start3A_17 = tpu.memref_slice %arg5[%dma_start3A, %dma_start3A_15, %dma_start3A_16] : memref<4x8x100xi32, #tpu.memory_space<vmem>> -> memref<1x8x100xi32, #tpu.memory_space<vmem>>
    %dma_start3A_18 = tpu.memref_squeeze %dma_start3A_17 : memref<1x8x100xi32, #tpu.memory_space<vmem>> -> memref<8x100xi32, #tpu.memory_space<vmem>>
    %dma_start3A_19 = arith.constant 0 : i32
    %dma_start3A_20 = tpu.memref_slice %dma_start3A_18[%dma_start3A_5, %dma_start3A_19] : memref<8x100xi32, #tpu.memory_space<vmem>> -> memref<1x100xi32, #tpu.memory_space<vmem>>
    %dma_start3A_21 = tpu.memref_squeeze %dma_start3A_20 : memref<1x100xi32, #tpu.memory_space<vmem>> -> memref<100xi32, #tpu.memory_space<vmem>>
    %dma_start3A_22 = arith.constant 0 : i32
    %dma_start3A_23 = arith.constant 0 : i32
    %dma_start3A_24 = tpu.memref_slice %arg3[%dma_start3A_22, %dma_start3A_23] : memref<1000000x32xf32, #tpu.memory_space<hbm>> -> memref<1000000x32xf32, #tpu.memory_space<hbm>>
    %dma_start3A_25 = tpu.memref_slice %arg7[%dma_start3A_7] : memref<4x!tpu.dma_semaphore, #tpu.memory_space<semaphore_mem>> -> memref<1x!tpu.dma_semaphore, #tpu.memory_space<semaphore_mem>>
    %dma_start3A_26 = tpu.memref_squeeze %dma_start3A_25 : memref<1x!tpu.dma_semaphore, #tpu.memory_space<semaphore_mem>> -> memref<!tpu.dma_semaphore, #tpu.memory_space<semaphore_mem>>
    tpu.enqueue_indirect_dma source(%dma_start3A_24 : memref<1000000x32xf32, #tpu.memory_space<hbm>>) target(%dma_start3A_14 : memref<100x32xf32, #tpu.memory_space<vmem>>) offsets(%dma_start3A_21 : memref<100xi32, #tpu.memory_space<vmem>>) semaphore(%dma_start3A_26 : memref<!tpu.dma_semaphore, #tpu.memory_space<semaphore_mem>>)
    %dma_start3A_27 = arith.constant 0 : i32
    %dma_start3A_28 = arith.constant 1 : i32
    %dma_start3A_29 = arith.constant 0 : i32
    %dma_start3A_30 = arith.constant 0 : i32
    %dma_start3A_31 = arith.constant 0 : i32
    %dma_start3A_32 = arith.constant 0 : i32
    %dma_start3A_33 = tpu.memref_slice %arg6[%dma_start3A_29, %dma_start3A_31, %dma_start3A_32] : memref<4x800x32xf32, #tpu.memory_space<vmem>> -> memref<1x800x32xf32, #tpu.memory_space<vmem>>
    %dma_start3A_34 = tpu.memref_squeeze %dma_start3A_33 : memref<1x800x32xf32, #tpu.memory_space<vmem>> -> memref<800x32xf32, #tpu.memory_space<vmem>>
    %dma_start3A_35 = arith.constant 100 : i32
    %dma_start3A_36 = arith.constant 0 : i32
    %dma_start3A_37 = tpu.memref_slice %dma_start3A_34[%dma_start3A_35, %dma_start3A_36] : memref<800x32xf32, #tpu.memory_space<vmem>> -> memref<100x32xf32, #tpu.memory_space<vmem>>
    %dma_start3A_38 = arith.constant 0 : i32
    %dma_start3A_39 = arith.constant 0 : i32
    %dma_start3A_40 = tpu.memref_slice %arg5[%dma_start3A_27, %dma_start3A_38, %dma_start3A_39] : memref<4x8x100xi32, #tpu.memory_space<vmem>> -> memref<1x8x100xi32, #tpu.memory_space<vmem>>
    %dma_start3A_41 = tpu.memref_squeeze %dma_start3A_40 : memref<1x8x100xi32, #tpu.memory_space<vmem>> -> memref<8x100xi32, #tpu.memory_space<vmem>>
    %dma_start3A_42 = arith.constant 0 : i32
    %dma_start3A_43 = tpu.memref_slice %dma_start3A_41[%dma_start3A_28, %dma_start3A_42] : memref<8x100xi32, #tpu.memory_space<vmem>> -> memref<1x100xi32, #tpu.memory_space<vmem>>
    %dma_start3A_44 = tpu.memref_squeeze %dma_start3A_43 : memref<1x100xi32, #tpu.memory_space<vmem>> -> memref<100xi32, #tpu.memory_space<vmem>>
    %dma_start3A_45 = arith.constant 0 : i32
    %dma_start3A_46 = arith.constant 0 : i32
    %dma_start3A_47 = tpu.memref_slice %arg3[%dma_start3A_45, %dma_start3A_46] : memref<1000000x32xf32, #tpu.memory_space<hbm>> -> memref<1000000x32xf32, #tpu.memory_space<hbm>>
    %dma_start3A_48 = tpu.memref_slice %arg7[%dma_start3A_30] : memref<4x!tpu.dma_semaphore, #tpu.memory_space<semaphore_mem>> -> memref<1x!tpu.dma_semaphore, #tpu.memory_space<semaphore_mem>>
    %dma_start3A_49 = tpu.memref_squeeze %dma_start3A_48 : memref<1x!tpu.dma_semaphore, #tpu.memory_space<semaphore_mem>> -> memref<!tpu.dma_semaphore, #tpu.memory_space<semaphore_mem>>
    tpu.enqueue_indirect_dma source(%dma_start3A_47 : memref<1000000x32xf32, #tpu.memory_space<hbm>>) target(%dma_start3A_37 : memref<100x32xf32, #tpu.memory_space<vmem>>) offsets(%dma_start3A_44 : memref<100xi32, #tpu.memory_space<vmem>>) semaphore(%dma_start3A_49 : memref<!tpu.dma_semaphore, #tpu.memory_space<semaphore_mem>>)
    %dma_start3A_50 = arith.constant 0 : i32
    %dma_start3A_51 = arith.constant 2 : i32
    %dma_start3A_52 = arith.constant 0 : i32
    %dma_start3A_53 = arith.constant 0 : i32
    %dma_start3A_54 = arith.constant 0 : i32
    %dma_start3A_55 = arith.constant 0 : i32
    %dma_start3A_56 = tpu.memref_slice %arg6[%dma_start3A_52, %dma_start3A_54, %dma_start3A_55] : memref<4x800x32xf32, #tpu.memory_space<vmem>> -> memref<1x800x32xf32, #tpu.memory_space<vmem>>
    %dma_start3A_57 = tpu.memref_squeeze %dma_start3A_56 : memref<1x800x32xf32, #tpu.memory_space<vmem>> -> memref<800x32xf32, #tpu.memory_space<vmem>>
    %dma_start3A_58 = arith.constant 200 : i32
    %dma_start3A_59 = arith.constant 0 : i32
    %dma_start3A_60 = tpu.memref_slice %dma_start3A_57[%dma_start3A_58, %dma_start3A_59] : memref<800x32xf32, #tpu.memory_space<vmem>> -> memref<100x32xf32, #tpu.memory_space<vmem>>
    %dma_start3A_61 = arith.constant 0 : i32
    %dma_start3A_62 = arith.constant 0 : i32
    %dma_start3A_63 = tpu.memref_slice %arg5[%dma_start3A_50, %dma_start3A_61, %dma_start3A_62] : memref<4x8x100xi32, #tpu.memory_space<vmem>> -> memref<1x8x100xi32, #tpu.memory_space<vmem>>
    %dma_start3A_64 = tpu.memref_squeeze %dma_start3A_63 : memref<1x8x100xi32, #tpu.memory_space<vmem>> -> memref<8x100xi32, #tpu.memory_space<vmem>>
    %dma_start3A_65 = arith.constant 0 : i32
    %dma_start3A_66 = tpu.memref_slice %dma_start3A_64[%dma_start3A_51, %dma_start3A_65] : memref<8x100xi32, #tpu.memory_space<vmem>> -> memref<1x100xi32, #tpu.memory_space<vmem>>
    %dma_start3A_67 = tpu.memref_squeeze %dma_start3A_66 : memref<1x100xi32, #tpu.memory_space<vmem>> -> memref<100xi32, #tpu.memory_space<vmem>>
    %dma_start3A_68 = arith.constant 0 : i32
    %dma_start3A_69 = arith.constant 0 : i32
    %dma_start3A_70 = tpu.memref_slice %arg3[%dma_start3A_68, %dma_start3A_69] : memref<1000000x32xf32, #tpu.memory_space<hbm>> -> memref<1000000x32xf32, #tpu.memory_space<hbm>>
    %dma_start3A_71 = tpu.memref_slice %arg7[%dma_start3A_53] : memref<4x!tpu.dma_semaphore, #tpu.memory_space<semaphore_mem>> -> memref<1x!tpu.dma_semaphore, #tpu.memory_space<semaphore_mem>>
    %dma_start3A_72 = tpu.memref_squeeze %dma_start3A_71 : memref<1x!tpu.dma_semaphore, #tpu.memory_space<semaphore_mem>> -> memref<!tpu.dma_semaphore, #tpu.memory_space<semaphore_mem>>
    tpu.enqueue_indirect_dma source(%dma_start3A_70 : memref<1000000x32xf32, #tpu.memory_space<hbm>>) target(%dma_start3A_60 : memref<100x32xf32, #tpu.memory_space<vmem>>) offsets(%dma_start3A_67 : memref<100xi32, #tpu.memory_space<vmem>>) semaphore(%dma_start3A_72 : memref<!tpu.dma_semaphore, #tpu.memory_space<semaphore_mem>>)
    %dma_start3A_73 = arith.constant 0 : i32
    %dma_start3A_74 = arith.constant 3 : i32
    %dma_start3A_75 = arith.constant 0 : i32
    %dma_start3A_76 = arith.constant 0 : i32
    %dma_start3A_77 = arith.constant 0 : i32
    %dma_start3A_78 = arith.constant 0 : i32
    %dma_start3A_79 = tpu.memref_slice %arg6[%dma_start3A_75, %dma_start3A_77, %dma_start3A_78] : memref<4x800x32xf32, #tpu.memory_space<vmem>> -> memref<1x800x32xf32, #tpu.memory_space<vmem>>
    %dma_start3A_80 = tpu.memref_squeeze %dma_start3A_79 : memref<1x800x32xf32, #tpu.memory_space<vmem>> -> memref<800x32xf32, #tpu.memory_space<vmem>>
    %dma_start3A_81 = arith.constant 300 : i32
    %dma_start3A_82 = arith.constant 0 : i32
    %dma_start3A_83 = tpu.memref_slice %dma_start3A_80[%dma_start3A_81, %dma_start3A_82] : memref<800x32xf32, #tpu.memory_space<vmem>> -> memref<100x32xf32, #tpu.memory_space<vmem>>
    %dma_start3A_84 = arith.constant 0 : i32
    %dma_start3A_85 = arith.constant 0 : i32
    %dma_start3A_86 = tpu.memref_slice %arg5[%dma_start3A_73, %dma_start3A_84, %dma_start3A_85] : memref<4x8x100xi32, #tpu.memory_space<vmem>> -> memref<1x8x100xi32, #tpu.memory_space<vmem>>
    %dma_start3A_87 = tpu.memref_squeeze %dma_start3A_86 : memref<1x8x100xi32, #tpu.memory_space<vmem>> -> memref<8x100xi32, #tpu.memory_space<vmem>>
    %dma_start3A_88 = arith.constant 0 : i32
    %dma_start3A_89 = tpu.memref_slice %dma_start3A_87[%dma_start3A_74, %dma_start3A_88] : memref<8x100xi32, #tpu.memory_space<vmem>> -> memref<1x100xi32, #tpu.memory_space<vmem>>
    %dma_start3A_90 = tpu.memref_squeeze %dma_start3A_89 : memref<1x100xi32, #tpu.memory_space<vmem>> -> memref<100xi32, #tpu.memory_space<vmem>>
    %dma_start3A_91 = arith.constant 0 : i32
    %dma_start3A_92 = arith.constant 0 : i32
    %dma_start3A_93 = tpu.memref_slice %arg3[%dma_start3A_91, %dma_start3A_92] : memref<1000000x32xf32, #tpu.memory_space<hbm>> -> memref<1000000x32xf32, #tpu.memory_space<hbm>>
    %dma_start3A_94 = tpu.memref_slice %arg7[%dma_start3A_76] : memref<4x!tpu.dma_semaphore, #tpu.memory_space<semaphore_mem>> -> memref<1x!tpu.dma_semaphore, #tpu.memory_space<semaphore_mem>>
    %dma_start3A_95 = tpu.memref_squeeze %dma_start3A_94 : memref<1x!tpu.dma_semaphore, #tpu.memory_space<semaphore_mem>> -> memref<!tpu.dma_semaphore, #tpu.memory_space<semaphore_mem>>
    tpu.enqueue_indirect_dma source(%dma_start3A_93 : memref<1000000x32xf32, #tpu.memory_space<hbm>>) target(%dma_start3A_83 : memref<100x32xf32, #tpu.memory_space<vmem>>) offsets(%dma_start3A_90 : memref<100xi32, #tpu.memory_space<vmem>>) semaphore(%dma_start3A_95 : memref<!tpu.dma_semaphore, #tpu.memory_space<semaphore_mem>>)
    %dma_start3A_96 = arith.constant 0 : i32
    %dma_start3A_97 = arith.constant 4 : i32
    %dma_start3A_98 = arith.constant 0 : i32
    %dma_start3A_99 = arith.constant 0 : i32
    %dma_start3A_100 = arith.constant 0 : i32
    %dma_start3A_101 = arith.constant 0 : i32
    %dma_start3A_102 = tpu.memref_slice %arg6[%dma_start3A_98, %dma_start3A_100, %dma_start3A_101] : memref<4x800x32xf32, #tpu.memory_space<vmem>> -> memref<1x800x32xf32, #tpu.memory_space<vmem>>
    %dma_start3A_103 = tpu.memref_squeeze %dma_start3A_102 : memref<1x800x32xf32, #tpu.memory_space<vmem>> -> memref<800x32xf32, #tpu.memory_space<vmem>>
    %dma_start3A_104 = arith.constant 400 : i32
    %dma_start3A_105 = arith.constant 0 : i32
    %dma_start3A_106 = tpu.memref_slice %dma_start3A_103[%dma_start3A_104, %dma_start3A_105] : memref<800x32xf32, #tpu.memory_space<vmem>> -> memref<100x32xf32, #tpu.memory_space<vmem>>
    %dma_start3A_107 = arith.constant 0 : i32
    %dma_start3A_108 = arith.constant 0 : i32
    %dma_start3A_109 = tpu.memref_slice %arg5[%dma_start3A_96, %dma_start3A_107, %dma_start3A_108] : memref<4x8x100xi32, #tpu.memory_space<vmem>> -> memref<1x8x100xi32, #tpu.memory_space<vmem>>
    %dma_start3A_110 = tpu.memref_squeeze %dma_start3A_109 : memref<1x8x100xi32, #tpu.memory_space<vmem>> -> memref<8x100xi32, #tpu.memory_space<vmem>>
    %dma_start3A_111 = arith.constant 0 : i32
    %dma_start3A_112 = tpu.memref_slice %dma_start3A_110[%dma_start3A_97, %dma_start3A_111] : memref<8x100xi32, #tpu.memory_space<vmem>> -> memref<1x100xi32, #tpu.memory_space<vmem>>
    %dma_start3A_113 = tpu.memref_squeeze %dma_start3A_112 : memref<1x100xi32, #tpu.memory_space<vmem>> -> memref<100xi32, #tpu.memory_space<vmem>>
    %dma_start3A_114 = arith.constant 0 : i32
    %dma_start3A_115 = arith.constant 0 : i32
    %dma_start3A_116 = tpu.memref_slice %arg3[%dma_start3A_114, %dma_start3A_115] : memref<1000000x32xf32, #tpu.memory_space<hbm>> -> memref<1000000x32xf32, #tpu.memory_space<hbm>>
    %dma_start3A_117 = tpu.memref_slice %arg7[%dma_start3A_99] : memref<4x!tpu.dma_semaphore, #tpu.memory_space<semaphore_mem>> -> memref<1x!tpu.dma_semaphore, #tpu.memory_space<semaphore_mem>>
    %dma_start3A_118 = tpu.memref_squeeze %dma_start3A_117 : memref<1x!tpu.dma_semaphore, #tpu.memory_space<semaphore_mem>> -> memref<!tpu.dma_semaphore, #tpu.memory_space<semaphore_mem>>
    tpu.enqueue_indirect_dma source(%dma_start3A_116 : memref<1000000x32xf32, #tpu.memory_space<hbm>>) target(%dma_start3A_106 : memref<100x32xf32, #tpu.memory_space<vmem>>) offsets(%dma_start3A_113 : memref<100xi32, #tpu.memory_space<vmem>>) semaphore(%dma_start3A_118 : memref<!tpu.dma_semaphore, #tpu.memory_space<semaphore_mem>>)
    %dma_start3A_119 = arith.constant 0 : i32
    %dma_start3A_120 = arith.constant 5 : i32
    %dma_start3A_121 = arith.constant 0 : i32
    %dma_start3A_122 = arith.constant 0 : i32
    %dma_start3A_123 = arith.constant 0 : i32
    %dma_start3A_124 = arith.constant 0 : i32
    %dma_start3A_125 = tpu.memref_slice %arg6[%dma_start3A_121, %dma_start3A_123, %dma_start3A_124] : memref<4x800x32xf32, #tpu.memory_space<vmem>> -> memref<1x800x32xf32, #tpu.memory_space<vmem>>
    %dma_start3A_126 = tpu.memref_squeeze %dma_start3A_125 : memref<1x800x32xf32, #tpu.memory_space<vmem>> -> memref<800x32xf32, #tpu.memory_space<vmem>>
    %dma_start3A_127 = arith.constant 500 : i32
    %dma_start3A_128 = arith.constant 0 : i32
    %dma_start3A_129 = tpu.memref_slice %dma_start3A_126[%dma_start3A_127, %dma_start3A_128] : memref<800x32xf32, #tpu.memory_space<vmem>> -> memref<100x32xf32, #tpu.memory_space<vmem>>
    %dma_start3A_130 = arith.constant 0 : i32
    %dma_start3A_131 = arith.constant 0 : i32
    %dma_start3A_132 = tpu.memref_slice %arg5[%dma_start3A_119, %dma_start3A_130, %dma_start3A_131] : memref<4x8x100xi32, #tpu.memory_space<vmem>> -> memref<1x8x100xi32, #tpu.memory_space<vmem>>
    %dma_start3A_133 = tpu.memref_squeeze %dma_start3A_132 : memref<1x8x100xi32, #tpu.memory_space<vmem>> -> memref<8x100xi32, #tpu.memory_space<vmem>>
    %dma_start3A_134 = arith.constant 0 : i32
    %dma_start3A_135 = tpu.memref_slice %dma_start3A_133[%dma_start3A_120, %dma_start3A_134] : memref<8x100xi32, #tpu.memory_space<vmem>> -> memref<1x100xi32, #tpu.memory_space<vmem>>
    %dma_start3A_136 = tpu.memref_squeeze %dma_start3A_135 : memref<1x100xi32, #tpu.memory_space<vmem>> -> memref<100xi32, #tpu.memory_space<vmem>>
    %dma_start3A_137 = arith.constant 0 : i32
    %dma_start3A_138 = arith.constant 0 : i32
    %dma_start3A_139 = tpu.memref_slice %arg3[%dma_start3A_137, %dma_start3A_138] : memref<1000000x32xf32, #tpu.memory_space<hbm>> -> memref<1000000x32xf32, #tpu.memory_space<hbm>>
    %dma_start3A_140 = tpu.memref_slice %arg7[%dma_start3A_122] : memref<4x!tpu.dma_semaphore, #tpu.memory_space<semaphore_mem>> -> memref<1x!tpu.dma_semaphore, #tpu.memory_space<semaphore_mem>>
    %dma_start3A_141 = tpu.memref_squeeze %dma_start3A_140 : memref<1x!tpu.dma_semaphore, #tpu.memory_space<semaphore_mem>> -> memref<!tpu.dma_semaphore, #tpu.memory_space<semaphore_mem>>
    tpu.enqueue_indirect_dma source(%dma_start3A_139 : memref<1000000x32xf32, #tpu.memory_space<hbm>>) target(%dma_start3A_129 : memref<100x32xf32, #tpu.memory_space<vmem>>) offsets(%dma_start3A_136 : memref<100xi32, #tpu.memory_space<vmem>>) semaphore(%dma_start3A_141 : memref<!tpu.dma_semaphore, #tpu.memory_space<semaphore_mem>>)
    %dma_start3A_142 = arith.constant 0 : i32
    %dma_start3A_143 = arith.constant 6 : i32
    %dma_start3A_144 = arith.constant 0 : i32
    %dma_start3A_145 = arith.constant 0 : i32
    %dma_start3A_146 = arith.constant 0 : i32
    %dma_start3A_147 = arith.constant 0 : i32
    %dma_start3A_148 = tpu.memref_slice %arg6[%dma_start3A_144, %dma_start3A_146, %dma_start3A_147] : memref<4x800x32xf32, #tpu.memory_space<vmem>> -> memref<1x800x32xf32, #tpu.memory_space<vmem>>
    %dma_start3A_149 = tpu.memref_squeeze %dma_start3A_148 : memref<1x800x32xf32, #tpu.memory_space<vmem>> -> memref<800x32xf32, #tpu.memory_space<vmem>>
    %dma_start3A_150 = arith.constant 600 : i32
    %dma_start3A_151 = arith.constant 0 : i32
    %dma_start3A_152 = tpu.memref_slice %dma_start3A_149[%dma_start3A_150, %dma_start3A_151] : memref<800x32xf32, #tpu.memory_space<vmem>> -> memref<100x32xf32, #tpu.memory_space<vmem>>
    %dma_start3A_153 = arith.constant 0 : i32
    %dma_start3A_154 = arith.constant 0 : i32
    %dma_start3A_155 = tpu.memref_slice %arg5[%dma_start3A_142, %dma_start3A_153, %dma_start3A_154] : memref<4x8x100xi32, #tpu.memory_space<vmem>> -> memref<1x8x100xi32, #tpu.memory_space<vmem>>
    %dma_start3A_156 = tpu.memref_squeeze %dma_start3A_155 : memref<1x8x100xi32, #tpu.memory_space<vmem>> -> memref<8x100xi32, #tpu.memory_space<vmem>>
    %dma_start3A_157 = arith.constant 0 : i32
    %dma_start3A_158 = tpu.memref_slice %dma_start3A_156[%dma_start3A_143, %dma_start3A_157] : memref<8x100xi32, #tpu.memory_space<vmem>> -> memref<1x100xi32, #tpu.memory_space<vmem>>
    %dma_start3A_159 = tpu.memref_squeeze %dma_start3A_158 : memref<1x100xi32, #tpu.memory_space<vmem>> -> memref<100xi32, #tpu.memory_space<vmem>>
    %dma_start3A_160 = arith.constant 0 : i32
    %dma_start3A_161 = arith.constant 0 : i32
    %dma_start3A_162 = tpu.memref_slice %arg3[%dma_start3A_160, %dma_start3A_161] : memref<1000000x32xf32, #tpu.memory_space<hbm>> -> memref<1000000x32xf32, #tpu.memory_space<hbm>>
    %dma_start3A_163 = tpu.memref_slice %arg7[%dma_start3A_145] : memref<4x!tpu.dma_semaphore, #tpu.memory_space<semaphore_mem>> -> memref<1x!tpu.dma_semaphore, #tpu.memory_space<semaphore_mem>>
    %dma_start3A_164 = tpu.memref_squeeze %dma_start3A_163 : memref<1x!tpu.dma_semaphore, #tpu.memory_space<semaphore_mem>> -> memref<!tpu.dma_semaphore, #tpu.memory_space<semaphore_mem>>
    tpu.enqueue_indirect_dma source(%dma_start3A_162 : memref<1000000x32xf32, #tpu.memory_space<hbm>>) target(%dma_start3A_152 : memref<100x32xf32, #tpu.memory_space<vmem>>) offsets(%dma_start3A_159 : memref<100xi32, #tpu.memory_space<vmem>>) semaphore(%dma_start3A_164 : memref<!tpu.dma_semaphore, #tpu.memory_space<semaphore_mem>>)
    %dma_start3A_165 = arith.constant 0 : i32
    %dma_start3A_166 = arith.constant 7 : i32
    %dma_start3A_167 = arith.constant 0 : i32
    %dma_start3A_168 = arith.constant 0 : i32
    %dma_start3A_169 = arith.constant 0 : i32
    %dma_start3A_170 = arith.constant 0 : i32
    %dma_start3A_171 = tpu.memref_slice %arg6[%dma_start3A_167, %dma_start3A_169, %dma_start3A_170] : memref<4x800x32xf32, #tpu.memory_space<vmem>> -> memref<1x800x32xf32, #tpu.memory_space<vmem>>
    %dma_start3A_172 = tpu.memref_squeeze %dma_start3A_171 : memref<1x800x32xf32, #tpu.memory_space<vmem>> -> memref<800x32xf32, #tpu.memory_space<vmem>>
    %dma_start3A_173 = arith.constant 700 : i32
    %dma_start3A_174 = arith.constant 0 : i32
    %dma_start3A_175 = tpu.memref_slice %dma_start3A_172[%dma_start3A_173, %dma_start3A_174] : memref<800x32xf32, #tpu.memory_space<vmem>> -> memref<100x32xf32, #tpu.memory_space<vmem>>
    %dma_start3A_176 = arith.constant 0 : i32
    %dma_start3A_177 = arith.constant 0 : i32
    %dma_start3A_178 = tpu.memref_slice %arg5[%dma_start3A_165, %dma_start3A_176, %dma_start3A_177] : memref<4x8x100xi32, #tpu.memory_space<vmem>> -> memref<1x8x100xi32, #tpu.memory_space<vmem>>
    %dma_start3A_179 = tpu.memref_squeeze %dma_start3A_178 : memref<1x8x100xi32, #tpu.memory_space<vmem>> -> memref<8x100xi32, #tpu.memory_space<vmem>>
    %dma_start3A_180 = arith.constant 0 : i32
    %dma_start3A_181 = tpu.memref_slice %dma_start3A_179[%dma_start3A_166, %dma_start3A_180] : memref<8x100xi32, #tpu.memory_space<vmem>> -> memref<1x100xi32, #tpu.memory_space<vmem>>
    %dma_start3A_182 = tpu.memref_squeeze %dma_start3A_181 : memref<1x100xi32, #tpu.memory_space<vmem>> -> memref<100xi32, #tpu.memory_space<vmem>>
    %dma_start3A_183 = arith.constant 0 : i32
    %dma_start3A_184 = arith.constant 0 : i32
    %dma_start3A_185 = tpu.memref_slice %arg3[%dma_start3A_183, %dma_start3A_184] : memref<1000000x32xf32, #tpu.memory_space<hbm>> -> memref<1000000x32xf32, #tpu.memory_space<hbm>>
    %dma_start3A_186 = tpu.memref_slice %arg7[%dma_start3A_168] : memref<4x!tpu.dma_semaphore, #tpu.memory_space<semaphore_mem>> -> memref<1x!tpu.dma_semaphore, #tpu.memory_space<semaphore_mem>>
    %dma_start3A_187 = tpu.memref_squeeze %dma_start3A_186 : memref<1x!tpu.dma_semaphore, #tpu.memory_space<semaphore_mem>> -> memref<!tpu.dma_semaphore, #tpu.memory_space<semaphore_mem>>
    tpu.enqueue_indirect_dma source(%dma_start3A_185 : memref<1000000x32xf32, #tpu.memory_space<hbm>>) target(%dma_start3A_175 : memref<100x32xf32, #tpu.memory_space<vmem>>) offsets(%dma_start3A_182 : memref<100xi32, #tpu.memory_space<vmem>>) semaphore(%dma_start3A_187 : memref<!tpu.dma_semaphore, #tpu.memory_space<semaphore_mem>>)
    %scan3A = arith.constant 0 : i32
    %scan3A_188 = arith.constant 0 : i32
    %scan3A_189 = arith.constant 32 : i32
    %scan3A_190 = arith.addi %scan3A_188, %scan3A_189 : i32
    %scan3A_191 = arith.constant 1 : i32
    scf.for %scan3A_264 = %scan3A_188 to %scan3A_190 step %scan3A_191  : i32 {
      %mul3A_265 = arith.constant 4 : i32
      %mul3A_266 = arith.muli %scan3A_264, %mul3A_265 : i32
      %add3A_267 = arith.constant 0 : i32
      %add3A_268 = arith.addi %mul3A_266, %add3A_267 : i32
      %add3A_269 = arith.constant 1 : i32
      %add3A_270 = arith.addi %add3A_268, %add3A_269 : i32
      %lt3A = arith.constant 128 : i32
      %lt3A_271 = arith.cmpi slt, %add3A_270, %lt3A : i32
      %ge3A = arith.constant 4 : i32
      %ge3A_272 = arith.cmpi sge, %add3A_270, %ge3A : i32
      %and3A = arith.andi %lt3A_271, %ge3A_272 : i1
      %convert_element_type3A = arith.extui %and3A : i1 to i32
      %cond3A = arith.constant 0 : i32
      %cond3A_273 = arith.cmpi ne, %convert_element_type3A, %cond3A : i32
      scf.if %cond3A_273 {
        %dma_wait3A_492 = arith.constant 1 : i32
        %dma_wait3A_493 = arith.constant 1 : i32
        %dma_wait3A_494 = arith.constant 0 : i32
        %dma_wait3A_495 = arith.constant 0 : i32
        %dma_wait3A_496 = tpu.memref_slice %arg6[%dma_wait3A_492, %dma_wait3A_494, %dma_wait3A_495] : memref<4x800x32xf32, #tpu.memory_space<vmem>> -> memref<1x800x32xf32, #tpu.memory_space<vmem>>
        %dma_wait3A_497 = tpu.memref_squeeze %dma_wait3A_496 : memref<1x800x32xf32, #tpu.memory_space<vmem>> -> memref<800x32xf32, #tpu.memory_space<vmem>>
        %dma_wait3A_498 = arith.constant 0 : i32
        %dma_wait3A_499 = arith.constant 0 : i32
        %dma_wait3A_500 = tpu.memref_slice %arg4[%dma_wait3A_498, %dma_wait3A_499] : memref<3276800x32xf32, #tpu.memory_space<hbm>> -> memref<800x32xf32, #tpu.memory_space<hbm>>
        %dma_wait3A_501 = tpu.memref_slice %arg8[%dma_wait3A_493] : memref<4x!tpu.dma_semaphore, #tpu.memory_space<semaphore_mem>> -> memref<1x!tpu.dma_semaphore, #tpu.memory_space<semaphore_mem>>
        %dma_wait3A_502 = tpu.memref_squeeze %dma_wait3A_501 : memref<1x!tpu.dma_semaphore, #tpu.memory_space<semaphore_mem>> -> memref<!tpu.dma_semaphore, #tpu.memory_space<semaphore_mem>>
        %dma_wait3A_503 = arith.constant 0 : i32
        %dma_wait3A_504 = arith.constant 0 : i32
        %dma_wait3A_505 = tpu.memref_slice %arg4[%dma_wait3A_503, %dma_wait3A_504] : memref<3276800x32xf32, #tpu.memory_space<hbm>> -> memref<800x32xf32, #tpu.memory_space<hbm>>
        %dma_wait3A_506 = arith.constant 0 : i32
        %dma_wait3A_507 = arith.constant 0 : i32
        %dma_wait3A_508 = tpu.memref_slice %arg6[%dma_wait3A_492, %dma_wait3A_506, %dma_wait3A_507] : memref<4x800x32xf32, #tpu.memory_space<vmem>> -> memref<1x800x32xf32, #tpu.memory_space<vmem>>
        %dma_wait3A_509 = tpu.memref_squeeze %dma_wait3A_508 : memref<1x800x32xf32, #tpu.memory_space<vmem>> -> memref<800x32xf32, #tpu.memory_space<vmem>>
        tpu.wait_dma2 semaphore(%dma_wait3A_502 : memref<!tpu.dma_semaphore, #tpu.memory_space<semaphore_mem>>) src(%dma_wait3A_509 : memref<800x32xf32, #tpu.memory_space<vmem>>) dst(%dma_wait3A_505 : memref<800x32xf32, #tpu.memory_space<hbm>>)
      } else {
      }
      %lt3A_274 = arith.constant 128 : i32
      %lt3A_275 = arith.cmpi slt, %add3A_270, %lt3A_274 : i32
      %convert_element_type3A_276 = arith.extui %lt3A_275 : i1 to i32
      %cond3A_277 = arith.constant 0 : i32
      %cond3A_278 = arith.cmpi ne, %convert_element_type3A_276, %cond3A_277 : i32
      scf.if %cond3A_278 {
        %mul3A_492 = arith.constant 1024 : i32
        %mul3A_493 = arith.muli %add3A, %mul3A_492 : i32
        %mul3A_494 = arith.constant 8 : i32
        %mul3A_495 = arith.muli %add3A_270, %mul3A_494 : i32
        %add3A_496 = arith.addi %mul3A_493, %mul3A_495 : i32
        %run_scoped3A_497 = arith.constant 1 : i32
        "tpu.region"() ({
          %run_scoped3A_682 = tpu.sem_alloc : memref<!tpu.dma_semaphore, #tpu.memory_space<semaphore_mem>>
          %dma_start3A_683 = arith.constant 0 : i32
          %dma_start3A_684 = arith.constant 0 : i32
          %dma_start3A_685 = tpu.memref_slice %arg5[%run_scoped3A_497, %dma_start3A_683, %dma_start3A_684] : memref<4x8x100xi32, #tpu.memory_space<vmem>> -> memref<1x8x100xi32, #tpu.memory_space<vmem>>
          %dma_start3A_686 = tpu.memref_squeeze %dma_start3A_685 : memref<1x8x100xi32, #tpu.memory_space<vmem>> -> memref<8x100xi32, #tpu.memory_space<vmem>>
          %dma_start3A_687 = arith.constant 0 : i32
          %dma_start3A_688 = tpu.memref_slice %arg2[%add3A_496, %dma_start3A_687] : memref<32768x100xi32, #tpu.memory_space<hbm>> -> memref<8x100xi32, #tpu.memory_space<hbm>>
          %dma_start3A_689 = arith.constant 0 : i32
          %dma_start3A_690 = arith.constant 0 : i32
          %dma_start3A_691 = tpu.memref_slice %arg5[%run_scoped3A_497, %dma_start3A_689, %dma_start3A_690] : memref<4x8x100xi32, #tpu.memory_space<vmem>> -> memref<1x8x100xi32, #tpu.memory_space<vmem>>
          %dma_start3A_692 = tpu.memref_squeeze %dma_start3A_691 : memref<1x8x100xi32, #tpu.memory_space<vmem>> -> memref<8x100xi32, #tpu.memory_space<vmem>>
          %dma_start3A_693 = arith.constant 0 : i32
          %dma_start3A_694 = tpu.memref_slice %arg2[%add3A_496, %dma_start3A_693] : memref<32768x100xi32, #tpu.memory_space<hbm>> -> memref<8x100xi32, #tpu.memory_space<hbm>>
          tpu.enqueue_dma source(%dma_start3A_694 : memref<8x100xi32, #tpu.memory_space<hbm>>) target(%dma_start3A_692 : memref<8x100xi32, #tpu.memory_space<vmem>>) target_semaphore(%run_scoped3A_682 : memref<!tpu.dma_semaphore, #tpu.memory_space<semaphore_mem>>)
          %dma_wait3A_695 = arith.constant 0 : i32
          %dma_wait3A_696 = arith.constant 0 : i32
          %dma_wait3A_697 = tpu.memref_slice %arg5[%run_scoped3A_497, %dma_wait3A_695, %dma_wait3A_696] : memref<4x8x100xi32, #tpu.memory_space<vmem>> -> memref<1x8x100xi32, #tpu.memory_space<vmem>>
          %dma_wait3A_698 = tpu.memref_squeeze %dma_wait3A_697 : memref<1x8x100xi32, #tpu.memory_space<vmem>> -> memref<8x100xi32, #tpu.memory_space<vmem>>
          %dma_wait3A_699 = arith.constant 0 : i32
          %dma_wait3A_700 = tpu.memref_slice %arg2[%add3A_496, %dma_wait3A_699] : memref<32768x100xi32, #tpu.memory_space<hbm>> -> memref<8x100xi32, #tpu.memory_space<hbm>>
          %dma_wait3A_701 = arith.constant 0 : i32
          %dma_wait3A_702 = arith.constant 0 : i32
          %dma_wait3A_703 = tpu.memref_slice %arg5[%run_scoped3A_497, %dma_wait3A_701, %dma_wait3A_702] : memref<4x8x100xi32, #tpu.memory_space<vmem>> -> memref<1x8x100xi32, #tpu.memory_space<vmem>>
          %dma_wait3A_704 = tpu.memref_squeeze %dma_wait3A_703 : memref<1x8x100xi32, #tpu.memory_space<vmem>> -> memref<8x100xi32, #tpu.memory_space<vmem>>
          %dma_wait3A_705 = arith.constant 0 : i32
          %dma_wait3A_706 = tpu.memref_slice %arg2[%add3A_496, %dma_wait3A_705] : memref<32768x100xi32, #tpu.memory_space<hbm>> -> memref<8x100xi32, #tpu.memory_space<hbm>>
          tpu.wait_dma2 semaphore(%run_scoped3A_682 : memref<!tpu.dma_semaphore, #tpu.memory_space<semaphore_mem>>) src(%dma_wait3A_706 : memref<8x100xi32, #tpu.memory_space<hbm>>) dst(%dma_wait3A_704 : memref<8x100xi32, #tpu.memory_space<vmem>>)
          tpu.yield
        }) : () -> ()
        %dma_start3A_498 = arith.constant 1 : i32
        %dma_start3A_499 = arith.constant 0 : i32
        %dma_start3A_500 = arith.constant 1 : i32
        %dma_start3A_501 = arith.constant 1 : i32
        %dma_start3A_502 = arith.constant 0 : i32
        %dma_start3A_503 = arith.constant 0 : i32
        %dma_start3A_504 = tpu.memref_slice %arg6[%dma_start3A_500, %dma_start3A_502, %dma_start3A_503] : memref<4x800x32xf32, #tpu.memory_space<vmem>> -> memref<1x800x32xf32, #tpu.memory_space<vmem>>
        %dma_start3A_505 = tpu.memref_squeeze %dma_start3A_504 : memref<1x800x32xf32, #tpu.memory_space<vmem>> -> memref<800x32xf32, #tpu.memory_space<vmem>>
        %dma_start3A_506 = arith.constant 0 : i32
        %dma_start3A_507 = arith.constant 0 : i32
        %dma_start3A_508 = tpu.memref_slice %dma_start3A_505[%dma_start3A_506, %dma_start3A_507] : memref<800x32xf32, #tpu.memory_space<vmem>> -> memref<100x32xf32, #tpu.memory_space<vmem>>
        %dma_start3A_509 = arith.constant 0 : i32
        %dma_start3A_510 = arith.constant 0 : i32
        %dma_start3A_511 = tpu.memref_slice %arg5[%dma_start3A_498, %dma_start3A_509, %dma_start3A_510] : memref<4x8x100xi32, #tpu.memory_space<vmem>> -> memref<1x8x100xi32, #tpu.memory_space<vmem>>
        %dma_start3A_512 = tpu.memref_squeeze %dma_start3A_511 : memref<1x8x100xi32, #tpu.memory_space<vmem>> -> memref<8x100xi32, #tpu.memory_space<vmem>>
        %dma_start3A_513 = arith.constant 0 : i32
        %dma_start3A_514 = tpu.memref_slice %dma_start3A_512[%dma_start3A_499, %dma_start3A_513] : memref<8x100xi32, #tpu.memory_space<vmem>> -> memref<1x100xi32, #tpu.memory_space<vmem>>
        %dma_start3A_515 = tpu.memref_squeeze %dma_start3A_514 : memref<1x100xi32, #tpu.memory_space<vmem>> -> memref<100xi32, #tpu.memory_space<vmem>>
        %dma_start3A_516 = arith.constant 0 : i32
        %dma_start3A_517 = arith.constant 0 : i32
        %dma_start3A_518 = tpu.memref_slice %arg3[%dma_start3A_516, %dma_start3A_517] : memref<1000000x32xf32, #tpu.memory_space<hbm>> -> memref<1000000x32xf32, #tpu.memory_space<hbm>>
        %dma_start3A_519 = tpu.memref_slice %arg7[%dma_start3A_501] : memref<4x!tpu.dma_semaphore, #tpu.memory_space<semaphore_mem>> -> memref<1x!tpu.dma_semaphore, #tpu.memory_space<semaphore_mem>>
        %dma_start3A_520 = tpu.memref_squeeze %dma_start3A_519 : memref<1x!tpu.dma_semaphore, #tpu.memory_space<semaphore_mem>> -> memref<!tpu.dma_semaphore, #tpu.memory_space<semaphore_mem>>
        tpu.enqueue_indirect_dma source(%dma_start3A_518 : memref<1000000x32xf32, #tpu.memory_space<hbm>>) target(%dma_start3A_508 : memref<100x32xf32, #tpu.memory_space<vmem>>) offsets(%dma_start3A_515 : memref<100xi32, #tpu.memory_space<vmem>>) semaphore(%dma_start3A_520 : memref<!tpu.dma_semaphore, #tpu.memory_space<semaphore_mem>>)
        %dma_start3A_521 = arith.constant 1 : i32
        %dma_start3A_522 = arith.constant 1 : i32
        %dma_start3A_523 = arith.constant 1 : i32
        %dma_start3A_524 = arith.constant 1 : i32
        %dma_start3A_525 = arith.constant 0 : i32
        %dma_start3A_526 = arith.constant 0 : i32
        %dma_start3A_527 = tpu.memref_slice %arg6[%dma_start3A_523, %dma_start3A_525, %dma_start3A_526] : memref<4x800x32xf32, #tpu.memory_space<vmem>> -> memref<1x800x32xf32, #tpu.memory_space<vmem>>
        %dma_start3A_528 = tpu.memref_squeeze %dma_start3A_527 : memref<1x800x32xf32, #tpu.memory_space<vmem>> -> memref<800x32xf32, #tpu.memory_space<vmem>>
        %dma_start3A_529 = arith.constant 100 : i32
        %dma_start3A_530 = arith.constant 0 : i32
        %dma_start3A_531 = tpu.memref_slice %dma_start3A_528[%dma_start3A_529, %dma_start3A_530] : memref<800x32xf32, #tpu.memory_space<vmem>> -> memref<100x32xf32, #tpu.memory_space<vmem>>
        %dma_start3A_532 = arith.constant 0 : i32
        %dma_start3A_533 = arith.constant 0 : i32
        %dma_start3A_534 = tpu.memref_slice %arg5[%dma_start3A_521, %dma_start3A_532, %dma_start3A_533] : memref<4x8x100xi32, #tpu.memory_space<vmem>> -> memref<1x8x100xi32, #tpu.memory_space<vmem>>
        %dma_start3A_535 = tpu.memref_squeeze %dma_start3A_534 : memref<1x8x100xi32, #tpu.memory_space<vmem>> -> memref<8x100xi32, #tpu.memory_space<vmem>>
        %dma_start3A_536 = arith.constant 0 : i32
        %dma_start3A_537 = tpu.memref_slice %dma_start3A_535[%dma_start3A_522, %dma_start3A_536] : memref<8x100xi32, #tpu.memory_space<vmem>> -> memref<1x100xi32, #tpu.memory_space<vmem>>
        %dma_start3A_538 = tpu.memref_squeeze %dma_start3A_537 : memref<1x100xi32, #tpu.memory_space<vmem>> -> memref<100xi32, #tpu.memory_space<vmem>>
        %dma_start3A_539 = arith.constant 0 : i32
        %dma_start3A_540 = arith.constant 0 : i32
        %dma_start3A_541 = tpu.memref_slice %arg3[%dma_start3A_539, %dma_start3A_540] : memref<1000000x32xf32, #tpu.memory_space<hbm>> -> memref<1000000x32xf32, #tpu.memory_space<hbm>>
        %dma_start3A_542 = tpu.memref_slice %arg7[%dma_start3A_524] : memref<4x!tpu.dma_semaphore, #tpu.memory_space<semaphore_mem>> -> memref<1x!tpu.dma_semaphore, #tpu.memory_space<semaphore_mem>>
        %dma_start3A_543 = tpu.memref_squeeze %dma_start3A_542 : memref<1x!tpu.dma_semaphore, #tpu.memory_space<semaphore_mem>> -> memref<!tpu.dma_semaphore, #tpu.memory_space<semaphore_mem>>
        tpu.enqueue_indirect_dma source(%dma_start3A_541 : memref<1000000x32xf32, #tpu.memory_space<hbm>>) target(%dma_start3A_531 : memref<100x32xf32, #tpu.memory_space<vmem>>) offsets(%dma_start3A_538 : memref<100xi32, #tpu.memory_space<vmem>>) semaphore(%dma_start3A_543 : memref<!tpu.dma_semaphore, #tpu.memory_space<semaphore_mem>>)
        %dma_start3A_544 = arith.constant 1 : i32
        %dma_start3A_545 = arith.constant 2 : i32
        %dma_start3A_546 = arith.constant 1 : i32
        %dma_start3A_547 = arith.constant 1 : i32
        %dma_start3A_548 = arith.constant 0 : i32
        %dma_start3A_549 = arith.constant 0 : i32
        %dma_start3A_550 = tpu.memref_slice %arg6[%dma_start3A_546, %dma_start3A_548, %dma_start3A_549] : memref<4x800x32xf32, #tpu.memory_space<vmem>> -> memref<1x800x32xf32, #tpu.memory_space<vmem>>
        %dma_start3A_551 = tpu.memref_squeeze %dma_start3A_550 : memref<1x800x32xf32, #tpu.memory_space<vmem>> -> memref<800x32xf32, #tpu.memory_space<vmem>>
        %dma_start3A_552 = arith.constant 200 : i32
        %dma_start3A_553 = arith.constant 0 : i32
        %dma_start3A_554 = tpu.memref_slice %dma_start3A_551[%dma_start3A_552, %dma_start3A_553] : memref<800x32xf32, #tpu.memory_space<vmem>> -> memref<100x32xf32, #tpu.memory_space<vmem>>
        %dma_start3A_555 = arith.constant 0 : i32
        %dma_start3A_556 = arith.constant 0 : i32
        %dma_start3A_557 = tpu.memref_slice %arg5[%dma_start3A_544, %dma_start3A_555, %dma_start3A_556] : memref<4x8x100xi32, #tpu.memory_space<vmem>> -> memref<1x8x100xi32, #tpu.memory_space<vmem>>
        %dma_start3A_558 = tpu.memref_squeeze %dma_start3A_557 : memref<1x8x100xi32, #tpu.memory_space<vmem>> -> memref<8x100xi32, #tpu.memory_space<vmem>>
        %dma_start3A_559 = arith.constant 0 : i32
        %dma_start3A_560 = tpu.memref_slice %dma_start3A_558[%dma_start3A_545, %dma_start3A_559] : memref<8x100xi32, #tpu.memory_space<vmem>> -> memref<1x100xi32, #tpu.memory_space<vmem>>
        %dma_start3A_561 = tpu.memref_squeeze %dma_start3A_560 : memref<1x100xi32, #tpu.memory_space<vmem>> -> memref<100xi32, #tpu.memory_space<vmem>>
        %dma_start3A_562 = arith.constant 0 : i32
        %dma_start3A_563 = arith.constant 0 : i32
        %dma_start3A_564 = tpu.memref_slice %arg3[%dma_start3A_562, %dma_start3A_563] : memref<1000000x32xf32, #tpu.memory_space<hbm>> -> memref<1000000x32xf32, #tpu.memory_space<hbm>>
        %dma_start3A_565 = tpu.memref_slice %arg7[%dma_start3A_547] : memref<4x!tpu.dma_semaphore, #tpu.memory_space<semaphore_mem>> -> memref<1x!tpu.dma_semaphore, #tpu.memory_space<semaphore_mem>>
        %dma_start3A_566 = tpu.memref_squeeze %dma_start3A_565 : memref<1x!tpu.dma_semaphore, #tpu.memory_space<semaphore_mem>> -> memref<!tpu.dma_semaphore, #tpu.memory_space<semaphore_mem>>
        tpu.enqueue_indirect_dma source(%dma_start3A_564 : memref<1000000x32xf32, #tpu.memory_space<hbm>>) target(%dma_start3A_554 : memref<100x32xf32, #tpu.memory_space<vmem>>) offsets(%dma_start3A_561 : memref<100xi32, #tpu.memory_space<vmem>>) semaphore(%dma_start3A_566 : memref<!tpu.dma_semaphore, #tpu.memory_space<semaphore_mem>>)
        %dma_start3A_567 = arith.constant 1 : i32
        %dma_start3A_568 = arith.constant 3 : i32
        %dma_start3A_569 = arith.constant 1 : i32
        %dma_start3A_570 = arith.constant 1 : i32
        %dma_start3A_571 = arith.constant 0 : i32
        %dma_start3A_572 = arith.constant 0 : i32
        %dma_start3A_573 = tpu.memref_slice %arg6[%dma_start3A_569, %dma_start3A_571, %dma_start3A_572] : memref<4x800x32xf32, #tpu.memory_space<vmem>> -> memref<1x800x32xf32, #tpu.memory_space<vmem>>
        %dma_start3A_574 = tpu.memref_squeeze %dma_start3A_573 : memref<1x800x32xf32, #tpu.memory_space<vmem>> -> memref<800x32xf32, #tpu.memory_space<vmem>>
        %dma_start3A_575 = arith.constant 300 : i32
        %dma_start3A_576 = arith.constant 0 : i32
        %dma_start3A_577 = tpu.memref_slice %dma_start3A_574[%dma_start3A_575, %dma_start3A_576] : memref<800x32xf32, #tpu.memory_space<vmem>> -> memref<100x32xf32, #tpu.memory_space<vmem>>
        %dma_start3A_578 = arith.constant 0 : i32
        %dma_start3A_579 = arith.constant 0 : i32
        %dma_start3A_580 = tpu.memref_slice %arg5[%dma_start3A_567, %dma_start3A_578, %dma_start3A_579] : memref<4x8x100xi32, #tpu.memory_space<vmem>> -> memref<1x8x100xi32, #tpu.memory_space<vmem>>
        %dma_start3A_581 = tpu.memref_squeeze %dma_start3A_580 : memref<1x8x100xi32, #tpu.memory_space<vmem>> -> memref<8x100xi32, #tpu.memory_space<vmem>>
        %dma_start3A_582 = arith.constant 0 : i32
        %dma_start3A_583 = tpu.memref_slice %dma_start3A_581[%dma_start3A_568, %dma_start3A_582] : memref<8x100xi32, #tpu.memory_space<vmem>> -> memref<1x100xi32, #tpu.memory_space<vmem>>
        %dma_start3A_584 = tpu.memref_squeeze %dma_start3A_583 : memref<1x100xi32, #tpu.memory_space<vmem>> -> memref<100xi32, #tpu.memory_space<vmem>>
        %dma_start3A_585 = arith.constant 0 : i32
        %dma_start3A_586 = arith.constant 0 : i32
        %dma_start3A_587 = tpu.memref_slice %arg3[%dma_start3A_585, %dma_start3A_586] : memref<1000000x32xf32, #tpu.memory_space<hbm>> -> memref<1000000x32xf32, #tpu.memory_space<hbm>>
        %dma_start3A_588 = tpu.memref_slice %arg7[%dma_start3A_570] : memref<4x!tpu.dma_semaphore, #tpu.memory_space<semaphore_mem>> -> memref<1x!tpu.dma_semaphore, #tpu.memory_space<semaphore_mem>>
        %dma_start3A_589 = tpu.memref_squeeze %dma_start3A_588 : memref<1x!tpu.dma_semaphore, #tpu.memory_space<semaphore_mem>> -> memref<!tpu.dma_semaphore, #tpu.memory_space<semaphore_mem>>
        tpu.enqueue_indirect_dma source(%dma_start3A_587 : memref<1000000x32xf32, #tpu.memory_space<hbm>>) target(%dma_start3A_577 : memref<100x32xf32, #tpu.memory_space<vmem>>) offsets(%dma_start3A_584 : memref<100xi32, #tpu.memory_space<vmem>>) semaphore(%dma_start3A_589 : memref<!tpu.dma_semaphore, #tpu.memory_space<semaphore_mem>>)
        %dma_start3A_590 = arith.constant 1 : i32
        %dma_start3A_591 = arith.constant 4 : i32
        %dma_start3A_592 = arith.constant 1 : i32
        %dma_start3A_593 = arith.constant 1 : i32
        %dma_start3A_594 = arith.constant 0 : i32
        %dma_start3A_595 = arith.constant 0 : i32
        %dma_start3A_596 = tpu.memref_slice %arg6[%dma_start3A_592, %dma_start3A_594, %dma_start3A_595] : memref<4x800x32xf32, #tpu.memory_space<vmem>> -> memref<1x800x32xf32, #tpu.memory_space<vmem>>
        %dma_start3A_597 = tpu.memref_squeeze %dma_start3A_596 : memref<1x800x32xf32, #tpu.memory_space<vmem>> -> memref<800x32xf32, #tpu.memory_space<vmem>>
        %dma_start3A_598 = arith.constant 400 : i32
        %dma_start3A_599 = arith.constant 0 : i32
        %dma_start3A_600 = tpu.memref_slice %dma_start3A_597[%dma_start3A_598, %dma_start3A_599] : memref<800x32xf32, #tpu.memory_space<vmem>> -> memref<100x32xf32, #tpu.memory_space<vmem>>
        %dma_start3A_601 = arith.constant 0 : i32
        %dma_start3A_602 = arith.constant 0 : i32
        %dma_start3A_603 = tpu.memref_slice %arg5[%dma_start3A_590, %dma_start3A_601, %dma_start3A_602] : memref<4x8x100xi32, #tpu.memory_space<vmem>> -> memref<1x8x100xi32, #tpu.memory_space<vmem>>
        %dma_start3A_604 = tpu.memref_squeeze %dma_start3A_603 : memref<1x8x100xi32, #tpu.memory_space<vmem>> -> memref<8x100xi32, #tpu.memory_space<vmem>>
        %dma_start3A_605 = arith.constant 0 : i32
        %dma_start3A_606 = tpu.memref_slice %dma_start3A_604[%dma_start3A_591, %dma_start3A_605] : memref<8x100xi32, #tpu.memory_space<vmem>> -> memref<1x100xi32, #tpu.memory_space<vmem>>
        %dma_start3A_607 = tpu.memref_squeeze %dma_start3A_606 : memref<1x100xi32, #tpu.memory_space<vmem>> -> memref<100xi32, #tpu.memory_space<vmem>>
        %dma_start3A_608 = arith.constant 0 : i32
        %dma_start3A_609 = arith.constant 0 : i32
        %dma_start3A_610 = tpu.memref_slice %arg3[%dma_start3A_608, %dma_start3A_609] : memref<1000000x32xf32, #tpu.memory_space<hbm>> -> memref<1000000x32xf32, #tpu.memory_space<hbm>>
        %dma_start3A_611 = tpu.memref_slice %arg7[%dma_start3A_593] : memref<4x!tpu.dma_semaphore, #tpu.memory_space<semaphore_mem>> -> memref<1x!tpu.dma_semaphore, #tpu.memory_space<semaphore_mem>>
        %dma_start3A_612 = tpu.memref_squeeze %dma_start3A_611 : memref<1x!tpu.dma_semaphore, #tpu.memory_space<semaphore_mem>> -> memref<!tpu.dma_semaphore, #tpu.memory_space<semaphore_mem>>
        tpu.enqueue_indirect_dma source(%dma_start3A_610 : memref<1000000x32xf32, #tpu.memory_space<hbm>>) target(%dma_start3A_600 : memref<100x32xf32, #tpu.memory_space<vmem>>) offsets(%dma_start3A_607 : memref<100xi32, #tpu.memory_space<vmem>>) semaphore(%dma_start3A_612 : memref<!tpu.dma_semaphore, #tpu.memory_space<semaphore_mem>>)
        %dma_start3A_613 = arith.constant 1 : i32
        %dma_start3A_614 = arith.constant 5 : i32
        %dma_start3A_615 = arith.constant 1 : i32
        %dma_start3A_616 = arith.constant 1 : i32
        %dma_start3A_617 = arith.constant 0 : i32
        %dma_start3A_618 = arith.constant 0 : i32
        %dma_start3A_619 = tpu.memref_slice %arg6[%dma_start3A_615, %dma_start3A_617, %dma_start3A_618] : memref<4x800x32xf32, #tpu.memory_space<vmem>> -> memref<1x800x32xf32, #tpu.memory_space<vmem>>
        %dma_start3A_620 = tpu.memref_squeeze %dma_start3A_619 : memref<1x800x32xf32, #tpu.memory_space<vmem>> -> memref<800x32xf32, #tpu.memory_space<vmem>>
        %dma_start3A_621 = arith.constant 500 : i32
        %dma_start3A_622 = arith.constant 0 : i32
        %dma_start3A_623 = tpu.memref_slice %dma_start3A_620[%dma_start3A_621, %dma_start3A_622] : memref<800x32xf32, #tpu.memory_space<vmem>> -> memref<100x32xf32, #tpu.memory_space<vmem>>
        %dma_start3A_624 = arith.constant 0 : i32
        %dma_start3A_625 = arith.constant 0 : i32
        %dma_start3A_626 = tpu.memref_slice %arg5[%dma_start3A_613, %dma_start3A_624, %dma_start3A_625] : memref<4x8x100xi32, #tpu.memory_space<vmem>> -> memref<1x8x100xi32, #tpu.memory_space<vmem>>
        %dma_start3A_627 = tpu.memref_squeeze %dma_start3A_626 : memref<1x8x100xi32, #tpu.memory_space<vmem>> -> memref<8x100xi32, #tpu.memory_space<vmem>>
        %dma_start3A_628 = arith.constant 0 : i32
        %dma_start3A_629 = tpu.memref_slice %dma_start3A_627[%dma_start3A_614, %dma_start3A_628] : memref<8x100xi32, #tpu.memory_space<vmem>> -> memref<1x100xi32, #tpu.memory_space<vmem>>
        %dma_start3A_630 = tpu.memref_squeeze %dma_start3A_629 : memref<1x100xi32, #tpu.memory_space<vmem>> -> memref<100xi32, #tpu.memory_space<vmem>>
        %dma_start3A_631 = arith.constant 0 : i32
        %dma_start3A_632 = arith.constant 0 : i32
        %dma_start3A_633 = tpu.memref_slice %arg3[%dma_start3A_631, %dma_start3A_632] : memref<1000000x32xf32, #tpu.memory_space<hbm>> -> memref<1000000x32xf32, #tpu.memory_space<hbm>>
        %dma_start3A_634 = tpu.memref_slice %arg7[%dma_start3A_616] : memref<4x!tpu.dma_semaphore, #tpu.memory_space<semaphore_mem>> -> memref<1x!tpu.dma_semaphore, #tpu.memory_space<semaphore_mem>>
        %dma_start3A_635 = tpu.memref_squeeze %dma_start3A_634 : memref<1x!tpu.dma_semaphore, #tpu.memory_space<semaphore_mem>> -> memref<!tpu.dma_semaphore, #tpu.memory_space<semaphore_mem>>
        tpu.enqueue_indirect_dma source(%dma_start3A_633 : memref<1000000x32xf32, #tpu.memory_space<hbm>>) target(%dma_start3A_623 : memref<100x32xf32, #tpu.memory_space<vmem>>) offsets(%dma_start3A_630 : memref<100xi32, #tpu.memory_space<vmem>>) semaphore(%dma_start3A_635 : memref<!tpu.dma_semaphore, #tpu.memory_space<semaphore_mem>>)
        %dma_start3A_636 = arith.constant 1 : i32
        %dma_start3A_637 = arith.constant 6 : i32
        %dma_start3A_638 = arith.constant 1 : i32
        %dma_start3A_639 = arith.constant 1 : i32
        %dma_start3A_640 = arith.constant 0 : i32
        %dma_start3A_641 = arith.constant 0 : i32
        %dma_start3A_642 = tpu.memref_slice %arg6[%dma_start3A_638, %dma_start3A_640, %dma_start3A_641] : memref<4x800x32xf32, #tpu.memory_space<vmem>> -> memref<1x800x32xf32, #tpu.memory_space<vmem>>
        %dma_start3A_643 = tpu.memref_squeeze %dma_start3A_642 : memref<1x800x32xf32, #tpu.memory_space<vmem>> -> memref<800x32xf32, #tpu.memory_space<vmem>>
        %dma_start3A_644 = arith.constant 600 : i32
        %dma_start3A_645 = arith.constant 0 : i32
        %dma_start3A_646 = tpu.memref_slice %dma_start3A_643[%dma_start3A_644, %dma_start3A_645] : memref<800x32xf32, #tpu.memory_space<vmem>> -> memref<100x32xf32, #tpu.memory_space<vmem>>
        %dma_start3A_647 = arith.constant 0 : i32
        %dma_start3A_648 = arith.constant 0 : i32
        %dma_start3A_649 = tpu.memref_slice %arg5[%dma_start3A_636, %dma_start3A_647, %dma_start3A_648] : memref<4x8x100xi32, #tpu.memory_space<vmem>> -> memref<1x8x100xi32, #tpu.memory_space<vmem>>
        %dma_start3A_650 = tpu.memref_squeeze %dma_start3A_649 : memref<1x8x100xi32, #tpu.memory_space<vmem>> -> memref<8x100xi32, #tpu.memory_space<vmem>>
        %dma_start3A_651 = arith.constant 0 : i32
        %dma_start3A_652 = tpu.memref_slice %dma_start3A_650[%dma_start3A_637, %dma_start3A_651] : memref<8x100xi32, #tpu.memory_space<vmem>> -> memref<1x100xi32, #tpu.memory_space<vmem>>
        %dma_start3A_653 = tpu.memref_squeeze %dma_start3A_652 : memref<1x100xi32, #tpu.memory_space<vmem>> -> memref<100xi32, #tpu.memory_space<vmem>>
        %dma_start3A_654 = arith.constant 0 : i32
        %dma_start3A_655 = arith.constant 0 : i32
        %dma_start3A_656 = tpu.memref_slice %arg3[%dma_start3A_654, %dma_start3A_655] : memref<1000000x32xf32, #tpu.memory_space<hbm>> -> memref<1000000x32xf32, #tpu.memory_space<hbm>>
        %dma_start3A_657 = tpu.memref_slice %arg7[%dma_start3A_639] : memref<4x!tpu.dma_semaphore, #tpu.memory_space<semaphore_mem>> -> memref<1x!tpu.dma_semaphore, #tpu.memory_space<semaphore_mem>>
        %dma_start3A_658 = tpu.memref_squeeze %dma_start3A_657 : memref<1x!tpu.dma_semaphore, #tpu.memory_space<semaphore_mem>> -> memref<!tpu.dma_semaphore, #tpu.memory_space<semaphore_mem>>
        tpu.enqueue_indirect_dma source(%dma_start3A_656 : memref<1000000x32xf32, #tpu.memory_space<hbm>>) target(%dma_start3A_646 : memref<100x32xf32, #tpu.memory_space<vmem>>) offsets(%dma_start3A_653 : memref<100xi32, #tpu.memory_space<vmem>>) semaphore(%dma_start3A_658 : memref<!tpu.dma_semaphore, #tpu.memory_space<semaphore_mem>>)
        %dma_start3A_659 = arith.constant 1 : i32
        %dma_start3A_660 = arith.constant 7 : i32
        %dma_start3A_661 = arith.constant 1 : i32
        %dma_start3A_662 = arith.constant 1 : i32
        %dma_start3A_663 = arith.constant 0 : i32
        %dma_start3A_664 = arith.constant 0 : i32
        %dma_start3A_665 = tpu.memref_slice %arg6[%dma_start3A_661, %dma_start3A_663, %dma_start3A_664] : memref<4x800x32xf32, #tpu.memory_space<vmem>> -> memref<1x800x32xf32, #tpu.memory_space<vmem>>
        %dma_start3A_666 = tpu.memref_squeeze %dma_start3A_665 : memref<1x800x32xf32, #tpu.memory_space<vmem>> -> memref<800x32xf32, #tpu.memory_space<vmem>>
        %dma_start3A_667 = arith.constant 700 : i32
        %dma_start3A_668 = arith.constant 0 : i32
        %dma_start3A_669 = tpu.memref_slice %dma_start3A_666[%dma_start3A_667, %dma_start3A_668] : memref<800x32xf32, #tpu.memory_space<vmem>> -> memref<100x32xf32, #tpu.memory_space<vmem>>
        %dma_start3A_670 = arith.constant 0 : i32
        %dma_start3A_671 = arith.constant 0 : i32
        %dma_start3A_672 = tpu.memref_slice %arg5[%dma_start3A_659, %dma_start3A_670, %dma_start3A_671] : memref<4x8x100xi32, #tpu.memory_space<vmem>> -> memref<1x8x100xi32, #tpu.memory_space<vmem>>
        %dma_start3A_673 = tpu.memref_squeeze %dma_start3A_672 : memref<1x8x100xi32, #tpu.memory_space<vmem>> -> memref<8x100xi32, #tpu.memory_space<vmem>>
        %dma_start3A_674 = arith.constant 0 : i32
        %dma_start3A_675 = tpu.memref_slice %dma_start3A_673[%dma_start3A_660, %dma_start3A_674] : memref<8x100xi32, #tpu.memory_space<vmem>> -> memref<1x100xi32, #tpu.memory_space<vmem>>
        %dma_start3A_676 = tpu.memref_squeeze %dma_start3A_675 : memref<1x100xi32, #tpu.memory_space<vmem>> -> memref<100xi32, #tpu.memory_space<vmem>>
        %dma_start3A_677 = arith.constant 0 : i32
        %dma_start3A_678 = arith.constant 0 : i32
        %dma_start3A_679 = tpu.memref_slice %arg3[%dma_start3A_677, %dma_start3A_678] : memref<1000000x32xf32, #tpu.memory_space<hbm>> -> memref<1000000x32xf32, #tpu.memory_space<hbm>>
        %dma_start3A_680 = tpu.memref_slice %arg7[%dma_start3A_662] : memref<4x!tpu.dma_semaphore, #tpu.memory_space<semaphore_mem>> -> memref<1x!tpu.dma_semaphore, #tpu.memory_space<semaphore_mem>>
        %dma_start3A_681 = tpu.memref_squeeze %dma_start3A_680 : memref<1x!tpu.dma_semaphore, #tpu.memory_space<semaphore_mem>> -> memref<!tpu.dma_semaphore, #tpu.memory_space<semaphore_mem>>
        tpu.enqueue_indirect_dma source(%dma_start3A_679 : memref<1000000x32xf32, #tpu.memory_space<hbm>>) target(%dma_start3A_669 : memref<100x32xf32, #tpu.memory_space<vmem>>) offsets(%dma_start3A_676 : memref<100xi32, #tpu.memory_space<vmem>>) semaphore(%dma_start3A_681 : memref<!tpu.dma_semaphore, #tpu.memory_space<semaphore_mem>>)
      } else {
      }
      %dma_wait3A_279 = arith.constant 0 : i32
      %dma_wait3A_280 = arith.constant 0 : i32
      %dma_wait3A_281 = arith.constant 0 : i32
      %dma_wait3A_282 = arith.constant 0 : i32
      %dma_wait3A_283 = tpu.memref_slice %arg6[%dma_wait3A_279, %dma_wait3A_281, %dma_wait3A_282] : memref<4x800x32xf32, #tpu.memory_space<vmem>> -> memref<1x800x32xf32, #tpu.memory_space<vmem>>
      %dma_wait3A_284 = tpu.memref_squeeze %dma_wait3A_283 : memref<1x800x32xf32, #tpu.memory_space<vmem>> -> memref<800x32xf32, #tpu.memory_space<vmem>>
      %dma_wait3A_285 = arith.constant 0 : i32
      %dma_wait3A_286 = arith.constant 0 : i32
      %dma_wait3A_287 = tpu.memref_slice %arg4[%dma_wait3A_285, %dma_wait3A_286] : memref<3276800x32xf32, #tpu.memory_space<hbm>> -> memref<800x32xf32, #tpu.memory_space<hbm>>
      %dma_wait3A_288 = tpu.memref_slice %arg7[%dma_wait3A_280] : memref<4x!tpu.dma_semaphore, #tpu.memory_space<semaphore_mem>> -> memref<1x!tpu.dma_semaphore, #tpu.memory_space<semaphore_mem>>
      %dma_wait3A_289 = tpu.memref_squeeze %dma_wait3A_288 : memref<1x!tpu.dma_semaphore, #tpu.memory_space<semaphore_mem>> -> memref<!tpu.dma_semaphore, #tpu.memory_space<semaphore_mem>>
      %dma_wait3A_290 = arith.constant 0 : i32
      %dma_wait3A_291 = arith.constant 0 : i32
      %dma_wait3A_292 = tpu.memref_slice %arg6[%dma_wait3A_279, %dma_wait3A_290, %dma_wait3A_291] : memref<4x800x32xf32, #tpu.memory_space<vmem>> -> memref<1x800x32xf32, #tpu.memory_space<vmem>>
      %dma_wait3A_293 = tpu.memref_squeeze %dma_wait3A_292 : memref<1x800x32xf32, #tpu.memory_space<vmem>> -> memref<800x32xf32, #tpu.memory_space<vmem>>
      %dma_wait3A_294 = arith.constant 0 : i32
      %dma_wait3A_295 = arith.constant 0 : i32
      %dma_wait3A_296 = tpu.memref_slice %arg4[%dma_wait3A_294, %dma_wait3A_295] : memref<3276800x32xf32, #tpu.memory_space<hbm>> -> memref<800x32xf32, #tpu.memory_space<hbm>>
      tpu.wait_dma2 semaphore(%dma_wait3A_289 : memref<!tpu.dma_semaphore, #tpu.memory_space<semaphore_mem>>) src(%dma_wait3A_296 : memref<800x32xf32, #tpu.memory_space<hbm>>) dst(%dma_wait3A_293 : memref<800x32xf32, #tpu.memory_space<vmem>>)
      %mul3A_297 = arith.constant 102400 : i32
      %mul3A_298 = arith.muli %add3A, %mul3A_297 : i32
      %mul3A_299 = arith.constant 800 : i32
      %mul3A_300 = arith.muli %add3A_268, %mul3A_299 : i32
      %add3A_301 = arith.addi %mul3A_298, %mul3A_300 : i32
      %dma_start3A_302 = arith.constant 0 : i32
      %dma_start3A_303 = arith.constant 0 : i32
      %dma_start3A_304 = arith.constant 0 : i32
      %dma_start3A_305 = arith.constant 0 : i32
      %dma_start3A_306 = tpu.memref_slice %arg6[%dma_start3A_302, %dma_start3A_304, %dma_start3A_305] : memref<4x800x32xf32, #tpu.memory_space<vmem>> -> memref<1x800x32xf32, #tpu.memory_space<vmem>>
      %dma_start3A_307 = tpu.memref_squeeze %dma_start3A_306 : memref<1x800x32xf32, #tpu.memory_space<vmem>> -> memref<800x32xf32, #tpu.memory_space<vmem>>
      %dma_start3A_308 = arith.constant 0 : i32
      %dma_start3A_309 = tpu.memref_slice %arg4[%add3A_301, %dma_start3A_308] : memref<3276800x32xf32, #tpu.memory_space<hbm>> -> memref<800x32xf32, #tpu.memory_space<hbm>>
      %dma_start3A_310 = tpu.memref_slice %arg8[%dma_start3A_303] : memref<4x!tpu.dma_semaphore, #tpu.memory_space<semaphore_mem>> -> memref<1x!tpu.dma_semaphore, #tpu.memory_space<semaphore_mem>>
      %dma_start3A_311 = tpu.memref_squeeze %dma_start3A_310 : memref<1x!tpu.dma_semaphore, #tpu.memory_space<semaphore_mem>> -> memref<!tpu.dma_semaphore, #tpu.memory_space<semaphore_mem>>
      %dma_start3A_312 = arith.constant 0 : i32
      %dma_start3A_313 = tpu.memref_slice %arg4[%add3A_301, %dma_start3A_312] : memref<3276800x32xf32, #tpu.memory_space<hbm>> -> memref<800x32xf32, #tpu.memory_space<hbm>>
      %dma_start3A_314 = arith.constant 0 : i32
      %dma_start3A_315 = arith.constant 0 : i32
      %dma_start3A_316 = tpu.memref_slice %arg6[%dma_start3A_302, %dma_start3A_314, %dma_start3A_315] : memref<4x800x32xf32, #tpu.memory_space<vmem>> -> memref<1x800x32xf32, #tpu.memory_space<vmem>>
      %dma_start3A_317 = tpu.memref_squeeze %dma_start3A_316 : memref<1x800x32xf32, #tpu.memory_space<vmem>> -> memref<800x32xf32, #tpu.memory_space<vmem>>
      tpu.enqueue_dma source(%dma_start3A_317 : memref<800x32xf32, #tpu.memory_space<vmem>>) target(%dma_start3A_313 : memref<800x32xf32, #tpu.memory_space<hbm>>) target_semaphore(%dma_start3A_311 : memref<!tpu.dma_semaphore, #tpu.memory_space<semaphore_mem>>)
      %mul3A_318 = arith.constant 4 : i32
      %mul3A_319 = arith.muli %scan3A_264, %mul3A_318 : i32
      %add3A_320 = arith.constant 1 : i32
      %add3A_321 = arith.addi %mul3A_319, %add3A_320 : i32
      %add3A_322 = arith.constant 1 : i32
      %add3A_323 = arith.addi %add3A_321, %add3A_322 : i32
      %lt3A_324 = arith.constant 128 : i32
      %lt3A_325 = arith.cmpi slt, %add3A_323, %lt3A_324 : i32
      %ge3A_326 = arith.constant 4 : i32
      %ge3A_327 = arith.cmpi sge, %add3A_323, %ge3A_326 : i32
      %and3A_328 = arith.andi %lt3A_325, %ge3A_327 : i1
      %convert_element_type3A_329 = arith.extui %and3A_328 : i1 to i32
      %cond3A_330 = arith.constant 0 : i32
      %cond3A_331 = arith.cmpi ne, %convert_element_type3A_329, %cond3A_330 : i32
      scf.if %cond3A_331 {
        %dma_wait3A_492 = arith.constant 2 : i32
        %dma_wait3A_493 = arith.constant 2 : i32
        %dma_wait3A_494 = arith.constant 0 : i32
        %dma_wait3A_495 = arith.constant 0 : i32
        %dma_wait3A_496 = tpu.memref_slice %arg6[%dma_wait3A_492, %dma_wait3A_494, %dma_wait3A_495] : memref<4x800x32xf32, #tpu.memory_space<vmem>> -> memref<1x800x32xf32, #tpu.memory_space<vmem>>
        %dma_wait3A_497 = tpu.memref_squeeze %dma_wait3A_496 : memref<1x800x32xf32, #tpu.memory_space<vmem>> -> memref<800x32xf32, #tpu.memory_space<vmem>>
        %dma_wait3A_498 = arith.constant 0 : i32
        %dma_wait3A_499 = arith.constant 0 : i32
        %dma_wait3A_500 = tpu.memref_slice %arg4[%dma_wait3A_498, %dma_wait3A_499] : memref<3276800x32xf32, #tpu.memory_space<hbm>> -> memref<800x32xf32, #tpu.memory_space<hbm>>
        %dma_wait3A_501 = tpu.memref_slice %arg8[%dma_wait3A_493] : memref<4x!tpu.dma_semaphore, #tpu.memory_space<semaphore_mem>> -> memref<1x!tpu.dma_semaphore, #tpu.memory_space<semaphore_mem>>
        %dma_wait3A_502 = tpu.memref_squeeze %dma_wait3A_501 : memref<1x!tpu.dma_semaphore, #tpu.memory_space<semaphore_mem>> -> memref<!tpu.dma_semaphore, #tpu.memory_space<semaphore_mem>>
        %dma_wait3A_503 = arith.constant 0 : i32
        %dma_wait3A_504 = arith.constant 0 : i32
        %dma_wait3A_505 = tpu.memref_slice %arg4[%dma_wait3A_503, %dma_wait3A_504] : memref<3276800x32xf32, #tpu.memory_space<hbm>> -> memref<800x32xf32, #tpu.memory_space<hbm>>
        %dma_wait3A_506 = arith.constant 0 : i32
        %dma_wait3A_507 = arith.constant 0 : i32
        %dma_wait3A_508 = tpu.memref_slice %arg6[%dma_wait3A_492, %dma_wait3A_506, %dma_wait3A_507] : memref<4x800x32xf32, #tpu.memory_space<vmem>> -> memref<1x800x32xf32, #tpu.memory_space<vmem>>
        %dma_wait3A_509 = tpu.memref_squeeze %dma_wait3A_508 : memref<1x800x32xf32, #tpu.memory_space<vmem>> -> memref<800x32xf32, #tpu.memory_space<vmem>>
        tpu.wait_dma2 semaphore(%dma_wait3A_502 : memref<!tpu.dma_semaphore, #tpu.memory_space<semaphore_mem>>) src(%dma_wait3A_509 : memref<800x32xf32, #tpu.memory_space<vmem>>) dst(%dma_wait3A_505 : memref<800x32xf32, #tpu.memory_space<hbm>>)
      } else {
      }
      %lt3A_332 = arith.constant 128 : i32
      %lt3A_333 = arith.cmpi slt, %add3A_323, %lt3A_332 : i32
      %convert_element_type3A_334 = arith.extui %lt3A_333 : i1 to i32
      %cond3A_335 = arith.constant 0 : i32
      %cond3A_336 = arith.cmpi ne, %convert_element_type3A_334, %cond3A_335 : i32
      scf.if %cond3A_336 {
        %mul3A_492 = arith.constant 1024 : i32
        %mul3A_493 = arith.muli %add3A, %mul3A_492 : i32
        %mul3A_494 = arith.constant 8 : i32
        %mul3A_495 = arith.muli %add3A_323, %mul3A_494 : i32
        %add3A_496 = arith.addi %mul3A_493, %mul3A_495 : i32
        %run_scoped3A_497 = arith.constant 2 : i32
        "tpu.region"() ({
          %run_scoped3A_682 = tpu.sem_alloc : memref<!tpu.dma_semaphore, #tpu.memory_space<semaphore_mem>>
          %dma_start3A_683 = arith.constant 0 : i32
          %dma_start3A_684 = arith.constant 0 : i32
          %dma_start3A_685 = tpu.memref_slice %arg5[%run_scoped3A_497, %dma_start3A_683, %dma_start3A_684] : memref<4x8x100xi32, #tpu.memory_space<vmem>> -> memref<1x8x100xi32, #tpu.memory_space<vmem>>
          %dma_start3A_686 = tpu.memref_squeeze %dma_start3A_685 : memref<1x8x100xi32, #tpu.memory_space<vmem>> -> memref<8x100xi32, #tpu.memory_space<vmem>>
          %dma_start3A_687 = arith.constant 0 : i32
          %dma_start3A_688 = tpu.memref_slice %arg2[%add3A_496, %dma_start3A_687] : memref<32768x100xi32, #tpu.memory_space<hbm>> -> memref<8x100xi32, #tpu.memory_space<hbm>>
          %dma_start3A_689 = arith.constant 0 : i32
          %dma_start3A_690 = arith.constant 0 : i32
          %dma_start3A_691 = tpu.memref_slice %arg5[%run_scoped3A_497, %dma_start3A_689, %dma_start3A_690] : memref<4x8x100xi32, #tpu.memory_space<vmem>> -> memref<1x8x100xi32, #tpu.memory_space<vmem>>
          %dma_start3A_692 = tpu.memref_squeeze %dma_start3A_691 : memref<1x8x100xi32, #tpu.memory_space<vmem>> -> memref<8x100xi32, #tpu.memory_space<vmem>>
          %dma_start3A_693 = arith.constant 0 : i32
          %dma_start3A_694 = tpu.memref_slice %arg2[%add3A_496, %dma_start3A_693] : memref<32768x100xi32, #tpu.memory_space<hbm>> -> memref<8x100xi32, #tpu.memory_space<hbm>>
          tpu.enqueue_dma source(%dma_start3A_694 : memref<8x100xi32, #tpu.memory_space<hbm>>) target(%dma_start3A_692 : memref<8x100xi32, #tpu.memory_space<vmem>>) target_semaphore(%run_scoped3A_682 : memref<!tpu.dma_semaphore, #tpu.memory_space<semaphore_mem>>)
          %dma_wait3A_695 = arith.constant 0 : i32
          %dma_wait3A_696 = arith.constant 0 : i32
          %dma_wait3A_697 = tpu.memref_slice %arg5[%run_scoped3A_497, %dma_wait3A_695, %dma_wait3A_696] : memref<4x8x100xi32, #tpu.memory_space<vmem>> -> memref<1x8x100xi32, #tpu.memory_space<vmem>>
          %dma_wait3A_698 = tpu.memref_squeeze %dma_wait3A_697 : memref<1x8x100xi32, #tpu.memory_space<vmem>> -> memref<8x100xi32, #tpu.memory_space<vmem>>
          %dma_wait3A_699 = arith.constant 0 : i32
          %dma_wait3A_700 = tpu.memref_slice %arg2[%add3A_496, %dma_wait3A_699] : memref<32768x100xi32, #tpu.memory_space<hbm>> -> memref<8x100xi32, #tpu.memory_space<hbm>>
          %dma_wait3A_701 = arith.constant 0 : i32
          %dma_wait3A_702 = arith.constant 0 : i32
          %dma_wait3A_703 = tpu.memref_slice %arg5[%run_scoped3A_497, %dma_wait3A_701, %dma_wait3A_702] : memref<4x8x100xi32, #tpu.memory_space<vmem>> -> memref<1x8x100xi32, #tpu.memory_space<vmem>>
          %dma_wait3A_704 = tpu.memref_squeeze %dma_wait3A_703 : memref<1x8x100xi32, #tpu.memory_space<vmem>> -> memref<8x100xi32, #tpu.memory_space<vmem>>
          %dma_wait3A_705 = arith.constant 0 : i32
          %dma_wait3A_706 = tpu.memref_slice %arg2[%add3A_496, %dma_wait3A_705] : memref<32768x100xi32, #tpu.memory_space<hbm>> -> memref<8x100xi32, #tpu.memory_space<hbm>>
          tpu.wait_dma2 semaphore(%run_scoped3A_682 : memref<!tpu.dma_semaphore, #tpu.memory_space<semaphore_mem>>) src(%dma_wait3A_706 : memref<8x100xi32, #tpu.memory_space<hbm>>) dst(%dma_wait3A_704 : memref<8x100xi32, #tpu.memory_space<vmem>>)
          tpu.yield
        }) : () -> ()
        %dma_start3A_498 = arith.constant 2 : i32
        %dma_start3A_499 = arith.constant 0 : i32
        %dma_start3A_500 = arith.constant 2 : i32
        %dma_start3A_501 = arith.constant 2 : i32
        %dma_start3A_502 = arith.constant 0 : i32
        %dma_start3A_503 = arith.constant 0 : i32
        %dma_start3A_504 = tpu.memref_slice %arg6[%dma_start3A_500, %dma_start3A_502, %dma_start3A_503] : memref<4x800x32xf32, #tpu.memory_space<vmem>> -> memref<1x800x32xf32, #tpu.memory_space<vmem>>
        %dma_start3A_505 = tpu.memref_squeeze %dma_start3A_504 : memref<1x800x32xf32, #tpu.memory_space<vmem>> -> memref<800x32xf32, #tpu.memory_space<vmem>>
        %dma_start3A_506 = arith.constant 0 : i32
        %dma_start3A_507 = arith.constant 0 : i32
        %dma_start3A_508 = tpu.memref_slice %dma_start3A_505[%dma_start3A_506, %dma_start3A_507] : memref<800x32xf32, #tpu.memory_space<vmem>> -> memref<100x32xf32, #tpu.memory_space<vmem>>
        %dma_start3A_509 = arith.constant 0 : i32
        %dma_start3A_510 = arith.constant 0 : i32
        %dma_start3A_511 = tpu.memref_slice %arg5[%dma_start3A_498, %dma_start3A_509, %dma_start3A_510] : memref<4x8x100xi32, #tpu.memory_space<vmem>> -> memref<1x8x100xi32, #tpu.memory_space<vmem>>
        %dma_start3A_512 = tpu.memref_squeeze %dma_start3A_511 : memref<1x8x100xi32, #tpu.memory_space<vmem>> -> memref<8x100xi32, #tpu.memory_space<vmem>>
        %dma_start3A_513 = arith.constant 0 : i32
        %dma_start3A_514 = tpu.memref_slice %dma_start3A_512[%dma_start3A_499, %dma_start3A_513] : memref<8x100xi32, #tpu.memory_space<vmem>> -> memref<1x100xi32, #tpu.memory_space<vmem>>
        %dma_start3A_515 = tpu.memref_squeeze %dma_start3A_514 : memref<1x100xi32, #tpu.memory_space<vmem>> -> memref<100xi32, #tpu.memory_space<vmem>>
        %dma_start3A_516 = arith.constant 0 : i32
        %dma_start3A_517 = arith.constant 0 : i32
        %dma_start3A_518 = tpu.memref_slice %arg3[%dma_start3A_516, %dma_start3A_517] : memref<1000000x32xf32, #tpu.memory_space<hbm>> -> memref<1000000x32xf32, #tpu.memory_space<hbm>>
        %dma_start3A_519 = tpu.memref_slice %arg7[%dma_start3A_501] : memref<4x!tpu.dma_semaphore, #tpu.memory_space<semaphore_mem>> -> memref<1x!tpu.dma_semaphore, #tpu.memory_space<semaphore_mem>>
        %dma_start3A_520 = tpu.memref_squeeze %dma_start3A_519 : memref<1x!tpu.dma_semaphore, #tpu.memory_space<semaphore_mem>> -> memref<!tpu.dma_semaphore, #tpu.memory_space<semaphore_mem>>
        tpu.enqueue_indirect_dma source(%dma_start3A_518 : memref<1000000x32xf32, #tpu.memory_space<hbm>>) target(%dma_start3A_508 : memref<100x32xf32, #tpu.memory_space<vmem>>) offsets(%dma_start3A_515 : memref<100xi32, #tpu.memory_space<vmem>>) semaphore(%dma_start3A_520 : memref<!tpu.dma_semaphore, #tpu.memory_space<semaphore_mem>>)
        %dma_start3A_521 = arith.constant 2 : i32
        %dma_start3A_522 = arith.constant 1 : i32
        %dma_start3A_523 = arith.constant 2 : i32
        %dma_start3A_524 = arith.constant 2 : i32
        %dma_start3A_525 = arith.constant 0 : i32
        %dma_start3A_526 = arith.constant 0 : i32
        %dma_start3A_527 = tpu.memref_slice %arg6[%dma_start3A_523, %dma_start3A_525, %dma_start3A_526] : memref<4x800x32xf32, #tpu.memory_space<vmem>> -> memref<1x800x32xf32, #tpu.memory_space<vmem>>
        %dma_start3A_528 = tpu.memref_squeeze %dma_start3A_527 : memref<1x800x32xf32, #tpu.memory_space<vmem>> -> memref<800x32xf32, #tpu.memory_space<vmem>>
        %dma_start3A_529 = arith.constant 100 : i32
        %dma_start3A_530 = arith.constant 0 : i32
        %dma_start3A_531 = tpu.memref_slice %dma_start3A_528[%dma_start3A_529, %dma_start3A_530] : memref<800x32xf32, #tpu.memory_space<vmem>> -> memref<100x32xf32, #tpu.memory_space<vmem>>
        %dma_start3A_532 = arith.constant 0 : i32
        %dma_start3A_533 = arith.constant 0 : i32
        %dma_start3A_534 = tpu.memref_slice %arg5[%dma_start3A_521, %dma_start3A_532, %dma_start3A_533] : memref<4x8x100xi32, #tpu.memory_space<vmem>> -> memref<1x8x100xi32, #tpu.memory_space<vmem>>
        %dma_start3A_535 = tpu.memref_squeeze %dma_start3A_534 : memref<1x8x100xi32, #tpu.memory_space<vmem>> -> memref<8x100xi32, #tpu.memory_space<vmem>>
        %dma_start3A_536 = arith.constant 0 : i32
        %dma_start3A_537 = tpu.memref_slice %dma_start3A_535[%dma_start3A_522, %dma_start3A_536] : memref<8x100xi32, #tpu.memory_space<vmem>> -> memref<1x100xi32, #tpu.memory_space<vmem>>
        %dma_start3A_538 = tpu.memref_squeeze %dma_start3A_537 : memref<1x100xi32, #tpu.memory_space<vmem>> -> memref<100xi32, #tpu.memory_space<vmem>>
        %dma_start3A_539 = arith.constant 0 : i32
        %dma_start3A_540 = arith.constant 0 : i32
        %dma_start3A_541 = tpu.memref_slice %arg3[%dma_start3A_539, %dma_start3A_540] : memref<1000000x32xf32, #tpu.memory_space<hbm>> -> memref<1000000x32xf32, #tpu.memory_space<hbm>>
        %dma_start3A_542 = tpu.memref_slice %arg7[%dma_start3A_524] : memref<4x!tpu.dma_semaphore, #tpu.memory_space<semaphore_mem>> -> memref<1x!tpu.dma_semaphore, #tpu.memory_space<semaphore_mem>>
        %dma_start3A_543 = tpu.memref_squeeze %dma_start3A_542 : memref<1x!tpu.dma_semaphore, #tpu.memory_space<semaphore_mem>> -> memref<!tpu.dma_semaphore, #tpu.memory_space<semaphore_mem>>
        tpu.enqueue_indirect_dma source(%dma_start3A_541 : memref<1000000x32xf32, #tpu.memory_space<hbm>>) target(%dma_start3A_531 : memref<100x32xf32, #tpu.memory_space<vmem>>) offsets(%dma_start3A_538 : memref<100xi32, #tpu.memory_space<vmem>>) semaphore(%dma_start3A_543 : memref<!tpu.dma_semaphore, #tpu.memory_space<semaphore_mem>>)
        %dma_start3A_544 = arith.constant 2 : i32
        %dma_start3A_545 = arith.constant 2 : i32
        %dma_start3A_546 = arith.constant 2 : i32
        %dma_start3A_547 = arith.constant 2 : i32
        %dma_start3A_548 = arith.constant 0 : i32
        %dma_start3A_549 = arith.constant 0 : i32
        %dma_start3A_550 = tpu.memref_slice %arg6[%dma_start3A_546, %dma_start3A_548, %dma_start3A_549] : memref<4x800x32xf32, #tpu.memory_space<vmem>> -> memref<1x800x32xf32, #tpu.memory_space<vmem>>
        %dma_start3A_551 = tpu.memref_squeeze %dma_start3A_550 : memref<1x800x32xf32, #tpu.memory_space<vmem>> -> memref<800x32xf32, #tpu.memory_space<vmem>>
        %dma_start3A_552 = arith.constant 200 : i32
        %dma_start3A_553 = arith.constant 0 : i32
        %dma_start3A_554 = tpu.memref_slice %dma_start3A_551[%dma_start3A_552, %dma_start3A_553] : memref<800x32xf32, #tpu.memory_space<vmem>> -> memref<100x32xf32, #tpu.memory_space<vmem>>
        %dma_start3A_555 = arith.constant 0 : i32
        %dma_start3A_556 = arith.constant 0 : i32
        %dma_start3A_557 = tpu.memref_slice %arg5[%dma_start3A_544, %dma_start3A_555, %dma_start3A_556] : memref<4x8x100xi32, #tpu.memory_space<vmem>> -> memref<1x8x100xi32, #tpu.memory_space<vmem>>
        %dma_start3A_558 = tpu.memref_squeeze %dma_start3A_557 : memref<1x8x100xi32, #tpu.memory_space<vmem>> -> memref<8x100xi32, #tpu.memory_space<vmem>>
        %dma_start3A_559 = arith.constant 0 : i32
        %dma_start3A_560 = tpu.memref_slice %dma_start3A_558[%dma_start3A_545, %dma_start3A_559] : memref<8x100xi32, #tpu.memory_space<vmem>> -> memref<1x100xi32, #tpu.memory_space<vmem>>
        %dma_start3A_561 = tpu.memref_squeeze %dma_start3A_560 : memref<1x100xi32, #tpu.memory_space<vmem>> -> memref<100xi32, #tpu.memory_space<vmem>>
        %dma_start3A_562 = arith.constant 0 : i32
        %dma_start3A_563 = arith.constant 0 : i32
        %dma_start3A_564 = tpu.memref_slice %arg3[%dma_start3A_562, %dma_start3A_563] : memref<1000000x32xf32, #tpu.memory_space<hbm>> -> memref<1000000x32xf32, #tpu.memory_space<hbm>>
        %dma_start3A_565 = tpu.memref_slice %arg7[%dma_start3A_547] : memref<4x!tpu.dma_semaphore, #tpu.memory_space<semaphore_mem>> -> memref<1x!tpu.dma_semaphore, #tpu.memory_space<semaphore_mem>>
        %dma_start3A_566 = tpu.memref_squeeze %dma_start3A_565 : memref<1x!tpu.dma_semaphore, #tpu.memory_space<semaphore_mem>> -> memref<!tpu.dma_semaphore, #tpu.memory_space<semaphore_mem>>
        tpu.enqueue_indirect_dma source(%dma_start3A_564 : memref<1000000x32xf32, #tpu.memory_space<hbm>>) target(%dma_start3A_554 : memref<100x32xf32, #tpu.memory_space<vmem>>) offsets(%dma_start3A_561 : memref<100xi32, #tpu.memory_space<vmem>>) semaphore(%dma_start3A_566 : memref<!tpu.dma_semaphore, #tpu.memory_space<semaphore_mem>>)
        %dma_start3A_567 = arith.constant 2 : i32
        %dma_start3A_568 = arith.constant 3 : i32
        %dma_start3A_569 = arith.constant 2 : i32
        %dma_start3A_570 = arith.constant 2 : i32
        %dma_start3A_571 = arith.constant 0 : i32
        %dma_start3A_572 = arith.constant 0 : i32
        %dma_start3A_573 = tpu.memref_slice %arg6[%dma_start3A_569, %dma_start3A_571, %dma_start3A_572] : memref<4x800x32xf32, #tpu.memory_space<vmem>> -> memref<1x800x32xf32, #tpu.memory_space<vmem>>
        %dma_start3A_574 = tpu.memref_squeeze %dma_start3A_573 : memref<1x800x32xf32, #tpu.memory_space<vmem>> -> memref<800x32xf32, #tpu.memory_space<vmem>>
        %dma_start3A_575 = arith.constant 300 : i32
        %dma_start3A_576 = arith.constant 0 : i32
        %dma_start3A_577 = tpu.memref_slice %dma_start3A_574[%dma_start3A_575, %dma_start3A_576] : memref<800x32xf32, #tpu.memory_space<vmem>> -> memref<100x32xf32, #tpu.memory_space<vmem>>
        %dma_start3A_578 = arith.constant 0 : i32
        %dma_start3A_579 = arith.constant 0 : i32
        %dma_start3A_580 = tpu.memref_slice %arg5[%dma_start3A_567, %dma_start3A_578, %dma_start3A_579] : memref<4x8x100xi32, #tpu.memory_space<vmem>> -> memref<1x8x100xi32, #tpu.memory_space<vmem>>
        %dma_start3A_581 = tpu.memref_squeeze %dma_start3A_580 : memref<1x8x100xi32, #tpu.memory_space<vmem>> -> memref<8x100xi32, #tpu.memory_space<vmem>>
        %dma_start3A_582 = arith.constant 0 : i32
        %dma_start3A_583 = tpu.memref_slice %dma_start3A_581[%dma_start3A_568, %dma_start3A_582] : memref<8x100xi32, #tpu.memory_space<vmem>> -> memref<1x100xi32, #tpu.memory_space<vmem>>
        %dma_start3A_584 = tpu.memref_squeeze %dma_start3A_583 : memref<1x100xi32, #tpu.memory_space<vmem>> -> memref<100xi32, #tpu.memory_space<vmem>>
        %dma_start3A_585 = arith.constant 0 : i32
        %dma_start3A_586 = arith.constant 0 : i32
        %dma_start3A_587 = tpu.memref_slice %arg3[%dma_start3A_585, %dma_start3A_586] : memref<1000000x32xf32, #tpu.memory_space<hbm>> -> memref<1000000x32xf32, #tpu.memory_space<hbm>>
        %dma_start3A_588 = tpu.memref_slice %arg7[%dma_start3A_570] : memref<4x!tpu.dma_semaphore, #tpu.memory_space<semaphore_mem>> -> memref<1x!tpu.dma_semaphore, #tpu.memory_space<semaphore_mem>>
        %dma_start3A_589 = tpu.memref_squeeze %dma_start3A_588 : memref<1x!tpu.dma_semaphore, #tpu.memory_space<semaphore_mem>> -> memref<!tpu.dma_semaphore, #tpu.memory_space<semaphore_mem>>
        tpu.enqueue_indirect_dma source(%dma_start3A_587 : memref<1000000x32xf32, #tpu.memory_space<hbm>>) target(%dma_start3A_577 : memref<100x32xf32, #tpu.memory_space<vmem>>) offsets(%dma_start3A_584 : memref<100xi32, #tpu.memory_space<vmem>>) semaphore(%dma_start3A_589 : memref<!tpu.dma_semaphore, #tpu.memory_space<semaphore_mem>>)
        %dma_start3A_590 = arith.constant 2 : i32
        %dma_start3A_591 = arith.constant 4 : i32
        %dma_start3A_592 = arith.constant 2 : i32
        %dma_start3A_593 = arith.constant 2 : i32
        %dma_start3A_594 = arith.constant 0 : i32
        %dma_start3A_595 = arith.constant 0 : i32
        %dma_start3A_596 = tpu.memref_slice %arg6[%dma_start3A_592, %dma_start3A_594, %dma_start3A_595] : memref<4x800x32xf32, #tpu.memory_space<vmem>> -> memref<1x800x32xf32, #tpu.memory_space<vmem>>
        %dma_start3A_597 = tpu.memref_squeeze %dma_start3A_596 : memref<1x800x32xf32, #tpu.memory_space<vmem>> -> memref<800x32xf32, #tpu.memory_space<vmem>>
        %dma_start3A_598 = arith.constant 400 : i32
        %dma_start3A_599 = arith.constant 0 : i32
        %dma_start3A_600 = tpu.memref_slice %dma_start3A_597[%dma_start3A_598, %dma_start3A_599] : memref<800x32xf32, #tpu.memory_space<vmem>> -> memref<100x32xf32, #tpu.memory_space<vmem>>
        %dma_start3A_601 = arith.constant 0 : i32
        %dma_start3A_602 = arith.constant 0 : i32
        %dma_start3A_603 = tpu.memref_slice %arg5[%dma_start3A_590, %dma_start3A_601, %dma_start3A_602] : memref<4x8x100xi32, #tpu.memory_space<vmem>> -> memref<1x8x100xi32, #tpu.memory_space<vmem>>
        %dma_start3A_604 = tpu.memref_squeeze %dma_start3A_603 : memref<1x8x100xi32, #tpu.memory_space<vmem>> -> memref<8x100xi32, #tpu.memory_space<vmem>>
        %dma_start3A_605 = arith.constant 0 : i32
        %dma_start3A_606 = tpu.memref_slice %dma_start3A_604[%dma_start3A_591, %dma_start3A_605] : memref<8x100xi32, #tpu.memory_space<vmem>> -> memref<1x100xi32, #tpu.memory_space<vmem>>
        %dma_start3A_607 = tpu.memref_squeeze %dma_start3A_606 : memref<1x100xi32, #tpu.memory_space<vmem>> -> memref<100xi32, #tpu.memory_space<vmem>>
        %dma_start3A_608 = arith.constant 0 : i32
        %dma_start3A_609 = arith.constant 0 : i32
        %dma_start3A_610 = tpu.memref_slice %arg3[%dma_start3A_608, %dma_start3A_609] : memref<1000000x32xf32, #tpu.memory_space<hbm>> -> memref<1000000x32xf32, #tpu.memory_space<hbm>>
        %dma_start3A_611 = tpu.memref_slice %arg7[%dma_start3A_593] : memref<4x!tpu.dma_semaphore, #tpu.memory_space<semaphore_mem>> -> memref<1x!tpu.dma_semaphore, #tpu.memory_space<semaphore_mem>>
        %dma_start3A_612 = tpu.memref_squeeze %dma_start3A_611 : memref<1x!tpu.dma_semaphore, #tpu.memory_space<semaphore_mem>> -> memref<!tpu.dma_semaphore, #tpu.memory_space<semaphore_mem>>
        tpu.enqueue_indirect_dma source(%dma_start3A_610 : memref<1000000x32xf32, #tpu.memory_space<hbm>>) target(%dma_start3A_600 : memref<100x32xf32, #tpu.memory_space<vmem>>) offsets(%dma_start3A_607 : memref<100xi32, #tpu.memory_space<vmem>>) semaphore(%dma_start3A_612 : memref<!tpu.dma_semaphore, #tpu.memory_space<semaphore_mem>>)
        %dma_start3A_613 = arith.constant 2 : i32
        %dma_start3A_614 = arith.constant 5 : i32
        %dma_start3A_615 = arith.constant 2 : i32
        %dma_start3A_616 = arith.constant 2 : i32
        %dma_start3A_617 = arith.constant 0 : i32
        %dma_start3A_618 = arith.constant 0 : i32
        %dma_start3A_619 = tpu.memref_slice %arg6[%dma_start3A_615, %dma_start3A_617, %dma_start3A_618] : memref<4x800x32xf32, #tpu.memory_space<vmem>> -> memref<1x800x32xf32, #tpu.memory_space<vmem>>
        %dma_start3A_620 = tpu.memref_squeeze %dma_start3A_619 : memref<1x800x32xf32, #tpu.memory_space<vmem>> -> memref<800x32xf32, #tpu.memory_space<vmem>>
        %dma_start3A_621 = arith.constant 500 : i32
        %dma_start3A_622 = arith.constant 0 : i32
        %dma_start3A_623 = tpu.memref_slice %dma_start3A_620[%dma_start3A_621, %dma_start3A_622] : memref<800x32xf32, #tpu.memory_space<vmem>> -> memref<100x32xf32, #tpu.memory_space<vmem>>
        %dma_start3A_624 = arith.constant 0 : i32
        %dma_start3A_625 = arith.constant 0 : i32
        %dma_start3A_626 = tpu.memref_slice %arg5[%dma_start3A_613, %dma_start3A_624, %dma_start3A_625] : memref<4x8x100xi32, #tpu.memory_space<vmem>> -> memref<1x8x100xi32, #tpu.memory_space<vmem>>
        %dma_start3A_627 = tpu.memref_squeeze %dma_start3A_626 : memref<1x8x100xi32, #tpu.memory_space<vmem>> -> memref<8x100xi32, #tpu.memory_space<vmem>>
        %dma_start3A_628 = arith.constant 0 : i32
        %dma_start3A_629 = tpu.memref_slice %dma_start3A_627[%dma_start3A_614, %dma_start3A_628] : memref<8x100xi32, #tpu.memory_space<vmem>> -> memref<1x100xi32, #tpu.memory_space<vmem>>
        %dma_start3A_630 = tpu.memref_squeeze %dma_start3A_629 : memref<1x100xi32, #tpu.memory_space<vmem>> -> memref<100xi32, #tpu.memory_space<vmem>>
        %dma_start3A_631 = arith.constant 0 : i32
        %dma_start3A_632 = arith.constant 0 : i32
        %dma_start3A_633 = tpu.memref_slice %arg3[%dma_start3A_631, %dma_start3A_632] : memref<1000000x32xf32, #tpu.memory_space<hbm>> -> memref<1000000x32xf32, #tpu.memory_space<hbm>>
        %dma_start3A_634 = tpu.memref_slice %arg7[%dma_start3A_616] : memref<4x!tpu.dma_semaphore, #tpu.memory_space<semaphore_mem>> -> memref<1x!tpu.dma_semaphore, #tpu.memory_space<semaphore_mem>>
        %dma_start3A_635 = tpu.memref_squeeze %dma_start3A_634 : memref<1x!tpu.dma_semaphore, #tpu.memory_space<semaphore_mem>> -> memref<!tpu.dma_semaphore, #tpu.memory_space<semaphore_mem>>
        tpu.enqueue_indirect_dma source(%dma_start3A_633 : memref<1000000x32xf32, #tpu.memory_space<hbm>>) target(%dma_start3A_623 : memref<100x32xf32, #tpu.memory_space<vmem>>) offsets(%dma_start3A_630 : memref<100xi32, #tpu.memory_space<vmem>>) semaphore(%dma_start3A_635 : memref<!tpu.dma_semaphore, #tpu.memory_space<semaphore_mem>>)
        %dma_start3A_636 = arith.constant 2 : i32
        %dma_start3A_637 = arith.constant 6 : i32
        %dma_start3A_638 = arith.constant 2 : i32
        %dma_start3A_639 = arith.constant 2 : i32
        %dma_start3A_640 = arith.constant 0 : i32
        %dma_start3A_641 = arith.constant 0 : i32
        %dma_start3A_642 = tpu.memref_slice %arg6[%dma_start3A_638, %dma_start3A_640, %dma_start3A_641] : memref<4x800x32xf32, #tpu.memory_space<vmem>> -> memref<1x800x32xf32, #tpu.memory_space<vmem>>
        %dma_start3A_643 = tpu.memref_squeeze %dma_start3A_642 : memref<1x800x32xf32, #tpu.memory_space<vmem>> -> memref<800x32xf32, #tpu.memory_space<vmem>>
        %dma_start3A_644 = arith.constant 600 : i32
        %dma_start3A_645 = arith.constant 0 : i32
        %dma_start3A_646 = tpu.memref_slice %dma_start3A_643[%dma_start3A_644, %dma_start3A_645] : memref<800x32xf32, #tpu.memory_space<vmem>> -> memref<100x32xf32, #tpu.memory_space<vmem>>
        %dma_start3A_647 = arith.constant 0 : i32
        %dma_start3A_648 = arith.constant 0 : i32
        %dma_start3A_649 = tpu.memref_slice %arg5[%dma_start3A_636, %dma_start3A_647, %dma_start3A_648] : memref<4x8x100xi32, #tpu.memory_space<vmem>> -> memref<1x8x100xi32, #tpu.memory_space<vmem>>
        %dma_start3A_650 = tpu.memref_squeeze %dma_start3A_649 : memref<1x8x100xi32, #tpu.memory_space<vmem>> -> memref<8x100xi32, #tpu.memory_space<vmem>>
        %dma_start3A_651 = arith.constant 0 : i32
        %dma_start3A_652 = tpu.memref_slice %dma_start3A_650[%dma_start3A_637, %dma_start3A_651] : memref<8x100xi32, #tpu.memory_space<vmem>> -> memref<1x100xi32, #tpu.memory_space<vmem>>
        %dma_start3A_653 = tpu.memref_squeeze %dma_start3A_652 : memref<1x100xi32, #tpu.memory_space<vmem>> -> memref<100xi32, #tpu.memory_space<vmem>>
        %dma_start3A_654 = arith.constant 0 : i32
        %dma_start3A_655 = arith.constant 0 : i32
        %dma_start3A_656 = tpu.memref_slice %arg3[%dma_start3A_654, %dma_start3A_655] : memref<1000000x32xf32, #tpu.memory_space<hbm>> -> memref<1000000x32xf32, #tpu.memory_space<hbm>>
        %dma_start3A_657 = tpu.memref_slice %arg7[%dma_start3A_639] : memref<4x!tpu.dma_semaphore, #tpu.memory_space<semaphore_mem>> -> memref<1x!tpu.dma_semaphore, #tpu.memory_space<semaphore_mem>>
        %dma_start3A_658 = tpu.memref_squeeze %dma_start3A_657 : memref<1x!tpu.dma_semaphore, #tpu.memory_space<semaphore_mem>> -> memref<!tpu.dma_semaphore, #tpu.memory_space<semaphore_mem>>
        tpu.enqueue_indirect_dma source(%dma_start3A_656 : memref<1000000x32xf32, #tpu.memory_space<hbm>>) target(%dma_start3A_646 : memref<100x32xf32, #tpu.memory_space<vmem>>) offsets(%dma_start3A_653 : memref<100xi32, #tpu.memory_space<vmem>>) semaphore(%dma_start3A_658 : memref<!tpu.dma_semaphore, #tpu.memory_space<semaphore_mem>>)
        %dma_start3A_659 = arith.constant 2 : i32
        %dma_start3A_660 = arith.constant 7 : i32
        %dma_start3A_661 = arith.constant 2 : i32
        %dma_start3A_662 = arith.constant 2 : i32
        %dma_start3A_663 = arith.constant 0 : i32
        %dma_start3A_664 = arith.constant 0 : i32
        %dma_start3A_665 = tpu.memref_slice %arg6[%dma_start3A_661, %dma_start3A_663, %dma_start3A_664] : memref<4x800x32xf32, #tpu.memory_space<vmem>> -> memref<1x800x32xf32, #tpu.memory_space<vmem>>
        %dma_start3A_666 = tpu.memref_squeeze %dma_start3A_665 : memref<1x800x32xf32, #tpu.memory_space<vmem>> -> memref<800x32xf32, #tpu.memory_space<vmem>>
        %dma_start3A_667 = arith.constant 700 : i32
        %dma_start3A_668 = arith.constant 0 : i32
        %dma_start3A_669 = tpu.memref_slice %dma_start3A_666[%dma_start3A_667, %dma_start3A_668] : memref<800x32xf32, #tpu.memory_space<vmem>> -> memref<100x32xf32, #tpu.memory_space<vmem>>
        %dma_start3A_670 = arith.constant 0 : i32
        %dma_start3A_671 = arith.constant 0 : i32
        %dma_start3A_672 = tpu.memref_slice %arg5[%dma_start3A_659, %dma_start3A_670, %dma_start3A_671] : memref<4x8x100xi32, #tpu.memory_space<vmem>> -> memref<1x8x100xi32, #tpu.memory_space<vmem>>
        %dma_start3A_673 = tpu.memref_squeeze %dma_start3A_672 : memref<1x8x100xi32, #tpu.memory_space<vmem>> -> memref<8x100xi32, #tpu.memory_space<vmem>>
        %dma_start3A_674 = arith.constant 0 : i32
        %dma_start3A_675 = tpu.memref_slice %dma_start3A_673[%dma_start3A_660, %dma_start3A_674] : memref<8x100xi32, #tpu.memory_space<vmem>> -> memref<1x100xi32, #tpu.memory_space<vmem>>
        %dma_start3A_676 = tpu.memref_squeeze %dma_start3A_675 : memref<1x100xi32, #tpu.memory_space<vmem>> -> memref<100xi32, #tpu.memory_space<vmem>>
        %dma_start3A_677 = arith.constant 0 : i32
        %dma_start3A_678 = arith.constant 0 : i32
        %dma_start3A_679 = tpu.memref_slice %arg3[%dma_start3A_677, %dma_start3A_678] : memref<1000000x32xf32, #tpu.memory_space<hbm>> -> memref<1000000x32xf32, #tpu.memory_space<hbm>>
        %dma_start3A_680 = tpu.memref_slice %arg7[%dma_start3A_662] : memref<4x!tpu.dma_semaphore, #tpu.memory_space<semaphore_mem>> -> memref<1x!tpu.dma_semaphore, #tpu.memory_space<semaphore_mem>>
        %dma_start3A_681 = tpu.memref_squeeze %dma_start3A_680 : memref<1x!tpu.dma_semaphore, #tpu.memory_space<semaphore_mem>> -> memref<!tpu.dma_semaphore, #tpu.memory_space<semaphore_mem>>
        tpu.enqueue_indirect_dma source(%dma_start3A_679 : memref<1000000x32xf32, #tpu.memory_space<hbm>>) target(%dma_start3A_669 : memref<100x32xf32, #tpu.memory_space<vmem>>) offsets(%dma_start3A_676 : memref<100xi32, #tpu.memory_space<vmem>>) semaphore(%dma_start3A_681 : memref<!tpu.dma_semaphore, #tpu.memory_space<semaphore_mem>>)
      } else {
      }
      %dma_wait3A_337 = arith.constant 1 : i32
      %dma_wait3A_338 = arith.constant 1 : i32
      %dma_wait3A_339 = arith.constant 0 : i32
      %dma_wait3A_340 = arith.constant 0 : i32
      %dma_wait3A_341 = tpu.memref_slice %arg6[%dma_wait3A_337, %dma_wait3A_339, %dma_wait3A_340] : memref<4x800x32xf32, #tpu.memory_space<vmem>> -> memref<1x800x32xf32, #tpu.memory_space<vmem>>
      %dma_wait3A_342 = tpu.memref_squeeze %dma_wait3A_341 : memref<1x800x32xf32, #tpu.memory_space<vmem>> -> memref<800x32xf32, #tpu.memory_space<vmem>>
      %dma_wait3A_343 = arith.constant 0 : i32
      %dma_wait3A_344 = arith.constant 0 : i32
      %dma_wait3A_345 = tpu.memref_slice %arg4[%dma_wait3A_343, %dma_wait3A_344] : memref<3276800x32xf32, #tpu.memory_space<hbm>> -> memref<800x32xf32, #tpu.memory_space<hbm>>
      %dma_wait3A_346 = tpu.memref_slice %arg7[%dma_wait3A_338] : memref<4x!tpu.dma_semaphore, #tpu.memory_space<semaphore_mem>> -> memref<1x!tpu.dma_semaphore, #tpu.memory_space<semaphore_mem>>
      %dma_wait3A_347 = tpu.memref_squeeze %dma_wait3A_346 : memref<1x!tpu.dma_semaphore, #tpu.memory_space<semaphore_mem>> -> memref<!tpu.dma_semaphore, #tpu.memory_space<semaphore_mem>>
      %dma_wait3A_348 = arith.constant 0 : i32
      %dma_wait3A_349 = arith.constant 0 : i32
      %dma_wait3A_350 = tpu.memref_slice %arg6[%dma_wait3A_337, %dma_wait3A_348, %dma_wait3A_349] : memref<4x800x32xf32, #tpu.memory_space<vmem>> -> memref<1x800x32xf32, #tpu.memory_space<vmem>>
      %dma_wait3A_351 = tpu.memref_squeeze %dma_wait3A_350 : memref<1x800x32xf32, #tpu.memory_space<vmem>> -> memref<800x32xf32, #tpu.memory_space<vmem>>
      %dma_wait3A_352 = arith.constant 0 : i32
      %dma_wait3A_353 = arith.constant 0 : i32
      %dma_wait3A_354 = tpu.memref_slice %arg4[%dma_wait3A_352, %dma_wait3A_353] : memref<3276800x32xf32, #tpu.memory_space<hbm>> -> memref<800x32xf32, #tpu.memory_space<hbm>>
      tpu.wait_dma2 semaphore(%dma_wait3A_347 : memref<!tpu.dma_semaphore, #tpu.memory_space<semaphore_mem>>) src(%dma_wait3A_354 : memref<800x32xf32, #tpu.memory_space<hbm>>) dst(%dma_wait3A_351 : memref<800x32xf32, #tpu.memory_space<vmem>>)
      %mul3A_355 = arith.constant 102400 : i32
      %mul3A_356 = arith.muli %add3A, %mul3A_355 : i32
      %mul3A_357 = arith.constant 800 : i32
      %mul3A_358 = arith.muli %add3A_321, %mul3A_357 : i32
      %add3A_359 = arith.addi %mul3A_356, %mul3A_358 : i32
      %dma_start3A_360 = arith.constant 1 : i32
      %dma_start3A_361 = arith.constant 1 : i32
      %dma_start3A_362 = arith.constant 0 : i32
      %dma_start3A_363 = arith.constant 0 : i32
      %dma_start3A_364 = tpu.memref_slice %arg6[%dma_start3A_360, %dma_start3A_362, %dma_start3A_363] : memref<4x800x32xf32, #tpu.memory_space<vmem>> -> memref<1x800x32xf32, #tpu.memory_space<vmem>>
      %dma_start3A_365 = tpu.memref_squeeze %dma_start3A_364 : memref<1x800x32xf32, #tpu.memory_space<vmem>> -> memref<800x32xf32, #tpu.memory_space<vmem>>
      %dma_start3A_366 = arith.constant 0 : i32
      %dma_start3A_367 = tpu.memref_slice %arg4[%add3A_359, %dma_start3A_366] : memref<3276800x32xf32, #tpu.memory_space<hbm>> -> memref<800x32xf32, #tpu.memory_space<hbm>>
      %dma_start3A_368 = tpu.memref_slice %arg8[%dma_start3A_361] : memref<4x!tpu.dma_semaphore, #tpu.memory_space<semaphore_mem>> -> memref<1x!tpu.dma_semaphore, #tpu.memory_space<semaphore_mem>>
      %dma_start3A_369 = tpu.memref_squeeze %dma_start3A_368 : memref<1x!tpu.dma_semaphore, #tpu.memory_space<semaphore_mem>> -> memref<!tpu.dma_semaphore, #tpu.memory_space<semaphore_mem>>
      %dma_start3A_370 = arith.constant 0 : i32
      %dma_start3A_371 = tpu.memref_slice %arg4[%add3A_359, %dma_start3A_370] : memref<3276800x32xf32, #tpu.memory_space<hbm>> -> memref<800x32xf32, #tpu.memory_space<hbm>>
      %dma_start3A_372 = arith.constant 0 : i32
      %dma_start3A_373 = arith.constant 0 : i32
      %dma_start3A_374 = tpu.memref_slice %arg6[%dma_start3A_360, %dma_start3A_372, %dma_start3A_373] : memref<4x800x32xf32, #tpu.memory_space<vmem>> -> memref<1x800x32xf32, #tpu.memory_space<vmem>>
      %dma_start3A_375 = tpu.memref_squeeze %dma_start3A_374 : memref<1x800x32xf32, #tpu.memory_space<vmem>> -> memref<800x32xf32, #tpu.memory_space<vmem>>
      tpu.enqueue_dma source(%dma_start3A_375 : memref<800x32xf32, #tpu.memory_space<vmem>>) target(%dma_start3A_371 : memref<800x32xf32, #tpu.memory_space<hbm>>) target_semaphore(%dma_start3A_369 : memref<!tpu.dma_semaphore, #tpu.memory_space<semaphore_mem>>)
      %mul3A_376 = arith.constant 4 : i32
      %mul3A_377 = arith.muli %scan3A_264, %mul3A_376 : i32
      %add3A_378 = arith.constant 2 : i32
      %add3A_379 = arith.addi %mul3A_377, %add3A_378 : i32
      %add3A_380 = arith.constant 1 : i32
      %add3A_381 = arith.addi %add3A_379, %add3A_380 : i32
      %lt3A_382 = arith.constant 128 : i32
      %lt3A_383 = arith.cmpi slt, %add3A_381, %lt3A_382 : i32
      %ge3A_384 = arith.constant 4 : i32
      %ge3A_385 = arith.cmpi sge, %add3A_381, %ge3A_384 : i32
      %and3A_386 = arith.andi %lt3A_383, %ge3A_385 : i1
      %convert_element_type3A_387 = arith.extui %and3A_386 : i1 to i32
      %cond3A_388 = arith.constant 0 : i32
      %cond3A_389 = arith.cmpi ne, %convert_element_type3A_387, %cond3A_388 : i32
      scf.if %cond3A_389 {
        %dma_wait3A_492 = arith.constant 3 : i32
        %dma_wait3A_493 = arith.constant 3 : i32
        %dma_wait3A_494 = arith.constant 0 : i32
        %dma_wait3A_495 = arith.constant 0 : i32
        %dma_wait3A_496 = tpu.memref_slice %arg6[%dma_wait3A_492, %dma_wait3A_494, %dma_wait3A_495] : memref<4x800x32xf32, #tpu.memory_space<vmem>> -> memref<1x800x32xf32, #tpu.memory_space<vmem>>
        %dma_wait3A_497 = tpu.memref_squeeze %dma_wait3A_496 : memref<1x800x32xf32, #tpu.memory_space<vmem>> -> memref<800x32xf32, #tpu.memory_space<vmem>>
        %dma_wait3A_498 = arith.constant 0 : i32
        %dma_wait3A_499 = arith.constant 0 : i32
        %dma_wait3A_500 = tpu.memref_slice %arg4[%dma_wait3A_498, %dma_wait3A_499] : memref<3276800x32xf32, #tpu.memory_space<hbm>> -> memref<800x32xf32, #tpu.memory_space<hbm>>
        %dma_wait3A_501 = tpu.memref_slice %arg8[%dma_wait3A_493] : memref<4x!tpu.dma_semaphore, #tpu.memory_space<semaphore_mem>> -> memref<1x!tpu.dma_semaphore, #tpu.memory_space<semaphore_mem>>
        %dma_wait3A_502 = tpu.memref_squeeze %dma_wait3A_501 : memref<1x!tpu.dma_semaphore, #tpu.memory_space<semaphore_mem>> -> memref<!tpu.dma_semaphore, #tpu.memory_space<semaphore_mem>>
        %dma_wait3A_503 = arith.constant 0 : i32
        %dma_wait3A_504 = arith.constant 0 : i32
        %dma_wait3A_505 = tpu.memref_slice %arg4[%dma_wait3A_503, %dma_wait3A_504] : memref<3276800x32xf32, #tpu.memory_space<hbm>> -> memref<800x32xf32, #tpu.memory_space<hbm>>
        %dma_wait3A_506 = arith.constant 0 : i32
        %dma_wait3A_507 = arith.constant 0 : i32
        %dma_wait3A_508 = tpu.memref_slice %arg6[%dma_wait3A_492, %dma_wait3A_506, %dma_wait3A_507] : memref<4x800x32xf32, #tpu.memory_space<vmem>> -> memref<1x800x32xf32, #tpu.memory_space<vmem>>
        %dma_wait3A_509 = tpu.memref_squeeze %dma_wait3A_508 : memref<1x800x32xf32, #tpu.memory_space<vmem>> -> memref<800x32xf32, #tpu.memory_space<vmem>>
        tpu.wait_dma2 semaphore(%dma_wait3A_502 : memref<!tpu.dma_semaphore, #tpu.memory_space<semaphore_mem>>) src(%dma_wait3A_509 : memref<800x32xf32, #tpu.memory_space<vmem>>) dst(%dma_wait3A_505 : memref<800x32xf32, #tpu.memory_space<hbm>>)
      } else {
      }
      %lt3A_390 = arith.constant 128 : i32
      %lt3A_391 = arith.cmpi slt, %add3A_381, %lt3A_390 : i32
      %convert_element_type3A_392 = arith.extui %lt3A_391 : i1 to i32
      %cond3A_393 = arith.constant 0 : i32
      %cond3A_394 = arith.cmpi ne, %convert_element_type3A_392, %cond3A_393 : i32
      scf.if %cond3A_394 {
        %mul3A_492 = arith.constant 1024 : i32
        %mul3A_493 = arith.muli %add3A, %mul3A_492 : i32
        %mul3A_494 = arith.constant 8 : i32
        %mul3A_495 = arith.muli %add3A_381, %mul3A_494 : i32
        %add3A_496 = arith.addi %mul3A_493, %mul3A_495 : i32
        %run_scoped3A_497 = arith.constant 3 : i32
        "tpu.region"() ({
          %run_scoped3A_682 = tpu.sem_alloc : memref<!tpu.dma_semaphore, #tpu.memory_space<semaphore_mem>>
          %dma_start3A_683 = arith.constant 0 : i32
          %dma_start3A_684 = arith.constant 0 : i32
          %dma_start3A_685 = tpu.memref_slice %arg5[%run_scoped3A_497, %dma_start3A_683, %dma_start3A_684] : memref<4x8x100xi32, #tpu.memory_space<vmem>> -> memref<1x8x100xi32, #tpu.memory_space<vmem>>
          %dma_start3A_686 = tpu.memref_squeeze %dma_start3A_685 : memref<1x8x100xi32, #tpu.memory_space<vmem>> -> memref<8x100xi32, #tpu.memory_space<vmem>>
          %dma_start3A_687 = arith.constant 0 : i32
          %dma_start3A_688 = tpu.memref_slice %arg2[%add3A_496, %dma_start3A_687] : memref<32768x100xi32, #tpu.memory_space<hbm>> -> memref<8x100xi32, #tpu.memory_space<hbm>>
          %dma_start3A_689 = arith.constant 0 : i32
          %dma_start3A_690 = arith.constant 0 : i32
          %dma_start3A_691 = tpu.memref_slice %arg5[%run_scoped3A_497, %dma_start3A_689, %dma_start3A_690] : memref<4x8x100xi32, #tpu.memory_space<vmem>> -> memref<1x8x100xi32, #tpu.memory_space<vmem>>
          %dma_start3A_692 = tpu.memref_squeeze %dma_start3A_691 : memref<1x8x100xi32, #tpu.memory_space<vmem>> -> memref<8x100xi32, #tpu.memory_space<vmem>>
          %dma_start3A_693 = arith.constant 0 : i32
          %dma_start3A_694 = tpu.memref_slice %arg2[%add3A_496, %dma_start3A_693] : memref<32768x100xi32, #tpu.memory_space<hbm>> -> memref<8x100xi32, #tpu.memory_space<hbm>>
          tpu.enqueue_dma source(%dma_start3A_694 : memref<8x100xi32, #tpu.memory_space<hbm>>) target(%dma_start3A_692 : memref<8x100xi32, #tpu.memory_space<vmem>>) target_semaphore(%run_scoped3A_682 : memref<!tpu.dma_semaphore, #tpu.memory_space<semaphore_mem>>)
          %dma_wait3A_695 = arith.constant 0 : i32
          %dma_wait3A_696 = arith.constant 0 : i32
          %dma_wait3A_697 = tpu.memref_slice %arg5[%run_scoped3A_497, %dma_wait3A_695, %dma_wait3A_696] : memref<4x8x100xi32, #tpu.memory_space<vmem>> -> memref<1x8x100xi32, #tpu.memory_space<vmem>>
          %dma_wait3A_698 = tpu.memref_squeeze %dma_wait3A_697 : memref<1x8x100xi32, #tpu.memory_space<vmem>> -> memref<8x100xi32, #tpu.memory_space<vmem>>
          %dma_wait3A_699 = arith.constant 0 : i32
          %dma_wait3A_700 = tpu.memref_slice %arg2[%add3A_496, %dma_wait3A_699] : memref<32768x100xi32, #tpu.memory_space<hbm>> -> memref<8x100xi32, #tpu.memory_space<hbm>>
          %dma_wait3A_701 = arith.constant 0 : i32
          %dma_wait3A_702 = arith.constant 0 : i32
          %dma_wait3A_703 = tpu.memref_slice %arg5[%run_scoped3A_497, %dma_wait3A_701, %dma_wait3A_702] : memref<4x8x100xi32, #tpu.memory_space<vmem>> -> memref<1x8x100xi32, #tpu.memory_space<vmem>>
          %dma_wait3A_704 = tpu.memref_squeeze %dma_wait3A_703 : memref<1x8x100xi32, #tpu.memory_space<vmem>> -> memref<8x100xi32, #tpu.memory_space<vmem>>
          %dma_wait3A_705 = arith.constant 0 : i32
          %dma_wait3A_706 = tpu.memref_slice %arg2[%add3A_496, %dma_wait3A_705] : memref<32768x100xi32, #tpu.memory_space<hbm>> -> memref<8x100xi32, #tpu.memory_space<hbm>>
          tpu.wait_dma2 semaphore(%run_scoped3A_682 : memref<!tpu.dma_semaphore, #tpu.memory_space<semaphore_mem>>) src(%dma_wait3A_706 : memref<8x100xi32, #tpu.memory_space<hbm>>) dst(%dma_wait3A_704 : memref<8x100xi32, #tpu.memory_space<vmem>>)
          tpu.yield
        }) : () -> ()
        %dma_start3A_498 = arith.constant 3 : i32
        %dma_start3A_499 = arith.constant 0 : i32
        %dma_start3A_500 = arith.constant 3 : i32
        %dma_start3A_501 = arith.constant 3 : i32
        %dma_start3A_502 = arith.constant 0 : i32
        %dma_start3A_503 = arith.constant 0 : i32
        %dma_start3A_504 = tpu.memref_slice %arg6[%dma_start3A_500, %dma_start3A_502, %dma_start3A_503] : memref<4x800x32xf32, #tpu.memory_space<vmem>> -> memref<1x800x32xf32, #tpu.memory_space<vmem>>
        %dma_start3A_505 = tpu.memref_squeeze %dma_start3A_504 : memref<1x800x32xf32, #tpu.memory_space<vmem>> -> memref<800x32xf32, #tpu.memory_space<vmem>>
        %dma_start3A_506 = arith.constant 0 : i32
        %dma_start3A_507 = arith.constant 0 : i32
        %dma_start3A_508 = tpu.memref_slice %dma_start3A_505[%dma_start3A_506, %dma_start3A_507] : memref<800x32xf32, #tpu.memory_space<vmem>> -> memref<100x32xf32, #tpu.memory_space<vmem>>
        %dma_start3A_509 = arith.constant 0 : i32
        %dma_start3A_510 = arith.constant 0 : i32
        %dma_start3A_511 = tpu.memref_slice %arg5[%dma_start3A_498, %dma_start3A_509, %dma_start3A_510] : memref<4x8x100xi32, #tpu.memory_space<vmem>> -> memref<1x8x100xi32, #tpu.memory_space<vmem>>
        %dma_start3A_512 = tpu.memref_squeeze %dma_start3A_511 : memref<1x8x100xi32, #tpu.memory_space<vmem>> -> memref<8x100xi32, #tpu.memory_space<vmem>>
        %dma_start3A_513 = arith.constant 0 : i32
        %dma_start3A_514 = tpu.memref_slice %dma_start3A_512[%dma_start3A_499, %dma_start3A_513] : memref<8x100xi32, #tpu.memory_space<vmem>> -> memref<1x100xi32, #tpu.memory_space<vmem>>
        %dma_start3A_515 = tpu.memref_squeeze %dma_start3A_514 : memref<1x100xi32, #tpu.memory_space<vmem>> -> memref<100xi32, #tpu.memory_space<vmem>>
        %dma_start3A_516 = arith.constant 0 : i32
        %dma_start3A_517 = arith.constant 0 : i32
        %dma_start3A_518 = tpu.memref_slice %arg3[%dma_start3A_516, %dma_start3A_517] : memref<1000000x32xf32, #tpu.memory_space<hbm>> -> memref<1000000x32xf32, #tpu.memory_space<hbm>>
        %dma_start3A_519 = tpu.memref_slice %arg7[%dma_start3A_501] : memref<4x!tpu.dma_semaphore, #tpu.memory_space<semaphore_mem>> -> memref<1x!tpu.dma_semaphore, #tpu.memory_space<semaphore_mem>>
        %dma_start3A_520 = tpu.memref_squeeze %dma_start3A_519 : memref<1x!tpu.dma_semaphore, #tpu.memory_space<semaphore_mem>> -> memref<!tpu.dma_semaphore, #tpu.memory_space<semaphore_mem>>
        tpu.enqueue_indirect_dma source(%dma_start3A_518 : memref<1000000x32xf32, #tpu.memory_space<hbm>>) target(%dma_start3A_508 : memref<100x32xf32, #tpu.memory_space<vmem>>) offsets(%dma_start3A_515 : memref<100xi32, #tpu.memory_space<vmem>>) semaphore(%dma_start3A_520 : memref<!tpu.dma_semaphore, #tpu.memory_space<semaphore_mem>>)
        %dma_start3A_521 = arith.constant 3 : i32
        %dma_start3A_522 = arith.constant 1 : i32
        %dma_start3A_523 = arith.constant 3 : i32
        %dma_start3A_524 = arith.constant 3 : i32
        %dma_start3A_525 = arith.constant 0 : i32
        %dma_start3A_526 = arith.constant 0 : i32
        %dma_start3A_527 = tpu.memref_slice %arg6[%dma_start3A_523, %dma_start3A_525, %dma_start3A_526] : memref<4x800x32xf32, #tpu.memory_space<vmem>> -> memref<1x800x32xf32, #tpu.memory_space<vmem>>
        %dma_start3A_528 = tpu.memref_squeeze %dma_start3A_527 : memref<1x800x32xf32, #tpu.memory_space<vmem>> -> memref<800x32xf32, #tpu.memory_space<vmem>>
        %dma_start3A_529 = arith.constant 100 : i32
        %dma_start3A_530 = arith.constant 0 : i32
        %dma_start3A_531 = tpu.memref_slice %dma_start3A_528[%dma_start3A_529, %dma_start3A_530] : memref<800x32xf32, #tpu.memory_space<vmem>> -> memref<100x32xf32, #tpu.memory_space<vmem>>
        %dma_start3A_532 = arith.constant 0 : i32
        %dma_start3A_533 = arith.constant 0 : i32
        %dma_start3A_534 = tpu.memref_slice %arg5[%dma_start3A_521, %dma_start3A_532, %dma_start3A_533] : memref<4x8x100xi32, #tpu.memory_space<vmem>> -> memref<1x8x100xi32, #tpu.memory_space<vmem>>
        %dma_start3A_535 = tpu.memref_squeeze %dma_start3A_534 : memref<1x8x100xi32, #tpu.memory_space<vmem>> -> memref<8x100xi32, #tpu.memory_space<vmem>>
        %dma_start3A_536 = arith.constant 0 : i32
        %dma_start3A_537 = tpu.memref_slice %dma_start3A_535[%dma_start3A_522, %dma_start3A_536] : memref<8x100xi32, #tpu.memory_space<vmem>> -> memref<1x100xi32, #tpu.memory_space<vmem>>
        %dma_start3A_538 = tpu.memref_squeeze %dma_start3A_537 : memref<1x100xi32, #tpu.memory_space<vmem>> -> memref<100xi32, #tpu.memory_space<vmem>>
        %dma_start3A_539 = arith.constant 0 : i32
        %dma_start3A_540 = arith.constant 0 : i32
        %dma_start3A_541 = tpu.memref_slice %arg3[%dma_start3A_539, %dma_start3A_540] : memref<1000000x32xf32, #tpu.memory_space<hbm>> -> memref<1000000x32xf32, #tpu.memory_space<hbm>>
        %dma_start3A_542 = tpu.memref_slice %arg7[%dma_start3A_524] : memref<4x!tpu.dma_semaphore, #tpu.memory_space<semaphore_mem>> -> memref<1x!tpu.dma_semaphore, #tpu.memory_space<semaphore_mem>>
        %dma_start3A_543 = tpu.memref_squeeze %dma_start3A_542 : memref<1x!tpu.dma_semaphore, #tpu.memory_space<semaphore_mem>> -> memref<!tpu.dma_semaphore, #tpu.memory_space<semaphore_mem>>
        tpu.enqueue_indirect_dma source(%dma_start3A_541 : memref<1000000x32xf32, #tpu.memory_space<hbm>>) target(%dma_start3A_531 : memref<100x32xf32, #tpu.memory_space<vmem>>) offsets(%dma_start3A_538 : memref<100xi32, #tpu.memory_space<vmem>>) semaphore(%dma_start3A_543 : memref<!tpu.dma_semaphore, #tpu.memory_space<semaphore_mem>>)
        %dma_start3A_544 = arith.constant 3 : i32
        %dma_start3A_545 = arith.constant 2 : i32
        %dma_start3A_546 = arith.constant 3 : i32
        %dma_start3A_547 = arith.constant 3 : i32
        %dma_start3A_548 = arith.constant 0 : i32
        %dma_start3A_549 = arith.constant 0 : i32
        %dma_start3A_550 = tpu.memref_slice %arg6[%dma_start3A_546, %dma_start3A_548, %dma_start3A_549] : memref<4x800x32xf32, #tpu.memory_space<vmem>> -> memref<1x800x32xf32, #tpu.memory_space<vmem>>
        %dma_start3A_551 = tpu.memref_squeeze %dma_start3A_550 : memref<1x800x32xf32, #tpu.memory_space<vmem>> -> memref<800x32xf32, #tpu.memory_space<vmem>>
        %dma_start3A_552 = arith.constant 200 : i32
        %dma_start3A_553 = arith.constant 0 : i32
        %dma_start3A_554 = tpu.memref_slice %dma_start3A_551[%dma_start3A_552, %dma_start3A_553] : memref<800x32xf32, #tpu.memory_space<vmem>> -> memref<100x32xf32, #tpu.memory_space<vmem>>
        %dma_start3A_555 = arith.constant 0 : i32
        %dma_start3A_556 = arith.constant 0 : i32
        %dma_start3A_557 = tpu.memref_slice %arg5[%dma_start3A_544, %dma_start3A_555, %dma_start3A_556] : memref<4x8x100xi32, #tpu.memory_space<vmem>> -> memref<1x8x100xi32, #tpu.memory_space<vmem>>
        %dma_start3A_558 = tpu.memref_squeeze %dma_start3A_557 : memref<1x8x100xi32, #tpu.memory_space<vmem>> -> memref<8x100xi32, #tpu.memory_space<vmem>>
        %dma_start3A_559 = arith.constant 0 : i32
        %dma_start3A_560 = tpu.memref_slice %dma_start3A_558[%dma_start3A_545, %dma_start3A_559] : memref<8x100xi32, #tpu.memory_space<vmem>> -> memref<1x100xi32, #tpu.memory_space<vmem>>
        %dma_start3A_561 = tpu.memref_squeeze %dma_start3A_560 : memref<1x100xi32, #tpu.memory_space<vmem>> -> memref<100xi32, #tpu.memory_space<vmem>>
        %dma_start3A_562 = arith.constant 0 : i32
        %dma_start3A_563 = arith.constant 0 : i32
        %dma_start3A_564 = tpu.memref_slice %arg3[%dma_start3A_562, %dma_start3A_563] : memref<1000000x32xf32, #tpu.memory_space<hbm>> -> memref<1000000x32xf32, #tpu.memory_space<hbm>>
        %dma_start3A_565 = tpu.memref_slice %arg7[%dma_start3A_547] : memref<4x!tpu.dma_semaphore, #tpu.memory_space<semaphore_mem>> -> memref<1x!tpu.dma_semaphore, #tpu.memory_space<semaphore_mem>>
        %dma_start3A_566 = tpu.memref_squeeze %dma_start3A_565 : memref<1x!tpu.dma_semaphore, #tpu.memory_space<semaphore_mem>> -> memref<!tpu.dma_semaphore, #tpu.memory_space<semaphore_mem>>
        tpu.enqueue_indirect_dma source(%dma_start3A_564 : memref<1000000x32xf32, #tpu.memory_space<hbm>>) target(%dma_start3A_554 : memref<100x32xf32, #tpu.memory_space<vmem>>) offsets(%dma_start3A_561 : memref<100xi32, #tpu.memory_space<vmem>>) semaphore(%dma_start3A_566 : memref<!tpu.dma_semaphore, #tpu.memory_space<semaphore_mem>>)
        %dma_start3A_567 = arith.constant 3 : i32
        %dma_start3A_568 = arith.constant 3 : i32
        %dma_start3A_569 = arith.constant 3 : i32
        %dma_start3A_570 = arith.constant 3 : i32
        %dma_start3A_571 = arith.constant 0 : i32
        %dma_start3A_572 = arith.constant 0 : i32
        %dma_start3A_573 = tpu.memref_slice %arg6[%dma_start3A_569, %dma_start3A_571, %dma_start3A_572] : memref<4x800x32xf32, #tpu.memory_space<vmem>> -> memref<1x800x32xf32, #tpu.memory_space<vmem>>
        %dma_start3A_574 = tpu.memref_squeeze %dma_start3A_573 : memref<1x800x32xf32, #tpu.memory_space<vmem>> -> memref<800x32xf32, #tpu.memory_space<vmem>>
        %dma_start3A_575 = arith.constant 300 : i32
        %dma_start3A_576 = arith.constant 0 : i32
        %dma_start3A_577 = tpu.memref_slice %dma_start3A_574[%dma_start3A_575, %dma_start3A_576] : memref<800x32xf32, #tpu.memory_space<vmem>> -> memref<100x32xf32, #tpu.memory_space<vmem>>
        %dma_start3A_578 = arith.constant 0 : i32
        %dma_start3A_579 = arith.constant 0 : i32
        %dma_start3A_580 = tpu.memref_slice %arg5[%dma_start3A_567, %dma_start3A_578, %dma_start3A_579] : memref<4x8x100xi32, #tpu.memory_space<vmem>> -> memref<1x8x100xi32, #tpu.memory_space<vmem>>
        %dma_start3A_581 = tpu.memref_squeeze %dma_start3A_580 : memref<1x8x100xi32, #tpu.memory_space<vmem>> -> memref<8x100xi32, #tpu.memory_space<vmem>>
        %dma_start3A_582 = arith.constant 0 : i32
        %dma_start3A_583 = tpu.memref_slice %dma_start3A_581[%dma_start3A_568, %dma_start3A_582] : memref<8x100xi32, #tpu.memory_space<vmem>> -> memref<1x100xi32, #tpu.memory_space<vmem>>
        %dma_start3A_584 = tpu.memref_squeeze %dma_start3A_583 : memref<1x100xi32, #tpu.memory_space<vmem>> -> memref<100xi32, #tpu.memory_space<vmem>>
        %dma_start3A_585 = arith.constant 0 : i32
        %dma_start3A_586 = arith.constant 0 : i32
        %dma_start3A_587 = tpu.memref_slice %arg3[%dma_start3A_585, %dma_start3A_586] : memref<1000000x32xf32, #tpu.memory_space<hbm>> -> memref<1000000x32xf32, #tpu.memory_space<hbm>>
        %dma_start3A_588 = tpu.memref_slice %arg7[%dma_start3A_570] : memref<4x!tpu.dma_semaphore, #tpu.memory_space<semaphore_mem>> -> memref<1x!tpu.dma_semaphore, #tpu.memory_space<semaphore_mem>>
        %dma_start3A_589 = tpu.memref_squeeze %dma_start3A_588 : memref<1x!tpu.dma_semaphore, #tpu.memory_space<semaphore_mem>> -> memref<!tpu.dma_semaphore, #tpu.memory_space<semaphore_mem>>
        tpu.enqueue_indirect_dma source(%dma_start3A_587 : memref<1000000x32xf32, #tpu.memory_space<hbm>>) target(%dma_start3A_577 : memref<100x32xf32, #tpu.memory_space<vmem>>) offsets(%dma_start3A_584 : memref<100xi32, #tpu.memory_space<vmem>>) semaphore(%dma_start3A_589 : memref<!tpu.dma_semaphore, #tpu.memory_space<semaphore_mem>>)
        %dma_start3A_590 = arith.constant 3 : i32
        %dma_start3A_591 = arith.constant 4 : i32
        %dma_start3A_592 = arith.constant 3 : i32
        %dma_start3A_593 = arith.constant 3 : i32
        %dma_start3A_594 = arith.constant 0 : i32
        %dma_start3A_595 = arith.constant 0 : i32
        %dma_start3A_596 = tpu.memref_slice %arg6[%dma_start3A_592, %dma_start3A_594, %dma_start3A_595] : memref<4x800x32xf32, #tpu.memory_space<vmem>> -> memref<1x800x32xf32, #tpu.memory_space<vmem>>
        %dma_start3A_597 = tpu.memref_squeeze %dma_start3A_596 : memref<1x800x32xf32, #tpu.memory_space<vmem>> -> memref<800x32xf32, #tpu.memory_space<vmem>>
        %dma_start3A_598 = arith.constant 400 : i32
        %dma_start3A_599 = arith.constant 0 : i32
        %dma_start3A_600 = tpu.memref_slice %dma_start3A_597[%dma_start3A_598, %dma_start3A_599] : memref<800x32xf32, #tpu.memory_space<vmem>> -> memref<100x32xf32, #tpu.memory_space<vmem>>
        %dma_start3A_601 = arith.constant 0 : i32
        %dma_start3A_602 = arith.constant 0 : i32
        %dma_start3A_603 = tpu.memref_slice %arg5[%dma_start3A_590, %dma_start3A_601, %dma_start3A_602] : memref<4x8x100xi32, #tpu.memory_space<vmem>> -> memref<1x8x100xi32, #tpu.memory_space<vmem>>
        %dma_start3A_604 = tpu.memref_squeeze %dma_start3A_603 : memref<1x8x100xi32, #tpu.memory_space<vmem>> -> memref<8x100xi32, #tpu.memory_space<vmem>>
        %dma_start3A_605 = arith.constant 0 : i32
        %dma_start3A_606 = tpu.memref_slice %dma_start3A_604[%dma_start3A_591, %dma_start3A_605] : memref<8x100xi32, #tpu.memory_space<vmem>> -> memref<1x100xi32, #tpu.memory_space<vmem>>
        %dma_start3A_607 = tpu.memref_squeeze %dma_start3A_606 : memref<1x100xi32, #tpu.memory_space<vmem>> -> memref<100xi32, #tpu.memory_space<vmem>>
        %dma_start3A_608 = arith.constant 0 : i32
        %dma_start3A_609 = arith.constant 0 : i32
        %dma_start3A_610 = tpu.memref_slice %arg3[%dma_start3A_608, %dma_start3A_609] : memref<1000000x32xf32, #tpu.memory_space<hbm>> -> memref<1000000x32xf32, #tpu.memory_space<hbm>>
        %dma_start3A_611 = tpu.memref_slice %arg7[%dma_start3A_593] : memref<4x!tpu.dma_semaphore, #tpu.memory_space<semaphore_mem>> -> memref<1x!tpu.dma_semaphore, #tpu.memory_space<semaphore_mem>>
        %dma_start3A_612 = tpu.memref_squeeze %dma_start3A_611 : memref<1x!tpu.dma_semaphore, #tpu.memory_space<semaphore_mem>> -> memref<!tpu.dma_semaphore, #tpu.memory_space<semaphore_mem>>
        tpu.enqueue_indirect_dma source(%dma_start3A_610 : memref<1000000x32xf32, #tpu.memory_space<hbm>>) target(%dma_start3A_600 : memref<100x32xf32, #tpu.memory_space<vmem>>) offsets(%dma_start3A_607 : memref<100xi32, #tpu.memory_space<vmem>>) semaphore(%dma_start3A_612 : memref<!tpu.dma_semaphore, #tpu.memory_space<semaphore_mem>>)
        %dma_start3A_613 = arith.constant 3 : i32
        %dma_start3A_614 = arith.constant 5 : i32
        %dma_start3A_615 = arith.constant 3 : i32
        %dma_start3A_616 = arith.constant 3 : i32
        %dma_start3A_617 = arith.constant 0 : i32
        %dma_start3A_618 = arith.constant 0 : i32
        %dma_start3A_619 = tpu.memref_slice %arg6[%dma_start3A_615, %dma_start3A_617, %dma_start3A_618] : memref<4x800x32xf32, #tpu.memory_space<vmem>> -> memref<1x800x32xf32, #tpu.memory_space<vmem>>
        %dma_start3A_620 = tpu.memref_squeeze %dma_start3A_619 : memref<1x800x32xf32, #tpu.memory_space<vmem>> -> memref<800x32xf32, #tpu.memory_space<vmem>>
        %dma_start3A_621 = arith.constant 500 : i32
        %dma_start3A_622 = arith.constant 0 : i32
        %dma_start3A_623 = tpu.memref_slice %dma_start3A_620[%dma_start3A_621, %dma_start3A_622] : memref<800x32xf32, #tpu.memory_space<vmem>> -> memref<100x32xf32, #tpu.memory_space<vmem>>
        %dma_start3A_624 = arith.constant 0 : i32
        %dma_start3A_625 = arith.constant 0 : i32
        %dma_start3A_626 = tpu.memref_slice %arg5[%dma_start3A_613, %dma_start3A_624, %dma_start3A_625] : memref<4x8x100xi32, #tpu.memory_space<vmem>> -> memref<1x8x100xi32, #tpu.memory_space<vmem>>
        %dma_start3A_627 = tpu.memref_squeeze %dma_start3A_626 : memref<1x8x100xi32, #tpu.memory_space<vmem>> -> memref<8x100xi32, #tpu.memory_space<vmem>>
        %dma_start3A_628 = arith.constant 0 : i32
        %dma_start3A_629 = tpu.memref_slice %dma_start3A_627[%dma_start3A_614, %dma_start3A_628] : memref<8x100xi32, #tpu.memory_space<vmem>> -> memref<1x100xi32, #tpu.memory_space<vmem>>
        %dma_start3A_630 = tpu.memref_squeeze %dma_start3A_629 : memref<1x100xi32, #tpu.memory_space<vmem>> -> memref<100xi32, #tpu.memory_space<vmem>>
        %dma_start3A_631 = arith.constant 0 : i32
        %dma_start3A_632 = arith.constant 0 : i32
        %dma_start3A_633 = tpu.memref_slice %arg3[%dma_start3A_631, %dma_start3A_632] : memref<1000000x32xf32, #tpu.memory_space<hbm>> -> memref<1000000x32xf32, #tpu.memory_space<hbm>>
        %dma_start3A_634 = tpu.memref_slice %arg7[%dma_start3A_616] : memref<4x!tpu.dma_semaphore, #tpu.memory_space<semaphore_mem>> -> memref<1x!tpu.dma_semaphore, #tpu.memory_space<semaphore_mem>>
        %dma_start3A_635 = tpu.memref_squeeze %dma_start3A_634 : memref<1x!tpu.dma_semaphore, #tpu.memory_space<semaphore_mem>> -> memref<!tpu.dma_semaphore, #tpu.memory_space<semaphore_mem>>
        tpu.enqueue_indirect_dma source(%dma_start3A_633 : memref<1000000x32xf32, #tpu.memory_space<hbm>>) target(%dma_start3A_623 : memref<100x32xf32, #tpu.memory_space<vmem>>) offsets(%dma_start3A_630 : memref<100xi32, #tpu.memory_space<vmem>>) semaphore(%dma_start3A_635 : memref<!tpu.dma_semaphore, #tpu.memory_space<semaphore_mem>>)
        %dma_start3A_636 = arith.constant 3 : i32
        %dma_start3A_637 = arith.constant 6 : i32
        %dma_start3A_638 = arith.constant 3 : i32
        %dma_start3A_639 = arith.constant 3 : i32
        %dma_start3A_640 = arith.constant 0 : i32
        %dma_start3A_641 = arith.constant 0 : i32
        %dma_start3A_642 = tpu.memref_slice %arg6[%dma_start3A_638, %dma_start3A_640, %dma_start3A_641] : memref<4x800x32xf32, #tpu.memory_space<vmem>> -> memref<1x800x32xf32, #tpu.memory_space<vmem>>
        %dma_start3A_643 = tpu.memref_squeeze %dma_start3A_642 : memref<1x800x32xf32, #tpu.memory_space<vmem>> -> memref<800x32xf32, #tpu.memory_space<vmem>>
        %dma_start3A_644 = arith.constant 600 : i32
        %dma_start3A_645 = arith.constant 0 : i32
        %dma_start3A_646 = tpu.memref_slice %dma_start3A_643[%dma_start3A_644, %dma_start3A_645] : memref<800x32xf32, #tpu.memory_space<vmem>> -> memref<100x32xf32, #tpu.memory_space<vmem>>
        %dma_start3A_647 = arith.constant 0 : i32
        %dma_start3A_648 = arith.constant 0 : i32
        %dma_start3A_649 = tpu.memref_slice %arg5[%dma_start3A_636, %dma_start3A_647, %dma_start3A_648] : memref<4x8x100xi32, #tpu.memory_space<vmem>> -> memref<1x8x100xi32, #tpu.memory_space<vmem>>
        %dma_start3A_650 = tpu.memref_squeeze %dma_start3A_649 : memref<1x8x100xi32, #tpu.memory_space<vmem>> -> memref<8x100xi32, #tpu.memory_space<vmem>>
        %dma_start3A_651 = arith.constant 0 : i32
        %dma_start3A_652 = tpu.memref_slice %dma_start3A_650[%dma_start3A_637, %dma_start3A_651] : memref<8x100xi32, #tpu.memory_space<vmem>> -> memref<1x100xi32, #tpu.memory_space<vmem>>
        %dma_start3A_653 = tpu.memref_squeeze %dma_start3A_652 : memref<1x100xi32, #tpu.memory_space<vmem>> -> memref<100xi32, #tpu.memory_space<vmem>>
        %dma_start3A_654 = arith.constant 0 : i32
        %dma_start3A_655 = arith.constant 0 : i32
        %dma_start3A_656 = tpu.memref_slice %arg3[%dma_start3A_654, %dma_start3A_655] : memref<1000000x32xf32, #tpu.memory_space<hbm>> -> memref<1000000x32xf32, #tpu.memory_space<hbm>>
        %dma_start3A_657 = tpu.memref_slice %arg7[%dma_start3A_639] : memref<4x!tpu.dma_semaphore, #tpu.memory_space<semaphore_mem>> -> memref<1x!tpu.dma_semaphore, #tpu.memory_space<semaphore_mem>>
        %dma_start3A_658 = tpu.memref_squeeze %dma_start3A_657 : memref<1x!tpu.dma_semaphore, #tpu.memory_space<semaphore_mem>> -> memref<!tpu.dma_semaphore, #tpu.memory_space<semaphore_mem>>
        tpu.enqueue_indirect_dma source(%dma_start3A_656 : memref<1000000x32xf32, #tpu.memory_space<hbm>>) target(%dma_start3A_646 : memref<100x32xf32, #tpu.memory_space<vmem>>) offsets(%dma_start3A_653 : memref<100xi32, #tpu.memory_space<vmem>>) semaphore(%dma_start3A_658 : memref<!tpu.dma_semaphore, #tpu.memory_space<semaphore_mem>>)
        %dma_start3A_659 = arith.constant 3 : i32
        %dma_start3A_660 = arith.constant 7 : i32
        %dma_start3A_661 = arith.constant 3 : i32
        %dma_start3A_662 = arith.constant 3 : i32
        %dma_start3A_663 = arith.constant 0 : i32
        %dma_start3A_664 = arith.constant 0 : i32
        %dma_start3A_665 = tpu.memref_slice %arg6[%dma_start3A_661, %dma_start3A_663, %dma_start3A_664] : memref<4x800x32xf32, #tpu.memory_space<vmem>> -> memref<1x800x32xf32, #tpu.memory_space<vmem>>
        %dma_start3A_666 = tpu.memref_squeeze %dma_start3A_665 : memref<1x800x32xf32, #tpu.memory_space<vmem>> -> memref<800x32xf32, #tpu.memory_space<vmem>>
        %dma_start3A_667 = arith.constant 700 : i32
        %dma_start3A_668 = arith.constant 0 : i32
        %dma_start3A_669 = tpu.memref_slice %dma_start3A_666[%dma_start3A_667, %dma_start3A_668] : memref<800x32xf32, #tpu.memory_space<vmem>> -> memref<100x32xf32, #tpu.memory_space<vmem>>
        %dma_start3A_670 = arith.constant 0 : i32
        %dma_start3A_671 = arith.constant 0 : i32
        %dma_start3A_672 = tpu.memref_slice %arg5[%dma_start3A_659, %dma_start3A_670, %dma_start3A_671] : memref<4x8x100xi32, #tpu.memory_space<vmem>> -> memref<1x8x100xi32, #tpu.memory_space<vmem>>
        %dma_start3A_673 = tpu.memref_squeeze %dma_start3A_672 : memref<1x8x100xi32, #tpu.memory_space<vmem>> -> memref<8x100xi32, #tpu.memory_space<vmem>>
        %dma_start3A_674 = arith.constant 0 : i32
        %dma_start3A_675 = tpu.memref_slice %dma_start3A_673[%dma_start3A_660, %dma_start3A_674] : memref<8x100xi32, #tpu.memory_space<vmem>> -> memref<1x100xi32, #tpu.memory_space<vmem>>
        %dma_start3A_676 = tpu.memref_squeeze %dma_start3A_675 : memref<1x100xi32, #tpu.memory_space<vmem>> -> memref<100xi32, #tpu.memory_space<vmem>>
        %dma_start3A_677 = arith.constant 0 : i32
        %dma_start3A_678 = arith.constant 0 : i32
        %dma_start3A_679 = tpu.memref_slice %arg3[%dma_start3A_677, %dma_start3A_678] : memref<1000000x32xf32, #tpu.memory_space<hbm>> -> memref<1000000x32xf32, #tpu.memory_space<hbm>>
        %dma_start3A_680 = tpu.memref_slice %arg7[%dma_start3A_662] : memref<4x!tpu.dma_semaphore, #tpu.memory_space<semaphore_mem>> -> memref<1x!tpu.dma_semaphore, #tpu.memory_space<semaphore_mem>>
        %dma_start3A_681 = tpu.memref_squeeze %dma_start3A_680 : memref<1x!tpu.dma_semaphore, #tpu.memory_space<semaphore_mem>> -> memref<!tpu.dma_semaphore, #tpu.memory_space<semaphore_mem>>
        tpu.enqueue_indirect_dma source(%dma_start3A_679 : memref<1000000x32xf32, #tpu.memory_space<hbm>>) target(%dma_start3A_669 : memref<100x32xf32, #tpu.memory_space<vmem>>) offsets(%dma_start3A_676 : memref<100xi32, #tpu.memory_space<vmem>>) semaphore(%dma_start3A_681 : memref<!tpu.dma_semaphore, #tpu.memory_space<semaphore_mem>>)
      } else {
      }
      %dma_wait3A_395 = arith.constant 2 : i32
      %dma_wait3A_396 = arith.constant 2 : i32
      %dma_wait3A_397 = arith.constant 0 : i32
      %dma_wait3A_398 = arith.constant 0 : i32
      %dma_wait3A_399 = tpu.memref_slice %arg6[%dma_wait3A_395, %dma_wait3A_397, %dma_wait3A_398] : memref<4x800x32xf32, #tpu.memory_space<vmem>> -> memref<1x800x32xf32, #tpu.memory_space<vmem>>
      %dma_wait3A_400 = tpu.memref_squeeze %dma_wait3A_399 : memref<1x800x32xf32, #tpu.memory_space<vmem>> -> memref<800x32xf32, #tpu.memory_space<vmem>>
      %dma_wait3A_401 = arith.constant 0 : i32
      %dma_wait3A_402 = arith.constant 0 : i32
      %dma_wait3A_403 = tpu.memref_slice %arg4[%dma_wait3A_401, %dma_wait3A_402] : memref<3276800x32xf32, #tpu.memory_space<hbm>> -> memref<800x32xf32, #tpu.memory_space<hbm>>
      %dma_wait3A_404 = tpu.memref_slice %arg7[%dma_wait3A_396] : memref<4x!tpu.dma_semaphore, #tpu.memory_space<semaphore_mem>> -> memref<1x!tpu.dma_semaphore, #tpu.memory_space<semaphore_mem>>
      %dma_wait3A_405 = tpu.memref_squeeze %dma_wait3A_404 : memref<1x!tpu.dma_semaphore, #tpu.memory_space<semaphore_mem>> -> memref<!tpu.dma_semaphore, #tpu.memory_space<semaphore_mem>>
      %dma_wait3A_406 = arith.constant 0 : i32
      %dma_wait3A_407 = arith.constant 0 : i32
      %dma_wait3A_408 = tpu.memref_slice %arg6[%dma_wait3A_395, %dma_wait3A_406, %dma_wait3A_407] : memref<4x800x32xf32, #tpu.memory_space<vmem>> -> memref<1x800x32xf32, #tpu.memory_space<vmem>>
      %dma_wait3A_409 = tpu.memref_squeeze %dma_wait3A_408 : memref<1x800x32xf32, #tpu.memory_space<vmem>> -> memref<800x32xf32, #tpu.memory_space<vmem>>
      %dma_wait3A_410 = arith.constant 0 : i32
      %dma_wait3A_411 = arith.constant 0 : i32
      %dma_wait3A_412 = tpu.memref_slice %arg4[%dma_wait3A_410, %dma_wait3A_411] : memref<3276800x32xf32, #tpu.memory_space<hbm>> -> memref<800x32xf32, #tpu.memory_space<hbm>>
      tpu.wait_dma2 semaphore(%dma_wait3A_405 : memref<!tpu.dma_semaphore, #tpu.memory_space<semaphore_mem>>) src(%dma_wait3A_412 : memref<800x32xf32, #tpu.memory_space<hbm>>) dst(%dma_wait3A_409 : memref<800x32xf32, #tpu.memory_space<vmem>>)
      %mul3A_413 = arith.constant 102400 : i32
      %mul3A_414 = arith.muli %add3A, %mul3A_413 : i32
      %mul3A_415 = arith.constant 800 : i32
      %mul3A_416 = arith.muli %add3A_379, %mul3A_415 : i32
      %add3A_417 = arith.addi %mul3A_414, %mul3A_416 : i32
      %dma_start3A_418 = arith.constant 2 : i32
      %dma_start3A_419 = arith.constant 2 : i32
      %dma_start3A_420 = arith.constant 0 : i32
      %dma_start3A_421 = arith.constant 0 : i32
      %dma_start3A_422 = tpu.memref_slice %arg6[%dma_start3A_418, %dma_start3A_420, %dma_start3A_421] : memref<4x800x32xf32, #tpu.memory_space<vmem>> -> memref<1x800x32xf32, #tpu.memory_space<vmem>>
      %dma_start3A_423 = tpu.memref_squeeze %dma_start3A_422 : memref<1x800x32xf32, #tpu.memory_space<vmem>> -> memref<800x32xf32, #tpu.memory_space<vmem>>
      %dma_start3A_424 = arith.constant 0 : i32
      %dma_start3A_425 = tpu.memref_slice %arg4[%add3A_417, %dma_start3A_424] : memref<3276800x32xf32, #tpu.memory_space<hbm>> -> memref<800x32xf32, #tpu.memory_space<hbm>>
      %dma_start3A_426 = tpu.memref_slice %arg8[%dma_start3A_419] : memref<4x!tpu.dma_semaphore, #tpu.memory_space<semaphore_mem>> -> memref<1x!tpu.dma_semaphore, #tpu.memory_space<semaphore_mem>>
      %dma_start3A_427 = tpu.memref_squeeze %dma_start3A_426 : memref<1x!tpu.dma_semaphore, #tpu.memory_space<semaphore_mem>> -> memref<!tpu.dma_semaphore, #tpu.memory_space<semaphore_mem>>
      %dma_start3A_428 = arith.constant 0 : i32
      %dma_start3A_429 = tpu.memref_slice %arg4[%add3A_417, %dma_start3A_428] : memref<3276800x32xf32, #tpu.memory_space<hbm>> -> memref<800x32xf32, #tpu.memory_space<hbm>>
      %dma_start3A_430 = arith.constant 0 : i32
      %dma_start3A_431 = arith.constant 0 : i32
      %dma_start3A_432 = tpu.memref_slice %arg6[%dma_start3A_418, %dma_start3A_430, %dma_start3A_431] : memref<4x800x32xf32, #tpu.memory_space<vmem>> -> memref<1x800x32xf32, #tpu.memory_space<vmem>>
      %dma_start3A_433 = tpu.memref_squeeze %dma_start3A_432 : memref<1x800x32xf32, #tpu.memory_space<vmem>> -> memref<800x32xf32, #tpu.memory_space<vmem>>
      tpu.enqueue_dma source(%dma_start3A_433 : memref<800x32xf32, #tpu.memory_space<vmem>>) target(%dma_start3A_429 : memref<800x32xf32, #tpu.memory_space<hbm>>) target_semaphore(%dma_start3A_427 : memref<!tpu.dma_semaphore, #tpu.memory_space<semaphore_mem>>)
      %mul3A_434 = arith.constant 4 : i32
      %mul3A_435 = arith.muli %scan3A_264, %mul3A_434 : i32
      %add3A_436 = arith.constant 3 : i32
      %add3A_437 = arith.addi %mul3A_435, %add3A_436 : i32
      %add3A_438 = arith.constant 1 : i32
      %add3A_439 = arith.addi %add3A_437, %add3A_438 : i32
      %lt3A_440 = arith.constant 128 : i32
      %lt3A_441 = arith.cmpi slt, %add3A_439, %lt3A_440 : i32
      %ge3A_442 = arith.constant 4 : i32
      %ge3A_443 = arith.cmpi sge, %add3A_439, %ge3A_442 : i32
      %and3A_444 = arith.andi %lt3A_441, %ge3A_443 : i1
      %convert_element_type3A_445 = arith.extui %and3A_444 : i1 to i32
      %cond3A_446 = arith.constant 0 : i32
      %cond3A_447 = arith.cmpi ne, %convert_element_type3A_445, %cond3A_446 : i32
      scf.if %cond3A_447 {
        %dma_wait3A_492 = arith.constant 0 : i32
        %dma_wait3A_493 = arith.constant 0 : i32
        %dma_wait3A_494 = arith.constant 0 : i32
        %dma_wait3A_495 = arith.constant 0 : i32
        %dma_wait3A_496 = tpu.memref_slice %arg6[%dma_wait3A_492, %dma_wait3A_494, %dma_wait3A_495] : memref<4x800x32xf32, #tpu.memory_space<vmem>> -> memref<1x800x32xf32, #tpu.memory_space<vmem>>
        %dma_wait3A_497 = tpu.memref_squeeze %dma_wait3A_496 : memref<1x800x32xf32, #tpu.memory_space<vmem>> -> memref<800x32xf32, #tpu.memory_space<vmem>>
        %dma_wait3A_498 = arith.constant 0 : i32
        %dma_wait3A_499 = arith.constant 0 : i32
        %dma_wait3A_500 = tpu.memref_slice %arg4[%dma_wait3A_498, %dma_wait3A_499] : memref<3276800x32xf32, #tpu.memory_space<hbm>> -> memref<800x32xf32, #tpu.memory_space<hbm>>
        %dma_wait3A_501 = tpu.memref_slice %arg8[%dma_wait3A_493] : memref<4x!tpu.dma_semaphore, #tpu.memory_space<semaphore_mem>> -> memref<1x!tpu.dma_semaphore, #tpu.memory_space<semaphore_mem>>
        %dma_wait3A_502 = tpu.memref_squeeze %dma_wait3A_501 : memref<1x!tpu.dma_semaphore, #tpu.memory_space<semaphore_mem>> -> memref<!tpu.dma_semaphore, #tpu.memory_space<semaphore_mem>>
        %dma_wait3A_503 = arith.constant 0 : i32
        %dma_wait3A_504 = arith.constant 0 : i32
        %dma_wait3A_505 = tpu.memref_slice %arg4[%dma_wait3A_503, %dma_wait3A_504] : memref<3276800x32xf32, #tpu.memory_space<hbm>> -> memref<800x32xf32, #tpu.memory_space<hbm>>
        %dma_wait3A_506 = arith.constant 0 : i32
        %dma_wait3A_507 = arith.constant 0 : i32
        %dma_wait3A_508 = tpu.memref_slice %arg6[%dma_wait3A_492, %dma_wait3A_506, %dma_wait3A_507] : memref<4x800x32xf32, #tpu.memory_space<vmem>> -> memref<1x800x32xf32, #tpu.memory_space<vmem>>
        %dma_wait3A_509 = tpu.memref_squeeze %dma_wait3A_508 : memref<1x800x32xf32, #tpu.memory_space<vmem>> -> memref<800x32xf32, #tpu.memory_space<vmem>>
        tpu.wait_dma2 semaphore(%dma_wait3A_502 : memref<!tpu.dma_semaphore, #tpu.memory_space<semaphore_mem>>) src(%dma_wait3A_509 : memref<800x32xf32, #tpu.memory_space<vmem>>) dst(%dma_wait3A_505 : memref<800x32xf32, #tpu.memory_space<hbm>>)
      } else {
      }
      %lt3A_448 = arith.constant 128 : i32
      %lt3A_449 = arith.cmpi slt, %add3A_439, %lt3A_448 : i32
      %convert_element_type3A_450 = arith.extui %lt3A_449 : i1 to i32
      %cond3A_451 = arith.constant 0 : i32
      %cond3A_452 = arith.cmpi ne, %convert_element_type3A_450, %cond3A_451 : i32
      scf.if %cond3A_452 {
        %mul3A_492 = arith.constant 1024 : i32
        %mul3A_493 = arith.muli %add3A, %mul3A_492 : i32
        %mul3A_494 = arith.constant 8 : i32
        %mul3A_495 = arith.muli %add3A_439, %mul3A_494 : i32
        %add3A_496 = arith.addi %mul3A_493, %mul3A_495 : i32
        %run_scoped3A_497 = arith.constant 0 : i32
        "tpu.region"() ({
          %run_scoped3A_682 = tpu.sem_alloc : memref<!tpu.dma_semaphore, #tpu.memory_space<semaphore_mem>>
          %dma_start3A_683 = arith.constant 0 : i32
          %dma_start3A_684 = arith.constant 0 : i32
          %dma_start3A_685 = tpu.memref_slice %arg5[%run_scoped3A_497, %dma_start3A_683, %dma_start3A_684] : memref<4x8x100xi32, #tpu.memory_space<vmem>> -> memref<1x8x100xi32, #tpu.memory_space<vmem>>
          %dma_start3A_686 = tpu.memref_squeeze %dma_start3A_685 : memref<1x8x100xi32, #tpu.memory_space<vmem>> -> memref<8x100xi32, #tpu.memory_space<vmem>>
          %dma_start3A_687 = arith.constant 0 : i32
          %dma_start3A_688 = tpu.memref_slice %arg2[%add3A_496, %dma_start3A_687] : memref<32768x100xi32, #tpu.memory_space<hbm>> -> memref<8x100xi32, #tpu.memory_space<hbm>>
          %dma_start3A_689 = arith.constant 0 : i32
          %dma_start3A_690 = arith.constant 0 : i32
          %dma_start3A_691 = tpu.memref_slice %arg5[%run_scoped3A_497, %dma_start3A_689, %dma_start3A_690] : memref<4x8x100xi32, #tpu.memory_space<vmem>> -> memref<1x8x100xi32, #tpu.memory_space<vmem>>
          %dma_start3A_692 = tpu.memref_squeeze %dma_start3A_691 : memref<1x8x100xi32, #tpu.memory_space<vmem>> -> memref<8x100xi32, #tpu.memory_space<vmem>>
          %dma_start3A_693 = arith.constant 0 : i32
          %dma_start3A_694 = tpu.memref_slice %arg2[%add3A_496, %dma_start3A_693] : memref<32768x100xi32, #tpu.memory_space<hbm>> -> memref<8x100xi32, #tpu.memory_space<hbm>>
          tpu.enqueue_dma source(%dma_start3A_694 : memref<8x100xi32, #tpu.memory_space<hbm>>) target(%dma_start3A_692 : memref<8x100xi32, #tpu.memory_space<vmem>>) target_semaphore(%run_scoped3A_682 : memref<!tpu.dma_semaphore, #tpu.memory_space<semaphore_mem>>)
          %dma_wait3A_695 = arith.constant 0 : i32
          %dma_wait3A_696 = arith.constant 0 : i32
          %dma_wait3A_697 = tpu.memref_slice %arg5[%run_scoped3A_497, %dma_wait3A_695, %dma_wait3A_696] : memref<4x8x100xi32, #tpu.memory_space<vmem>> -> memref<1x8x100xi32, #tpu.memory_space<vmem>>
          %dma_wait3A_698 = tpu.memref_squeeze %dma_wait3A_697 : memref<1x8x100xi32, #tpu.memory_space<vmem>> -> memref<8x100xi32, #tpu.memory_space<vmem>>
          %dma_wait3A_699 = arith.constant 0 : i32
          %dma_wait3A_700 = tpu.memref_slice %arg2[%add3A_496, %dma_wait3A_699] : memref<32768x100xi32, #tpu.memory_space<hbm>> -> memref<8x100xi32, #tpu.memory_space<hbm>>
          %dma_wait3A_701 = arith.constant 0 : i32
          %dma_wait3A_702 = arith.constant 0 : i32
          %dma_wait3A_703 = tpu.memref_slice %arg5[%run_scoped3A_497, %dma_wait3A_701, %dma_wait3A_702] : memref<4x8x100xi32, #tpu.memory_space<vmem>> -> memref<1x8x100xi32, #tpu.memory_space<vmem>>
          %dma_wait3A_704 = tpu.memref_squeeze %dma_wait3A_703 : memref<1x8x100xi32, #tpu.memory_space<vmem>> -> memref<8x100xi32, #tpu.memory_space<vmem>>
          %dma_wait3A_705 = arith.constant 0 : i32
          %dma_wait3A_706 = tpu.memref_slice %arg2[%add3A_496, %dma_wait3A_705] : memref<32768x100xi32, #tpu.memory_space<hbm>> -> memref<8x100xi32, #tpu.memory_space<hbm>>
          tpu.wait_dma2 semaphore(%run_scoped3A_682 : memref<!tpu.dma_semaphore, #tpu.memory_space<semaphore_mem>>) src(%dma_wait3A_706 : memref<8x100xi32, #tpu.memory_space<hbm>>) dst(%dma_wait3A_704 : memref<8x100xi32, #tpu.memory_space<vmem>>)
          tpu.yield
        }) : () -> ()
        %dma_start3A_498 = arith.constant 0 : i32
        %dma_start3A_499 = arith.constant 0 : i32
        %dma_start3A_500 = arith.constant 0 : i32
        %dma_start3A_501 = arith.constant 0 : i32
        %dma_start3A_502 = arith.constant 0 : i32
        %dma_start3A_503 = arith.constant 0 : i32
        %dma_start3A_504 = tpu.memref_slice %arg6[%dma_start3A_500, %dma_start3A_502, %dma_start3A_503] : memref<4x800x32xf32, #tpu.memory_space<vmem>> -> memref<1x800x32xf32, #tpu.memory_space<vmem>>
        %dma_start3A_505 = tpu.memref_squeeze %dma_start3A_504 : memref<1x800x32xf32, #tpu.memory_space<vmem>> -> memref<800x32xf32, #tpu.memory_space<vmem>>
        %dma_start3A_506 = arith.constant 0 : i32
        %dma_start3A_507 = arith.constant 0 : i32
        %dma_start3A_508 = tpu.memref_slice %dma_start3A_505[%dma_start3A_506, %dma_start3A_507] : memref<800x32xf32, #tpu.memory_space<vmem>> -> memref<100x32xf32, #tpu.memory_space<vmem>>
        %dma_start3A_509 = arith.constant 0 : i32
        %dma_start3A_510 = arith.constant 0 : i32
        %dma_start3A_511 = tpu.memref_slice %arg5[%dma_start3A_498, %dma_start3A_509, %dma_start3A_510] : memref<4x8x100xi32, #tpu.memory_space<vmem>> -> memref<1x8x100xi32, #tpu.memory_space<vmem>>
        %dma_start3A_512 = tpu.memref_squeeze %dma_start3A_511 : memref<1x8x100xi32, #tpu.memory_space<vmem>> -> memref<8x100xi32, #tpu.memory_space<vmem>>
        %dma_start3A_513 = arith.constant 0 : i32
        %dma_start3A_514 = tpu.memref_slice %dma_start3A_512[%dma_start3A_499, %dma_start3A_513] : memref<8x100xi32, #tpu.memory_space<vmem>> -> memref<1x100xi32, #tpu.memory_space<vmem>>
        %dma_start3A_515 = tpu.memref_squeeze %dma_start3A_514 : memref<1x100xi32, #tpu.memory_space<vmem>> -> memref<100xi32, #tpu.memory_space<vmem>>
        %dma_start3A_516 = arith.constant 0 : i32
        %dma_start3A_517 = arith.constant 0 : i32
        %dma_start3A_518 = tpu.memref_slice %arg3[%dma_start3A_516, %dma_start3A_517] : memref<1000000x32xf32, #tpu.memory_space<hbm>> -> memref<1000000x32xf32, #tpu.memory_space<hbm>>
        %dma_start3A_519 = tpu.memref_slice %arg7[%dma_start3A_501] : memref<4x!tpu.dma_semaphore, #tpu.memory_space<semaphore_mem>> -> memref<1x!tpu.dma_semaphore, #tpu.memory_space<semaphore_mem>>
        %dma_start3A_520 = tpu.memref_squeeze %dma_start3A_519 : memref<1x!tpu.dma_semaphore, #tpu.memory_space<semaphore_mem>> -> memref<!tpu.dma_semaphore, #tpu.memory_space<semaphore_mem>>
        tpu.enqueue_indirect_dma source(%dma_start3A_518 : memref<1000000x32xf32, #tpu.memory_space<hbm>>) target(%dma_start3A_508 : memref<100x32xf32, #tpu.memory_space<vmem>>) offsets(%dma_start3A_515 : memref<100xi32, #tpu.memory_space<vmem>>) semaphore(%dma_start3A_520 : memref<!tpu.dma_semaphore, #tpu.memory_space<semaphore_mem>>)
        %dma_start3A_521 = arith.constant 0 : i32
        %dma_start3A_522 = arith.constant 1 : i32
        %dma_start3A_523 = arith.constant 0 : i32
        %dma_start3A_524 = arith.constant 0 : i32
        %dma_start3A_525 = arith.constant 0 : i32
        %dma_start3A_526 = arith.constant 0 : i32
        %dma_start3A_527 = tpu.memref_slice %arg6[%dma_start3A_523, %dma_start3A_525, %dma_start3A_526] : memref<4x800x32xf32, #tpu.memory_space<vmem>> -> memref<1x800x32xf32, #tpu.memory_space<vmem>>
        %dma_start3A_528 = tpu.memref_squeeze %dma_start3A_527 : memref<1x800x32xf32, #tpu.memory_space<vmem>> -> memref<800x32xf32, #tpu.memory_space<vmem>>
        %dma_start3A_529 = arith.constant 100 : i32
        %dma_start3A_530 = arith.constant 0 : i32
        %dma_start3A_531 = tpu.memref_slice %dma_start3A_528[%dma_start3A_529, %dma_start3A_530] : memref<800x32xf32, #tpu.memory_space<vmem>> -> memref<100x32xf32, #tpu.memory_space<vmem>>
        %dma_start3A_532 = arith.constant 0 : i32
        %dma_start3A_533 = arith.constant 0 : i32
        %dma_start3A_534 = tpu.memref_slice %arg5[%dma_start3A_521, %dma_start3A_532, %dma_start3A_533] : memref<4x8x100xi32, #tpu.memory_space<vmem>> -> memref<1x8x100xi32, #tpu.memory_space<vmem>>
        %dma_start3A_535 = tpu.memref_squeeze %dma_start3A_534 : memref<1x8x100xi32, #tpu.memory_space<vmem>> -> memref<8x100xi32, #tpu.memory_space<vmem>>
        %dma_start3A_536 = arith.constant 0 : i32
        %dma_start3A_537 = tpu.memref_slice %dma_start3A_535[%dma_start3A_522, %dma_start3A_536] : memref<8x100xi32, #tpu.memory_space<vmem>> -> memref<1x100xi32, #tpu.memory_space<vmem>>
        %dma_start3A_538 = tpu.memref_squeeze %dma_start3A_537 : memref<1x100xi32, #tpu.memory_space<vmem>> -> memref<100xi32, #tpu.memory_space<vmem>>
        %dma_start3A_539 = arith.constant 0 : i32
        %dma_start3A_540 = arith.constant 0 : i32
        %dma_start3A_541 = tpu.memref_slice %arg3[%dma_start3A_539, %dma_start3A_540] : memref<1000000x32xf32, #tpu.memory_space<hbm>> -> memref<1000000x32xf32, #tpu.memory_space<hbm>>
        %dma_start3A_542 = tpu.memref_slice %arg7[%dma_start3A_524] : memref<4x!tpu.dma_semaphore, #tpu.memory_space<semaphore_mem>> -> memref<1x!tpu.dma_semaphore, #tpu.memory_space<semaphore_mem>>
        %dma_start3A_543 = tpu.memref_squeeze %dma_start3A_542 : memref<1x!tpu.dma_semaphore, #tpu.memory_space<semaphore_mem>> -> memref<!tpu.dma_semaphore, #tpu.memory_space<semaphore_mem>>
        tpu.enqueue_indirect_dma source(%dma_start3A_541 : memref<1000000x32xf32, #tpu.memory_space<hbm>>) target(%dma_start3A_531 : memref<100x32xf32, #tpu.memory_space<vmem>>) offsets(%dma_start3A_538 : memref<100xi32, #tpu.memory_space<vmem>>) semaphore(%dma_start3A_543 : memref<!tpu.dma_semaphore, #tpu.memory_space<semaphore_mem>>)
        %dma_start3A_544 = arith.constant 0 : i32
        %dma_start3A_545 = arith.constant 2 : i32
        %dma_start3A_546 = arith.constant 0 : i32
        %dma_start3A_547 = arith.constant 0 : i32
        %dma_start3A_548 = arith.constant 0 : i32
        %dma_start3A_549 = arith.constant 0 : i32
        %dma_start3A_550 = tpu.memref_slice %arg6[%dma_start3A_546, %dma_start3A_548, %dma_start3A_549] : memref<4x800x32xf32, #tpu.memory_space<vmem>> -> memref<1x800x32xf32, #tpu.memory_space<vmem>>
        %dma_start3A_551 = tpu.memref_squeeze %dma_start3A_550 : memref<1x800x32xf32, #tpu.memory_space<vmem>> -> memref<800x32xf32, #tpu.memory_space<vmem>>
        %dma_start3A_552 = arith.constant 200 : i32
        %dma_start3A_553 = arith.constant 0 : i32
        %dma_start3A_554 = tpu.memref_slice %dma_start3A_551[%dma_start3A_552, %dma_start3A_553] : memref<800x32xf32, #tpu.memory_space<vmem>> -> memref<100x32xf32, #tpu.memory_space<vmem>>
        %dma_start3A_555 = arith.constant 0 : i32
        %dma_start3A_556 = arith.constant 0 : i32
        %dma_start3A_557 = tpu.memref_slice %arg5[%dma_start3A_544, %dma_start3A_555, %dma_start3A_556] : memref<4x8x100xi32, #tpu.memory_space<vmem>> -> memref<1x8x100xi32, #tpu.memory_space<vmem>>
        %dma_start3A_558 = tpu.memref_squeeze %dma_start3A_557 : memref<1x8x100xi32, #tpu.memory_space<vmem>> -> memref<8x100xi32, #tpu.memory_space<vmem>>
        %dma_start3A_559 = arith.constant 0 : i32
        %dma_start3A_560 = tpu.memref_slice %dma_start3A_558[%dma_start3A_545, %dma_start3A_559] : memref<8x100xi32, #tpu.memory_space<vmem>> -> memref<1x100xi32, #tpu.memory_space<vmem>>
        %dma_start3A_561 = tpu.memref_squeeze %dma_start3A_560 : memref<1x100xi32, #tpu.memory_space<vmem>> -> memref<100xi32, #tpu.memory_space<vmem>>
        %dma_start3A_562 = arith.constant 0 : i32
        %dma_start3A_563 = arith.constant 0 : i32
        %dma_start3A_564 = tpu.memref_slice %arg3[%dma_start3A_562, %dma_start3A_563] : memref<1000000x32xf32, #tpu.memory_space<hbm>> -> memref<1000000x32xf32, #tpu.memory_space<hbm>>
        %dma_start3A_565 = tpu.memref_slice %arg7[%dma_start3A_547] : memref<4x!tpu.dma_semaphore, #tpu.memory_space<semaphore_mem>> -> memref<1x!tpu.dma_semaphore, #tpu.memory_space<semaphore_mem>>
        %dma_start3A_566 = tpu.memref_squeeze %dma_start3A_565 : memref<1x!tpu.dma_semaphore, #tpu.memory_space<semaphore_mem>> -> memref<!tpu.dma_semaphore, #tpu.memory_space<semaphore_mem>>
        tpu.enqueue_indirect_dma source(%dma_start3A_564 : memref<1000000x32xf32, #tpu.memory_space<hbm>>) target(%dma_start3A_554 : memref<100x32xf32, #tpu.memory_space<vmem>>) offsets(%dma_start3A_561 : memref<100xi32, #tpu.memory_space<vmem>>) semaphore(%dma_start3A_566 : memref<!tpu.dma_semaphore, #tpu.memory_space<semaphore_mem>>)
        %dma_start3A_567 = arith.constant 0 : i32
        %dma_start3A_568 = arith.constant 3 : i32
        %dma_start3A_569 = arith.constant 0 : i32
        %dma_start3A_570 = arith.constant 0 : i32
        %dma_start3A_571 = arith.constant 0 : i32
        %dma_start3A_572 = arith.constant 0 : i32
        %dma_start3A_573 = tpu.memref_slice %arg6[%dma_start3A_569, %dma_start3A_571, %dma_start3A_572] : memref<4x800x32xf32, #tpu.memory_space<vmem>> -> memref<1x800x32xf32, #tpu.memory_space<vmem>>
        %dma_start3A_574 = tpu.memref_squeeze %dma_start3A_573 : memref<1x800x32xf32, #tpu.memory_space<vmem>> -> memref<800x32xf32, #tpu.memory_space<vmem>>
        %dma_start3A_575 = arith.constant 300 : i32
        %dma_start3A_576 = arith.constant 0 : i32
        %dma_start3A_577 = tpu.memref_slice %dma_start3A_574[%dma_start3A_575, %dma_start3A_576] : memref<800x32xf32, #tpu.memory_space<vmem>> -> memref<100x32xf32, #tpu.memory_space<vmem>>
        %dma_start3A_578 = arith.constant 0 : i32
        %dma_start3A_579 = arith.constant 0 : i32
        %dma_start3A_580 = tpu.memref_slice %arg5[%dma_start3A_567, %dma_start3A_578, %dma_start3A_579] : memref<4x8x100xi32, #tpu.memory_space<vmem>> -> memref<1x8x100xi32, #tpu.memory_space<vmem>>
        %dma_start3A_581 = tpu.memref_squeeze %dma_start3A_580 : memref<1x8x100xi32, #tpu.memory_space<vmem>> -> memref<8x100xi32, #tpu.memory_space<vmem>>
        %dma_start3A_582 = arith.constant 0 : i32
        %dma_start3A_583 = tpu.memref_slice %dma_start3A_581[%dma_start3A_568, %dma_start3A_582] : memref<8x100xi32, #tpu.memory_space<vmem>> -> memref<1x100xi32, #tpu.memory_space<vmem>>
        %dma_start3A_584 = tpu.memref_squeeze %dma_start3A_583 : memref<1x100xi32, #tpu.memory_space<vmem>> -> memref<100xi32, #tpu.memory_space<vmem>>
        %dma_start3A_585 = arith.constant 0 : i32
        %dma_start3A_586 = arith.constant 0 : i32
        %dma_start3A_587 = tpu.memref_slice %arg3[%dma_start3A_585, %dma_start3A_586] : memref<1000000x32xf32, #tpu.memory_space<hbm>> -> memref<1000000x32xf32, #tpu.memory_space<hbm>>
        %dma_start3A_588 = tpu.memref_slice %arg7[%dma_start3A_570] : memref<4x!tpu.dma_semaphore, #tpu.memory_space<semaphore_mem>> -> memref<1x!tpu.dma_semaphore, #tpu.memory_space<semaphore_mem>>
        %dma_start3A_589 = tpu.memref_squeeze %dma_start3A_588 : memref<1x!tpu.dma_semaphore, #tpu.memory_space<semaphore_mem>> -> memref<!tpu.dma_semaphore, #tpu.memory_space<semaphore_mem>>
        tpu.enqueue_indirect_dma source(%dma_start3A_587 : memref<1000000x32xf32, #tpu.memory_space<hbm>>) target(%dma_start3A_577 : memref<100x32xf32, #tpu.memory_space<vmem>>) offsets(%dma_start3A_584 : memref<100xi32, #tpu.memory_space<vmem>>) semaphore(%dma_start3A_589 : memref<!tpu.dma_semaphore, #tpu.memory_space<semaphore_mem>>)
        %dma_start3A_590 = arith.constant 0 : i32
        %dma_start3A_591 = arith.constant 4 : i32
        %dma_start3A_592 = arith.constant 0 : i32
        %dma_start3A_593 = arith.constant 0 : i32
        %dma_start3A_594 = arith.constant 0 : i32
        %dma_start3A_595 = arith.constant 0 : i32
        %dma_start3A_596 = tpu.memref_slice %arg6[%dma_start3A_592, %dma_start3A_594, %dma_start3A_595] : memref<4x800x32xf32, #tpu.memory_space<vmem>> -> memref<1x800x32xf32, #tpu.memory_space<vmem>>
        %dma_start3A_597 = tpu.memref_squeeze %dma_start3A_596 : memref<1x800x32xf32, #tpu.memory_space<vmem>> -> memref<800x32xf32, #tpu.memory_space<vmem>>
        %dma_start3A_598 = arith.constant 400 : i32
        %dma_start3A_599 = arith.constant 0 : i32
        %dma_start3A_600 = tpu.memref_slice %dma_start3A_597[%dma_start3A_598, %dma_start3A_599] : memref<800x32xf32, #tpu.memory_space<vmem>> -> memref<100x32xf32, #tpu.memory_space<vmem>>
        %dma_start3A_601 = arith.constant 0 : i32
        %dma_start3A_602 = arith.constant 0 : i32
        %dma_start3A_603 = tpu.memref_slice %arg5[%dma_start3A_590, %dma_start3A_601, %dma_start3A_602] : memref<4x8x100xi32, #tpu.memory_space<vmem>> -> memref<1x8x100xi32, #tpu.memory_space<vmem>>
        %dma_start3A_604 = tpu.memref_squeeze %dma_start3A_603 : memref<1x8x100xi32, #tpu.memory_space<vmem>> -> memref<8x100xi32, #tpu.memory_space<vmem>>
        %dma_start3A_605 = arith.constant 0 : i32
        %dma_start3A_606 = tpu.memref_slice %dma_start3A_604[%dma_start3A_591, %dma_start3A_605] : memref<8x100xi32, #tpu.memory_space<vmem>> -> memref<1x100xi32, #tpu.memory_space<vmem>>
        %dma_start3A_607 = tpu.memref_squeeze %dma_start3A_606 : memref<1x100xi32, #tpu.memory_space<vmem>> -> memref<100xi32, #tpu.memory_space<vmem>>
        %dma_start3A_608 = arith.constant 0 : i32
        %dma_start3A_609 = arith.constant 0 : i32
        %dma_start3A_610 = tpu.memref_slice %arg3[%dma_start3A_608, %dma_start3A_609] : memref<1000000x32xf32, #tpu.memory_space<hbm>> -> memref<1000000x32xf32, #tpu.memory_space<hbm>>
        %dma_start3A_611 = tpu.memref_slice %arg7[%dma_start3A_593] : memref<4x!tpu.dma_semaphore, #tpu.memory_space<semaphore_mem>> -> memref<1x!tpu.dma_semaphore, #tpu.memory_space<semaphore_mem>>
        %dma_start3A_612 = tpu.memref_squeeze %dma_start3A_611 : memref<1x!tpu.dma_semaphore, #tpu.memory_space<semaphore_mem>> -> memref<!tpu.dma_semaphore, #tpu.memory_space<semaphore_mem>>
        tpu.enqueue_indirect_dma source(%dma_start3A_610 : memref<1000000x32xf32, #tpu.memory_space<hbm>>) target(%dma_start3A_600 : memref<100x32xf32, #tpu.memory_space<vmem>>) offsets(%dma_start3A_607 : memref<100xi32, #tpu.memory_space<vmem>>) semaphore(%dma_start3A_612 : memref<!tpu.dma_semaphore, #tpu.memory_space<semaphore_mem>>)
        %dma_start3A_613 = arith.constant 0 : i32
        %dma_start3A_614 = arith.constant 5 : i32
        %dma_start3A_615 = arith.constant 0 : i32
        %dma_start3A_616 = arith.constant 0 : i32
        %dma_start3A_617 = arith.constant 0 : i32
        %dma_start3A_618 = arith.constant 0 : i32
        %dma_start3A_619 = tpu.memref_slice %arg6[%dma_start3A_615, %dma_start3A_617, %dma_start3A_618] : memref<4x800x32xf32, #tpu.memory_space<vmem>> -> memref<1x800x32xf32, #tpu.memory_space<vmem>>
        %dma_start3A_620 = tpu.memref_squeeze %dma_start3A_619 : memref<1x800x32xf32, #tpu.memory_space<vmem>> -> memref<800x32xf32, #tpu.memory_space<vmem>>
        %dma_start3A_621 = arith.constant 500 : i32
        %dma_start3A_622 = arith.constant 0 : i32
        %dma_start3A_623 = tpu.memref_slice %dma_start3A_620[%dma_start3A_621, %dma_start3A_622] : memref<800x32xf32, #tpu.memory_space<vmem>> -> memref<100x32xf32, #tpu.memory_space<vmem>>
        %dma_start3A_624 = arith.constant 0 : i32
        %dma_start3A_625 = arith.constant 0 : i32
        %dma_start3A_626 = tpu.memref_slice %arg5[%dma_start3A_613, %dma_start3A_624, %dma_start3A_625] : memref<4x8x100xi32, #tpu.memory_space<vmem>> -> memref<1x8x100xi32, #tpu.memory_space<vmem>>
        %dma_start3A_627 = tpu.memref_squeeze %dma_start3A_626 : memref<1x8x100xi32, #tpu.memory_space<vmem>> -> memref<8x100xi32, #tpu.memory_space<vmem>>
        %dma_start3A_628 = arith.constant 0 : i32
        %dma_start3A_629 = tpu.memref_slice %dma_start3A_627[%dma_start3A_614, %dma_start3A_628] : memref<8x100xi32, #tpu.memory_space<vmem>> -> memref<1x100xi32, #tpu.memory_space<vmem>>
        %dma_start3A_630 = tpu.memref_squeeze %dma_start3A_629 : memref<1x100xi32, #tpu.memory_space<vmem>> -> memref<100xi32, #tpu.memory_space<vmem>>
        %dma_start3A_631 = arith.constant 0 : i32
        %dma_start3A_632 = arith.constant 0 : i32
        %dma_start3A_633 = tpu.memref_slice %arg3[%dma_start3A_631, %dma_start3A_632] : memref<1000000x32xf32, #tpu.memory_space<hbm>> -> memref<1000000x32xf32, #tpu.memory_space<hbm>>
        %dma_start3A_634 = tpu.memref_slice %arg7[%dma_start3A_616] : memref<4x!tpu.dma_semaphore, #tpu.memory_space<semaphore_mem>> -> memref<1x!tpu.dma_semaphore, #tpu.memory_space<semaphore_mem>>
        %dma_start3A_635 = tpu.memref_squeeze %dma_start3A_634 : memref<1x!tpu.dma_semaphore, #tpu.memory_space<semaphore_mem>> -> memref<!tpu.dma_semaphore, #tpu.memory_space<semaphore_mem>>
        tpu.enqueue_indirect_dma source(%dma_start3A_633 : memref<1000000x32xf32, #tpu.memory_space<hbm>>) target(%dma_start3A_623 : memref<100x32xf32, #tpu.memory_space<vmem>>) offsets(%dma_start3A_630 : memref<100xi32, #tpu.memory_space<vmem>>) semaphore(%dma_start3A_635 : memref<!tpu.dma_semaphore, #tpu.memory_space<semaphore_mem>>)
        %dma_start3A_636 = arith.constant 0 : i32
        %dma_start3A_637 = arith.constant 6 : i32
        %dma_start3A_638 = arith.constant 0 : i32
        %dma_start3A_639 = arith.constant 0 : i32
        %dma_start3A_640 = arith.constant 0 : i32
        %dma_start3A_641 = arith.constant 0 : i32
        %dma_start3A_642 = tpu.memref_slice %arg6[%dma_start3A_638, %dma_start3A_640, %dma_start3A_641] : memref<4x800x32xf32, #tpu.memory_space<vmem>> -> memref<1x800x32xf32, #tpu.memory_space<vmem>>
        %dma_start3A_643 = tpu.memref_squeeze %dma_start3A_642 : memref<1x800x32xf32, #tpu.memory_space<vmem>> -> memref<800x32xf32, #tpu.memory_space<vmem>>
        %dma_start3A_644 = arith.constant 600 : i32
        %dma_start3A_645 = arith.constant 0 : i32
        %dma_start3A_646 = tpu.memref_slice %dma_start3A_643[%dma_start3A_644, %dma_start3A_645] : memref<800x32xf32, #tpu.memory_space<vmem>> -> memref<100x32xf32, #tpu.memory_space<vmem>>
        %dma_start3A_647 = arith.constant 0 : i32
        %dma_start3A_648 = arith.constant 0 : i32
        %dma_start3A_649 = tpu.memref_slice %arg5[%dma_start3A_636, %dma_start3A_647, %dma_start3A_648] : memref<4x8x100xi32, #tpu.memory_space<vmem>> -> memref<1x8x100xi32, #tpu.memory_space<vmem>>
        %dma_start3A_650 = tpu.memref_squeeze %dma_start3A_649 : memref<1x8x100xi32, #tpu.memory_space<vmem>> -> memref<8x100xi32, #tpu.memory_space<vmem>>
        %dma_start3A_651 = arith.constant 0 : i32
        %dma_start3A_652 = tpu.memref_slice %dma_start3A_650[%dma_start3A_637, %dma_start3A_651] : memref<8x100xi32, #tpu.memory_space<vmem>> -> memref<1x100xi32, #tpu.memory_space<vmem>>
        %dma_start3A_653 = tpu.memref_squeeze %dma_start3A_652 : memref<1x100xi32, #tpu.memory_space<vmem>> -> memref<100xi32, #tpu.memory_space<vmem>>
        %dma_start3A_654 = arith.constant 0 : i32
        %dma_start3A_655 = arith.constant 0 : i32
        %dma_start3A_656 = tpu.memref_slice %arg3[%dma_start3A_654, %dma_start3A_655] : memref<1000000x32xf32, #tpu.memory_space<hbm>> -> memref<1000000x32xf32, #tpu.memory_space<hbm>>
        %dma_start3A_657 = tpu.memref_slice %arg7[%dma_start3A_639] : memref<4x!tpu.dma_semaphore, #tpu.memory_space<semaphore_mem>> -> memref<1x!tpu.dma_semaphore, #tpu.memory_space<semaphore_mem>>
        %dma_start3A_658 = tpu.memref_squeeze %dma_start3A_657 : memref<1x!tpu.dma_semaphore, #tpu.memory_space<semaphore_mem>> -> memref<!tpu.dma_semaphore, #tpu.memory_space<semaphore_mem>>
        tpu.enqueue_indirect_dma source(%dma_start3A_656 : memref<1000000x32xf32, #tpu.memory_space<hbm>>) target(%dma_start3A_646 : memref<100x32xf32, #tpu.memory_space<vmem>>) offsets(%dma_start3A_653 : memref<100xi32, #tpu.memory_space<vmem>>) semaphore(%dma_start3A_658 : memref<!tpu.dma_semaphore, #tpu.memory_space<semaphore_mem>>)
        %dma_start3A_659 = arith.constant 0 : i32
        %dma_start3A_660 = arith.constant 7 : i32
        %dma_start3A_661 = arith.constant 0 : i32
        %dma_start3A_662 = arith.constant 0 : i32
        %dma_start3A_663 = arith.constant 0 : i32
        %dma_start3A_664 = arith.constant 0 : i32
        %dma_start3A_665 = tpu.memref_slice %arg6[%dma_start3A_661, %dma_start3A_663, %dma_start3A_664] : memref<4x800x32xf32, #tpu.memory_space<vmem>> -> memref<1x800x32xf32, #tpu.memory_space<vmem>>
        %dma_start3A_666 = tpu.memref_squeeze %dma_start3A_665 : memref<1x800x32xf32, #tpu.memory_space<vmem>> -> memref<800x32xf32, #tpu.memory_space<vmem>>
        %dma_start3A_667 = arith.constant 700 : i32
        %dma_start3A_668 = arith.constant 0 : i32
        %dma_start3A_669 = tpu.memref_slice %dma_start3A_666[%dma_start3A_667, %dma_start3A_668] : memref<800x32xf32, #tpu.memory_space<vmem>> -> memref<100x32xf32, #tpu.memory_space<vmem>>
        %dma_start3A_670 = arith.constant 0 : i32
        %dma_start3A_671 = arith.constant 0 : i32
        %dma_start3A_672 = tpu.memref_slice %arg5[%dma_start3A_659, %dma_start3A_670, %dma_start3A_671] : memref<4x8x100xi32, #tpu.memory_space<vmem>> -> memref<1x8x100xi32, #tpu.memory_space<vmem>>
        %dma_start3A_673 = tpu.memref_squeeze %dma_start3A_672 : memref<1x8x100xi32, #tpu.memory_space<vmem>> -> memref<8x100xi32, #tpu.memory_space<vmem>>
        %dma_start3A_674 = arith.constant 0 : i32
        %dma_start3A_675 = tpu.memref_slice %dma_start3A_673[%dma_start3A_660, %dma_start3A_674] : memref<8x100xi32, #tpu.memory_space<vmem>> -> memref<1x100xi32, #tpu.memory_space<vmem>>
        %dma_start3A_676 = tpu.memref_squeeze %dma_start3A_675 : memref<1x100xi32, #tpu.memory_space<vmem>> -> memref<100xi32, #tpu.memory_space<vmem>>
        %dma_start3A_677 = arith.constant 0 : i32
        %dma_start3A_678 = arith.constant 0 : i32
        %dma_start3A_679 = tpu.memref_slice %arg3[%dma_start3A_677, %dma_start3A_678] : memref<1000000x32xf32, #tpu.memory_space<hbm>> -> memref<1000000x32xf32, #tpu.memory_space<hbm>>
        %dma_start3A_680 = tpu.memref_slice %arg7[%dma_start3A_662] : memref<4x!tpu.dma_semaphore, #tpu.memory_space<semaphore_mem>> -> memref<1x!tpu.dma_semaphore, #tpu.memory_space<semaphore_mem>>
        %dma_start3A_681 = tpu.memref_squeeze %dma_start3A_680 : memref<1x!tpu.dma_semaphore, #tpu.memory_space<semaphore_mem>> -> memref<!tpu.dma_semaphore, #tpu.memory_space<semaphore_mem>>
        tpu.enqueue_indirect_dma source(%dma_start3A_679 : memref<1000000x32xf32, #tpu.memory_space<hbm>>) target(%dma_start3A_669 : memref<100x32xf32, #tpu.memory_space<vmem>>) offsets(%dma_start3A_676 : memref<100xi32, #tpu.memory_space<vmem>>) semaphore(%dma_start3A_681 : memref<!tpu.dma_semaphore, #tpu.memory_space<semaphore_mem>>)
      } else {
      }
      %dma_wait3A_453 = arith.constant 3 : i32
      %dma_wait3A_454 = arith.constant 3 : i32
      %dma_wait3A_455 = arith.constant 0 : i32
      %dma_wait3A_456 = arith.constant 0 : i32
      %dma_wait3A_457 = tpu.memref_slice %arg6[%dma_wait3A_453, %dma_wait3A_455, %dma_wait3A_456] : memref<4x800x32xf32, #tpu.memory_space<vmem>> -> memref<1x800x32xf32, #tpu.memory_space<vmem>>
      %dma_wait3A_458 = tpu.memref_squeeze %dma_wait3A_457 : memref<1x800x32xf32, #tpu.memory_space<vmem>> -> memref<800x32xf32, #tpu.memory_space<vmem>>
      %dma_wait3A_459 = arith.constant 0 : i32
      %dma_wait3A_460 = arith.constant 0 : i32
      %dma_wait3A_461 = tpu.memref_slice %arg4[%dma_wait3A_459, %dma_wait3A_460] : memref<3276800x32xf32, #tpu.memory_space<hbm>> -> memref<800x32xf32, #tpu.memory_space<hbm>>
      %dma_wait3A_462 = tpu.memref_slice %arg7[%dma_wait3A_454] : memref<4x!tpu.dma_semaphore, #tpu.memory_space<semaphore_mem>> -> memref<1x!tpu.dma_semaphore, #tpu.memory_space<semaphore_mem>>
      %dma_wait3A_463 = tpu.memref_squeeze %dma_wait3A_462 : memref<1x!tpu.dma_semaphore, #tpu.memory_space<semaphore_mem>> -> memref<!tpu.dma_semaphore, #tpu.memory_space<semaphore_mem>>
      %dma_wait3A_464 = arith.constant 0 : i32
      %dma_wait3A_465 = arith.constant 0 : i32
      %dma_wait3A_466 = tpu.memref_slice %arg6[%dma_wait3A_453, %dma_wait3A_464, %dma_wait3A_465] : memref<4x800x32xf32, #tpu.memory_space<vmem>> -> memref<1x800x32xf32, #tpu.memory_space<vmem>>
      %dma_wait3A_467 = tpu.memref_squeeze %dma_wait3A_466 : memref<1x800x32xf32, #tpu.memory_space<vmem>> -> memref<800x32xf32, #tpu.memory_space<vmem>>
      %dma_wait3A_468 = arith.constant 0 : i32
      %dma_wait3A_469 = arith.constant 0 : i32
      %dma_wait3A_470 = tpu.memref_slice %arg4[%dma_wait3A_468, %dma_wait3A_469] : memref<3276800x32xf32, #tpu.memory_space<hbm>> -> memref<800x32xf32, #tpu.memory_space<hbm>>
      tpu.wait_dma2 semaphore(%dma_wait3A_463 : memref<!tpu.dma_semaphore, #tpu.memory_space<semaphore_mem>>) src(%dma_wait3A_470 : memref<800x32xf32, #tpu.memory_space<hbm>>) dst(%dma_wait3A_467 : memref<800x32xf32, #tpu.memory_space<vmem>>)
      %mul3A_471 = arith.constant 102400 : i32
      %mul3A_472 = arith.muli %add3A, %mul3A_471 : i32
      %mul3A_473 = arith.constant 800 : i32
      %mul3A_474 = arith.muli %add3A_437, %mul3A_473 : i32
      %add3A_475 = arith.addi %mul3A_472, %mul3A_474 : i32
      %dma_start3A_476 = arith.constant 3 : i32
      %dma_start3A_477 = arith.constant 3 : i32
      %dma_start3A_478 = arith.constant 0 : i32
      %dma_start3A_479 = arith.constant 0 : i32
      %dma_start3A_480 = tpu.memref_slice %arg6[%dma_start3A_476, %dma_start3A_478, %dma_start3A_479] : memref<4x800x32xf32, #tpu.memory_space<vmem>> -> memref<1x800x32xf32, #tpu.memory_space<vmem>>
      %dma_start3A_481 = tpu.memref_squeeze %dma_start3A_480 : memref<1x800x32xf32, #tpu.memory_space<vmem>> -> memref<800x32xf32, #tpu.memory_space<vmem>>
      %dma_start3A_482 = arith.constant 0 : i32
      %dma_start3A_483 = tpu.memref_slice %arg4[%add3A_475, %dma_start3A_482] : memref<3276800x32xf32, #tpu.memory_space<hbm>> -> memref<800x32xf32, #tpu.memory_space<hbm>>
      %dma_start3A_484 = tpu.memref_slice %arg8[%dma_start3A_477] : memref<4x!tpu.dma_semaphore, #tpu.memory_space<semaphore_mem>> -> memref<1x!tpu.dma_semaphore, #tpu.memory_space<semaphore_mem>>
      %dma_start3A_485 = tpu.memref_squeeze %dma_start3A_484 : memref<1x!tpu.dma_semaphore, #tpu.memory_space<semaphore_mem>> -> memref<!tpu.dma_semaphore, #tpu.memory_space<semaphore_mem>>
      %dma_start3A_486 = arith.constant 0 : i32
      %dma_start3A_487 = tpu.memref_slice %arg4[%add3A_475, %dma_start3A_486] : memref<3276800x32xf32, #tpu.memory_space<hbm>> -> memref<800x32xf32, #tpu.memory_space<hbm>>
      %dma_start3A_488 = arith.constant 0 : i32
      %dma_start3A_489 = arith.constant 0 : i32
      %dma_start3A_490 = tpu.memref_slice %arg6[%dma_start3A_476, %dma_start3A_488, %dma_start3A_489] : memref<4x800x32xf32, #tpu.memory_space<vmem>> -> memref<1x800x32xf32, #tpu.memory_space<vmem>>
      %dma_start3A_491 = tpu.memref_squeeze %dma_start3A_490 : memref<1x800x32xf32, #tpu.memory_space<vmem>> -> memref<800x32xf32, #tpu.memory_space<vmem>>
      tpu.enqueue_dma source(%dma_start3A_491 : memref<800x32xf32, #tpu.memory_space<vmem>>) target(%dma_start3A_487 : memref<800x32xf32, #tpu.memory_space<hbm>>) target_semaphore(%dma_start3A_485 : memref<!tpu.dma_semaphore, #tpu.memory_space<semaphore_mem>>)
    }
    %scan3A_192 = arith.constant 32 : i32
    %dma_wait3A = arith.constant 0 : i32
    %dma_wait3A_193 = arith.constant 0 : i32
    %dma_wait3A_194 = arith.constant 0 : i32
    %dma_wait3A_195 = arith.constant 0 : i32
    %dma_wait3A_196 = tpu.memref_slice %arg6[%dma_wait3A, %dma_wait3A_194, %dma_wait3A_195] : memref<4x800x32xf32, #tpu.memory_space<vmem>> -> memref<1x800x32xf32, #tpu.memory_space<vmem>>
    %dma_wait3A_197 = tpu.memref_squeeze %dma_wait3A_196 : memref<1x800x32xf32, #tpu.memory_space<vmem>> -> memref<800x32xf32, #tpu.memory_space<vmem>>
    %dma_wait3A_198 = arith.constant 0 : i32
    %dma_wait3A_199 = arith.constant 0 : i32
    %dma_wait3A_200 = tpu.memref_slice %arg4[%dma_wait3A_198, %dma_wait3A_199] : memref<3276800x32xf32, #tpu.memory_space<hbm>> -> memref<800x32xf32, #tpu.memory_space<hbm>>
    %dma_wait3A_201 = tpu.memref_slice %arg8[%dma_wait3A_193] : memref<4x!tpu.dma_semaphore, #tpu.memory_space<semaphore_mem>> -> memref<1x!tpu.dma_semaphore, #tpu.memory_space<semaphore_mem>>
    %dma_wait3A_202 = tpu.memref_squeeze %dma_wait3A_201 : memref<1x!tpu.dma_semaphore, #tpu.memory_space<semaphore_mem>> -> memref<!tpu.dma_semaphore, #tpu.memory_space<semaphore_mem>>
    %dma_wait3A_203 = arith.constant 0 : i32
    %dma_wait3A_204 = arith.constant 0 : i32
    %dma_wait3A_205 = tpu.memref_slice %arg4[%dma_wait3A_203, %dma_wait3A_204] : memref<3276800x32xf32, #tpu.memory_space<hbm>> -> memref<800x32xf32, #tpu.memory_space<hbm>>
    %dma_wait3A_206 = arith.constant 0 : i32
    %dma_wait3A_207 = arith.constant 0 : i32
    %dma_wait3A_208 = tpu.memref_slice %arg6[%dma_wait3A, %dma_wait3A_206, %dma_wait3A_207] : memref<4x800x32xf32, #tpu.memory_space<vmem>> -> memref<1x800x32xf32, #tpu.memory_space<vmem>>
    %dma_wait3A_209 = tpu.memref_squeeze %dma_wait3A_208 : memref<1x800x32xf32, #tpu.memory_space<vmem>> -> memref<800x32xf32, #tpu.memory_space<vmem>>
    tpu.wait_dma2 semaphore(%dma_wait3A_202 : memref<!tpu.dma_semaphore, #tpu.memory_space<semaphore_mem>>) src(%dma_wait3A_209 : memref<800x32xf32, #tpu.memory_space<vmem>>) dst(%dma_wait3A_205 : memref<800x32xf32, #tpu.memory_space<hbm>>)
    %dma_wait3A_210 = arith.constant 1 : i32
    %dma_wait3A_211 = arith.constant 1 : i32
    %dma_wait3A_212 = arith.constant 0 : i32
    %dma_wait3A_213 = arith.constant 0 : i32
    %dma_wait3A_214 = tpu.memref_slice %arg6[%dma_wait3A_210, %dma_wait3A_212, %dma_wait3A_213] : memref<4x800x32xf32, #tpu.memory_space<vmem>> -> memref<1x800x32xf32, #tpu.memory_space<vmem>>
    %dma_wait3A_215 = tpu.memref_squeeze %dma_wait3A_214 : memref<1x800x32xf32, #tpu.memory_space<vmem>> -> memref<800x32xf32, #tpu.memory_space<vmem>>
    %dma_wait3A_216 = arith.constant 0 : i32
    %dma_wait3A_217 = arith.constant 0 : i32
    %dma_wait3A_218 = tpu.memref_slice %arg4[%dma_wait3A_216, %dma_wait3A_217] : memref<3276800x32xf32, #tpu.memory_space<hbm>> -> memref<800x32xf32, #tpu.memory_space<hbm>>
    %dma_wait3A_219 = tpu.memref_slice %arg8[%dma_wait3A_211] : memref<4x!tpu.dma_semaphore, #tpu.memory_space<semaphore_mem>> -> memref<1x!tpu.dma_semaphore, #tpu.memory_space<semaphore_mem>>
    %dma_wait3A_220 = tpu.memref_squeeze %dma_wait3A_219 : memref<1x!tpu.dma_semaphore, #tpu.memory_space<semaphore_mem>> -> memref<!tpu.dma_semaphore, #tpu.memory_space<semaphore_mem>>
    %dma_wait3A_221 = arith.constant 0 : i32
    %dma_wait3A_222 = arith.constant 0 : i32
    %dma_wait3A_223 = tpu.memref_slice %arg4[%dma_wait3A_221, %dma_wait3A_222] : memref<3276800x32xf32, #tpu.memory_space<hbm>> -> memref<800x32xf32, #tpu.memory_space<hbm>>
    %dma_wait3A_224 = arith.constant 0 : i32
    %dma_wait3A_225 = arith.constant 0 : i32
    %dma_wait3A_226 = tpu.memref_slice %arg6[%dma_wait3A_210, %dma_wait3A_224, %dma_wait3A_225] : memref<4x800x32xf32, #tpu.memory_space<vmem>> -> memref<1x800x32xf32, #tpu.memory_space<vmem>>
    %dma_wait3A_227 = tpu.memref_squeeze %dma_wait3A_226 : memref<1x800x32xf32, #tpu.memory_space<vmem>> -> memref<800x32xf32, #tpu.memory_space<vmem>>
    tpu.wait_dma2 semaphore(%dma_wait3A_220 : memref<!tpu.dma_semaphore, #tpu.memory_space<semaphore_mem>>) src(%dma_wait3A_227 : memref<800x32xf32, #tpu.memory_space<vmem>>) dst(%dma_wait3A_223 : memref<800x32xf32, #tpu.memory_space<hbm>>)
    %dma_wait3A_228 = arith.constant 2 : i32
    %dma_wait3A_229 = arith.constant 2 : i32
    %dma_wait3A_230 = arith.constant 0 : i32
    %dma_wait3A_231 = arith.constant 0 : i32
    %dma_wait3A_232 = tpu.memref_slice %arg6[%dma_wait3A_228, %dma_wait3A_230, %dma_wait3A_231] : memref<4x800x32xf32, #tpu.memory_space<vmem>> -> memref<1x800x32xf32, #tpu.memory_space<vmem>>
    %dma_wait3A_233 = tpu.memref_squeeze %dma_wait3A_232 : memref<1x800x32xf32, #tpu.memory_space<vmem>> -> memref<800x32xf32, #tpu.memory_space<vmem>>
    %dma_wait3A_234 = arith.constant 0 : i32
    %dma_wait3A_235 = arith.constant 0 : i32
    %dma_wait3A_236 = tpu.memref_slice %arg4[%dma_wait3A_234, %dma_wait3A_235] : memref<3276800x32xf32, #tpu.memory_space<hbm>> -> memref<800x32xf32, #tpu.memory_space<hbm>>
    %dma_wait3A_237 = tpu.memref_slice %arg8[%dma_wait3A_229] : memref<4x!tpu.dma_semaphore, #tpu.memory_space<semaphore_mem>> -> memref<1x!tpu.dma_semaphore, #tpu.memory_space<semaphore_mem>>
    %dma_wait3A_238 = tpu.memref_squeeze %dma_wait3A_237 : memref<1x!tpu.dma_semaphore, #tpu.memory_space<semaphore_mem>> -> memref<!tpu.dma_semaphore, #tpu.memory_space<semaphore_mem>>
    %dma_wait3A_239 = arith.constant 0 : i32
    %dma_wait3A_240 = arith.constant 0 : i32
    %dma_wait3A_241 = tpu.memref_slice %arg4[%dma_wait3A_239, %dma_wait3A_240] : memref<3276800x32xf32, #tpu.memory_space<hbm>> -> memref<800x32xf32, #tpu.memory_space<hbm>>
    %dma_wait3A_242 = arith.constant 0 : i32
    %dma_wait3A_243 = arith.constant 0 : i32
    %dma_wait3A_244 = tpu.memref_slice %arg6[%dma_wait3A_228, %dma_wait3A_242, %dma_wait3A_243] : memref<4x800x32xf32, #tpu.memory_space<vmem>> -> memref<1x800x32xf32, #tpu.memory_space<vmem>>
    %dma_wait3A_245 = tpu.memref_squeeze %dma_wait3A_244 : memref<1x800x32xf32, #tpu.memory_space<vmem>> -> memref<800x32xf32, #tpu.memory_space<vmem>>
    tpu.wait_dma2 semaphore(%dma_wait3A_238 : memref<!tpu.dma_semaphore, #tpu.memory_space<semaphore_mem>>) src(%dma_wait3A_245 : memref<800x32xf32, #tpu.memory_space<vmem>>) dst(%dma_wait3A_241 : memref<800x32xf32, #tpu.memory_space<hbm>>)
    %dma_wait3A_246 = arith.constant 3 : i32
    %dma_wait3A_247 = arith.constant 3 : i32
    %dma_wait3A_248 = arith.constant 0 : i32
    %dma_wait3A_249 = arith.constant 0 : i32
    %dma_wait3A_250 = tpu.memref_slice %arg6[%dma_wait3A_246, %dma_wait3A_248, %dma_wait3A_249] : memref<4x800x32xf32, #tpu.memory_space<vmem>> -> memref<1x800x32xf32, #tpu.memory_space<vmem>>
    %dma_wait3A_251 = tpu.memref_squeeze %dma_wait3A_250 : memref<1x800x32xf32, #tpu.memory_space<vmem>> -> memref<800x32xf32, #tpu.memory_space<vmem>>
    %dma_wait3A_252 = arith.constant 0 : i32
    %dma_wait3A_253 = arith.constant 0 : i32
    %dma_wait3A_254 = tpu.memref_slice %arg4[%dma_wait3A_252, %dma_wait3A_253] : memref<3276800x32xf32, #tpu.memory_space<hbm>> -> memref<800x32xf32, #tpu.memory_space<hbm>>
    %dma_wait3A_255 = tpu.memref_slice %arg8[%dma_wait3A_247] : memref<4x!tpu.dma_semaphore, #tpu.memory_space<semaphore_mem>> -> memref<1x!tpu.dma_semaphore, #tpu.memory_space<semaphore_mem>>
    %dma_wait3A_256 = tpu.memref_squeeze %dma_wait3A_255 : memref<1x!tpu.dma_semaphore, #tpu.memory_space<semaphore_mem>> -> memref<!tpu.dma_semaphore, #tpu.memory_space<semaphore_mem>>
    %dma_wait3A_257 = arith.constant 0 : i32
    %dma_wait3A_258 = arith.constant 0 : i32
    %dma_wait3A_259 = tpu.memref_slice %arg4[%dma_wait3A_257, %dma_wait3A_258] : memref<3276800x32xf32, #tpu.memory_space<hbm>> -> memref<800x32xf32, #tpu.memory_space<hbm>>
    %dma_wait3A_260 = arith.constant 0 : i32
    %dma_wait3A_261 = arith.constant 0 : i32
    %dma_wait3A_262 = tpu.memref_slice %arg6[%dma_wait3A_246, %dma_wait3A_260, %dma_wait3A_261] : memref<4x800x32xf32, #tpu.memory_space<vmem>> -> memref<1x800x32xf32, #tpu.memory_space<vmem>>
    %dma_wait3A_263 = tpu.memref_squeeze %dma_wait3A_262 : memref<1x800x32xf32, #tpu.memory_space<vmem>> -> memref<800x32xf32, #tpu.memory_space<vmem>>
    tpu.wait_dma2 semaphore(%dma_wait3A_256 : memref<!tpu.dma_semaphore, #tpu.memory_space<semaphore_mem>>) src(%dma_wait3A_263 : memref<800x32xf32, #tpu.memory_space<vmem>>) dst(%dma_wait3A_259 : memref<800x32xf32, #tpu.memory_space<hbm>>)
    return
  }
}

module attributes {stable_mosaic.version = 14 : i64} {
  func.func @_tc_body(%arg0: i32, %arg1: memref<6400x128xf32, #tpu.memory_space<vmem>>, %arg2: memref<200x32xf32, #tpu.memory_space<vmem>>, %arg3: memref<200x32x128xf32, #tpu.memory_space<vmem>>) attributes {dimension_semantics = [#tpu.dimension_semantics<arbitrary>], iteration_bounds = array<i64: 128>, scalar_prefetch = 0 : i64, scratch_operands = 0 : i64, tpu.core_type = #tpu.core_type<tc>, window_params = [{transform_indices = @transform_0, window_bounds = array<i64: 6400, 128>}, {pipeline_mode = #tpu.pipeline_mode<synchronous>, transform_indices = @transform_1, window_bounds = array<i64: 200, 32>}, {transform_indices = @transform_2, window_bounds = array<i64: 200, 32, 128>}]} {
    %get3A = arith.constant 0 : index
    %get3A_0 = arith.constant 0 : index
    %get3A_1 = vector.load %arg1[%get3A, %get3A_0] : memref<6400x128xf32, #tpu.memory_space<vmem>>, vector<6400x128xf32>
    %reshape3A = vector.shape_cast %get3A_1 : vector<6400x128xf32> to vector<128x50x128xf32>
    %transpose3A = tpu.transpose %reshape3A, [1, 2, 0] : vector<128x50x128xf32> -> vector<50x128x128xf32>
    %reshape3A_2 = vector.shape_cast %transpose3A : vector<50x128x128xf32> to vector<200x32x128xf32>
    %get3A_3 = arith.constant 0 : index
    %get3A_4 = arith.constant 0 : index
    %get3A_5 = vector.load %arg2[%get3A_3, %get3A_4] : memref<200x32xf32, #tpu.memory_space<vmem>>, vector<200x32xf32>
    %broadcast_in_dim3A = vector.shape_cast %get3A_5 : vector<200x32xf32> to vector<200x32x1xf32>
    %add3A = vector.broadcast %broadcast_in_dim3A : vector<200x32x1xf32> to vector<200x32x128xf32>
    %add3A_6 = arith.addf %reshape3A_2, %add3A : vector<200x32x128xf32>
    %swap3A = arith.constant 0 : index
    %swap3A_7 = arith.constant 0 : index
    %swap3A_8 = arith.constant 0 : index
    %swap3A_9 = vector.load %arg3[%swap3A, %swap3A_7, %swap3A_8] : memref<200x32x128xf32, #tpu.memory_space<vmem>>, vector<200x32x128xf32>
    tpu.vector_store %arg3[%swap3A, %swap3A_7, %swap3A_8], %add3A_6 {strides = array<i32>} : memref<200x32x128xf32, #tpu.memory_space<vmem>>, vector<200x32x128xf32>,
    return
  }
  func.func @transform_0(%arg0: i32) -> (i32, i32) {
    %c0_i32 = arith.constant 0 : i32
    %c0_i32_0 = arith.constant 0 : i32
    return %arg0, %c0_i32 : i32, i32
  }
  func.func @transform_1(%arg0: i32) -> (i32, i32) {
    %c0_i32 = arith.constant 0 : i32
    %c0_i32_0 = arith.constant 0 : i32
    %c0_i32_1 = arith.constant 0 : i32
    return %c0_i32, %c0_i32_0 : i32, i32
  }
  func.func @transform_2(%arg0: i32) -> (i32, i32, i32) {
    %c0_i32 = arith.constant 0 : i32
    %c0_i32_0 = arith.constant 0 : i32
    %c0_i32_1 = arith.constant 0 : i32
    return %c0_i32, %c0_i32_0, %arg0 : i32, i32, i32
  }
}

</mosaic_0001>

<sc_bundles>
// kernel: kernel.4.cloned.1.call-start
scs
__scs_entry_jumppad:
0x0: {  	(pc) =	sbr.rel $0x88, $3  }
0x1: {  	(tag) =	ssettag $0x0;
	lr =	simm.s32 $0x1  }
0x2: {  	[smem:$0x3F9E] =	sst lr;
	_ =	strace $0xD0000000  }
0x3: {  	_ = 	snop  }
0x4: {  	_ = 	snop  }
0x5: {  	_ = 	snop  }
0x6: {  	_ = 	snop  }
0x7: {  	_ = 	snop  }
__scs_overlays_trampoline_lowered:
0x8: {  	[smem:$0x3FAD] =	sst s0  }
0x9: {  	[smem:$0x3FAE] =	sst s1  }
0xa: {  	[smem:$0x3FAF] =	sst s2  }
0xb: {  	[smem:$0x3FB0] =	sst s3  }
0xc: {  	[smem:$0x3FB1] =	sst s4  }
0xd: {  	[smem:$0x3FB2] =	sst s5  }
0xe: {  	[smem:$0x3FB3] =	sst s6  }
0xf: {  	[smem:$0x3FB4] =	sst s7  }
0x10: {  	[smem:$0x3FB5] =	sst s8  }
0x11: {  	[smem:$0x3FB6] =	sst s9;
	s0 =	simm.s32 @!p0 $0x0  }
0x12: {  	s1 =	sld [smem:$0x3F9C];
	s0 =	simm.s32 @p0 $0x1  }
0x13: {  	[smem:$0x3FB7] =	sst s0;
	s0 =	simm.s32 @!p1 $0x0  }
0x14: {  	s2 =	sld [smem:$0x3F9B];
	s0 =	simm.s32 @p1 $0x1  }
0x15: {  	[smem:$0x3FB8] =	sst s0;
	s0 =	simm.s32 @!p2 $0x0  }
0x16: {  	s3 =	sld [smem:$0x3FDB];
	s0 =	simm.s32 @p2 $0x1  }
0x17: {  	s4 =	simm.s32 $0x1BF5;
	[smem:$0x3FBA] =	sst s0  }
0x18: {  	s0 =	sld [smem:$0x3F9D];
	_ =	swait.ge [sflag:s4], $0x0  }
0x19: {  	s7 =	sld [smem:$0x3F9E]  }
0x1a: {  	s8 =	sadd.s32 $0xFFFFE003, lr  }
0x1b: {  	s9 =	sadd.s32 $0xFFFFFEF7, lr;
	s5 =	simm.s32 $0xFFFFFFFF;
	p2 =	slt.u32 s8, $0xFFFFF086  }
0x1c: {  	p1 =	slt.u32 s9, $0xF7A;
	s5 =	simm.s32 @!p2 $0x0  }
0x1d: {  	s5 =	simm.s32 @p1 $0x1;
	p0 =	seq.s32 s7, s2  }
0x1e: {  	s7 =	smul.u32 @!p0 $0xF7A, s2;
	p2 =	seq.s32 @!p0 s5, $0x0  }
0x1f: {  	s9 =	smul.u32 $0xF7A, s1;
	s8 =	simm.s32 @!p0 $0x1BF5;
	p2 =	por !p2, p0  }
0x20: {  	[sflag:s8] =	ssyncset.s32 @!p0 $0xFFFFF086;
	s6 =	sadd.s32 @!p0 s3, s7;
	s7 =	simm.s32 @!p0 $0x108  }
0x21: {  	s3 =	sadd.s32 s3, s9;
	s6 =	sadd.s32 @!p0 $0x88, s6;
	s7 =	simm.s32 @p2 $0x1082  }
0x22: {  	[simem:s7], [sflag:s8] =	dma.local @!p0 [hbm:s6], $0xF7A  }
0x23: {  	s9 =	sor.u32 $0xD0000000, s2;
	s6 =	simm.s32 $0x108;
	_ =	swait.ge @!p0 [sflag:s8], $0x0  }
0x24: {  	s3 =	sadd.s32 $0x88, s3;
	s6 =	simm.s32 @!p1 $0x1082;
	[sflag:s4] =	ssyncset.s32 $0xFFFFF086  }
0x25: {  	[simem:s6], [sflag:s4] =	dma.local [hbm:s3], $0xF7A  }
0x26: {  	[smem:$0x3F9E] =	sst s1;
	(tag) =	ssettag s2;
	_ =	strace s9  }
0x27: {  	s1 =	sld [smem:$0x3FAE]  }
0x28: {  	s2 =	sld [smem:$0x3FAF]  }
0x29: {  	s4 =	sld [smem:$0x3FB1]  }
0x2a: {  	p0 =	seq.s32 s5, $0x0;
	s5 =	sld [smem:$0x3FB2]  }
0x2b: {  	s6 =	sld [smem:$0x3FB3]  }
0x2c: {  	s7 =	sld [smem:$0x3FB4]  }
0x2d: {  	s3 =	simm.s32 $0x108;
	s8 =	sld [smem:$0x3FB5]  }
0x2e: {  	s3 =	simm.s32 @!p0 $0x1082;
	s9 =	sld [smem:$0x3FB6]  }
0x2f: {  	lr =	sadd.s32 s0, s3;
	s0 =	sld [smem:$0x3FAD]  }
0x30: {  	s3 =	sld [smem:$0x3FB0]  }
0x31: {  	[smem:$0x3FB9] =	sst s10  }
0x32: {  	s10 =	sld [smem:$0x3FB7];
	_ =	sdelay $0x3  }
0x33: {  	p0 =	seq.s32 s10, $0x1;
	s10 =	sld [smem:$0x3FB9];
	_ =	sdelay $0x3  }
0x34: {  	[smem:$0x3FB9] =	sst s10  }
0x35: {  	s10 =	sld [smem:$0x3FB8];
	_ =	sdelay $0x3  }
0x36: {  	p1 =	seq.s32 s10, $0x1;
	s10 =	sld [smem:$0x3FB9];
	_ =	sdelay $0x3  }
0x37: {  	[smem:$0x3FB9] =	sst s10  }
0x38: {  	s10 =	sld [smem:$0x3FBA]  }
0x39: {  	_ = 	snop;
	(pc) =	sbr.ind lr, $3  }
0x3a: {  	_ = 	snop  }
0x3b: {  	_ = 	snop  }
0x3c: {  	p2 =	seq.s32 s10, $0x1;
	s10 =	sld [smem:$0x3FB9]  }
0x3d: {  	_ =	shalt  }
0x3e: {  	_ =	shalt  }
0x3f: {  	_ =	shalt  }
0x40: {  	_ =	shalt  }
0x41: {  	_ =	shalt  }
0x42: {  	_ =	shalt  }
0x43: {  	_ =	shalt  }
0x44: {  	_ =	shalt  }
0x45: {  	_ =	shalt  }
0x46: {  	_ =	shalt  }
0x47: {  	_ =	shalt  }
0x48: {  	_ =	shalt  }
0x49: {  	_ =	shalt  }
0x4a: {  	_ =	shalt  }
0x4b: {  	_ =	shalt  }
0x4c: {  	_ =	shalt  }
0x4d: {  	_ =	shalt  }
0x4e: {  	_ =	shalt  }
0x4f: {  	_ =	shalt  }
0x50: {  	_ =	shalt  }
0x51: {  	_ =	shalt  }
0x52: {  	_ =	shalt  }
0x53: {  	_ =	shalt  }
0x54: {  	_ =	shalt  }
0x55: {  	_ =	shalt  }
0x56: {  	_ =	shalt  }
0x57: {  	_ =	shalt  }
0x58: {  	_ =	shalt  }
0x59: {  	_ =	shalt  }
0x5a: {  	_ =	shalt  }
0x5b: {  	_ =	shalt  }
0x5c: {  	_ =	shalt  }
0x5d: {  	_ =	shalt  }
0x5e: {  	_ =	shalt  }
0x5f: {  	_ =	shalt  }
0x60: {  	_ =	shalt  }
0x61: {  	_ =	shalt  }
0x62: {  	_ =	shalt  }
0x63: {  	_ =	shalt  }
0x64: {  	_ =	shalt  }
0x65: {  	_ =	shalt  }
0x66: {  	_ =	shalt  }
0x67: {  	_ =	shalt  }
0x68: {  	_ =	shalt  }
0x69: {  	_ =	shalt  }
0x6a: {  	_ =	shalt  }
0x6b: {  	_ =	shalt  }
0x6c: {  	_ =	shalt  }
0x6d: {  	_ =	shalt  }
0x6e: {  	_ =	shalt  }
0x6f: {  	_ =	shalt  }
0x70: {  	_ =	shalt  }
0x71: {  	_ =	shalt  }
0x72: {  	_ =	shalt  }
0x73: {  	_ =	shalt  }
0x74: {  	_ =	shalt  }
0x75: {  	_ =	shalt  }
0x76: {  	_ =	shalt  }
0x77: {  	_ =	shalt  }
0x78: {  	_ =	shalt  }
0x79: {  	_ =	shalt  }
0x7a: {  	_ =	shalt  }
0x7b: {  	_ =	shalt  }
0x7c: {  	_ =	shalt  }
0x7d: {  	_ =	shalt  }
0x7e: {  	_ =	shalt  }
0x7f: {  	_ =	shalt  }
0x80: {  	_ =	shalt  }
0x81: {  	_ =	shalt  }
0x82: {  	_ =	shalt  }
0x83: {  	_ =	shalt  }
0x84: {  	_ =	shalt  }
0x85: {  	_ =	shalt  }
0x86: {  	_ =	shalt  }
0x87: {  	_ =	shalt  }
.Lfunc_end0:
.L_simem_size_0:
called_computation_lowered:
.L_overlay_start_0:
0x88: {  	s2 =	sld [smem:$0x3FD9]  }
0x89: {  	s3 =	sld [smem:$0x3FFE];
	_ =	sdelay $0x1  }
0x8a: {  	s1 =	srdreg.scid  }
0x8b: {  	s0 =	sand.u32 $0x1, s1  }
0x8c: {  	s17 =	sshll.u32 s0, $0xA;
	s2 =	sadd.s32 s3, s2  }
0x8d: {  	s2 =	sadd.s32 s2, s17  }
0x8e: {  	[smem:$0x3FC5] =	sst s2  }
0x8f: {  	_ = 	snop  }
0x90: {  	s2 =	sld [smem:$0x3FD0];
	(tm) =	ssettm $0x1  }
0x91: {  	s18 =	sld [smem:$0x3FFB];
	_ =	sdelay $0x3  }
0x92: {  	_ =	strace s18  }
0x93: {  	s3 =	sld [smem:$0x3FFC];
	_ =	sdelay $0x3  }
0x94: {  	_ =	strace s3  }
0x95: {  	s3 =	sld [smem:$0x3FFD];
	_ =	sdelay $0x3  }
0x96: {  	_ =	strace s3  }
0x97: {  	_ =	strace $0x8FFFFFFF  }
0x98: {  	s19 =	sld [smem:$0x3FDB];
	_ =	sdelay $0x1  }
0x99: {  	s4 =	simm.s32 $_scs_section_size  }
0x9a: {  	s5 =	simm.s32 $_size__tile_overlayer_lowered;
	s6 =	simm.s32 $_tile_overlayer_lowered  }
0x9b: {  	s22 =	simm.s32 $0x1BFF;
	s21 =	sshll.u32 s6, $0x1;
	s3 =	sadd.s32 s4, s19  }
0x9c: {  	s7 =	simm.s32 $0x0;
	s20 =	sshll.u32 s5, $0x1;
	s5 =	sadd.s32 s21, s3  }
0x9d: {  	[timem:s7], [sflag:s22] =	dma.local [hbm:s5], s20  }
0x9e: {  	_ =	swait.ge [sflag:s22], s20  }
0x9f: {  	s4 =	ssub.s32 $0x0, s20;
	[sflag:s22] =	ssyncset.done $0x0  }
0xa0: {  	[sflag:s22] =	ssyncadd.s32 s4;
	_ =	sdelay $0x1  }
0xa1: {  	s23 =	simm.s32 $0x1B8B  }
0xa2: {  	_ =	swait.ge [sflag:s23], $0x1  }
0xa3: {  	[sflag:s23] =	ssyncset.done $0x0  }
0xa4: {  	s25 =	simm.s32 $0x1B8E;
	s24 =	sld [smem:$0x3FFE];
	[sflag:s23] =	ssyncadd.s32 $0xFFFFFFFF  }
0xa5: {  	s26 =	simm.s32 $execute0_lowered;
	[smem:$0x3FD2] =	sst s25  }
0xa6: {  	s5 =	sshll.u32 s26, $0x1;
	_ =	strace $0x80000046;
	[dreg:$0x1] =	wrdreg $0xFFFFFFFF  }
0xa7: {  	s28 =	simm.s32 $_size_execute0_lowered;
	s3 =	sadd.s32 s3, s5;
	[dreg:$0x0] =	wrdreg $0x0  }
0xa8: {  	s5 =	sshll.u32 s28, $0x1;
	[dreg:$0x2] =	wrdreg s3  }
0xa9: {  	[dreg:$0x3] =	wrdreg s5  }
0xaa: {  	[dreg:$0x4] =	wrdreg $0xC0  }
0xab: {  	_ =	task [dreg:s7], $0x5FFFF  }
0xac: {  	[dreg:$0x1] =	wrdreg $0xFFFFFFFF  }
0xad: {  	[dreg:$0x0] =	wrdreg $0x60  }
0xae: {  	[dreg:$0x2] =	wrdreg s24  }
0xaf: {  	[dreg:$0x3] =	wrdreg s2  }
0xb0: {  	[dreg:$0x4] =	wrdreg $0x9  }
0xb1: {  	_ =	task.clear_ibuf [dreg:s7], $0x5FFFF;
	_ =	strace $0x90000046  }
0xb2: {  	s29 =	simm.s32 $0x9;
	_ =	strace $0x80000048  }
0xb3: {  	_ =	swait.ge [sflag:s29], $0x1  }
0xb4: {  	[sflag:s29] =	ssyncadd.s32 $0xFFFFFFFF  }
0xb5: {  	_ =	strace $0x90000048  }
0xb6: {  	_ =	sfence  }
0xb7: {  	s30 =	sld [smem:$0x0];
	_ =	sdelay $0x2  }
0xb8: {  	s31 =	sshll.u32 s1, $0xD;
	s1 =	sshrl.u32 s1, $0x2  }
0xb9: {  	s3 =	sand.u32 $0x4000, s31;
	s1 =	sadd.s32 s1, s30  }
0xba: {  	s0 =	sor.u32 s3, s0;
	s1 =	sshll.u32 s1, $0x11  }
0xbb: {  	s0 =	sor.u32 s1, s0  }
0xbc: {  	s0 =	sadd.s32 $0x8F2B, s0  }
0xbd: {  	[sflag:s0] =	ssyncadd.remote.s32 $0x1  }
0xbe: {  	_ =	sfence.sel $0xFFFF  }
0xbf: {  	[dreg:$0x0] =	wrdreg $0xFFFFFFFF;
	(pc) =	sbr.abs _section_cstart, $3  }
0xc0: {  	[dreg:$0x1] =	wrdreg $0xFFFFFFFF  }
0xc1: {  	_ =	task.clear_ibuf [dreg:s7], $0x2FFFF;
	_ =	strace $0x9FFFFFFF  }
0xc2: {  	(tm) =	ssettm $0x7FFFFFFF  }
0xc3: {  	_ =	shalt  }
tec
execute0_lowered:
.L_overlay_start_1:
0x0: {  	(tag) =	ssettag $0x1  }
0x1: {  	s0 =	rddreg [dreg:$0x0]  }
0x2: {  	s1 =	rddreg [dreg:$0x1];
	s2 =	simm.s32 $0x0  }
0x3: {  	s3 =	simm.s32 $0x3A8;
	[smem:$0x7FF] =	sst s2  }
0x4: {  	s17 =	simm.s32 $0x7D80;
	_ =	strace $0x80000047;
	[dreg:$0x3] =	wrdreg s3  }
0x5: {  	s18 =	simm.s32 $0x410;
	[dreg:$0x4] =	wrdreg s17  }
0x6: {  	s19 =	simm.s32 $0x8A00;
	[dreg:$0x5] =	wrdreg s18  }
0x7: {  	s20 =	simm.s32 $0x478;
	[dreg:$0x6] =	wrdreg s19  }
0x8: {  	s21 =	simm.s32 $0x9680;
	[dreg:$0x7] =	wrdreg s20  }
0x9: {  	s22 =	simm.s32 $0x4E0;
	[dreg:$0x8] =	wrdreg s21  }
0xa: {  	s23 =	simm.s32 $0xA300;
	[dreg:$0x9] =	wrdreg s22  }
0xb: {  	s24 =	simm.s32 $0x548;
	[dreg:$0xa] =	wrdreg s23  }
0xc: {  	s25 =	simm.s32 $0xAF80;
	[dreg:$0xb] =	wrdreg s24  }
0xd: {  	s5 =	srdreg.scid;
	s26 =	simm.s32 $0x5B0;
	[dreg:$0xc] =	wrdreg s25  }
0xe: {  	s9 =	stileid.u32;
	s28 =	simm.s32 $0xBC00;
	[dreg:$0xd] =	wrdreg s26  }
0xf: {  	s11 =	simm.s32 $0x618;
	s13 =	simm.s32 $0xC880;
	[dreg:$0xe] =	wrdreg s28  }
0x10: {  	s14 =	simm.s32 $0x6E8;
	s15 =	simm.s32 $0xE180;
	[dreg:$0xf] =	wrdreg s11  }
0x11: {  	s29 =	simm.s32 $0x340;
	s30 =	simm.s32 $0x7100;
	[dreg:$0x10] =	wrdreg s13  }
0x12: {  	s31 =	simm.s32 $0x9C0;
	s4 =	sadd.s32 $0x600, s0;
	[dreg:$0x11] =	wrdreg s14  }
0x13: {  	s0 =	sadd.s32 $0x68600, s0;
	[dreg:$0x12] =	wrdreg s15;
	s17 =	simm.s32 $0x750  }
0x14: {  	s5 =	sand.u32 $0x1, s5;
	s19 =	simm.s32 $0xEE00;
	[dreg:$0x13] =	wrdreg s17  }
0x15: {  	s8 =	sshll.u32 s9, $0x1;
	s20 =	simm.s32 $0x7B8;
	[dreg:$0x14] =	wrdreg s19  }
0x16: {  	s12 =	smul.u32 $0x6800, s9;
	s22 =	simm.s32 $0xFA80;
	[dreg:$0x15] =	wrdreg s20  }
0x17: {  	s6 =	ssub.s32 $0x2, s5;
	s24 =	simm.s32 $0x820;
	[dreg:$0x16] =	wrdreg s22  }
0x18: {  	s8 =	sor.u32 s5, s8;
	s26 =	simm.s32 $0x10700;
	[dreg:$0x17] =	wrdreg s24  }
0x19: {  	s18 =	smul.u32 $0xC8000, s9;
	s28 =	simm.s32 $0x888;
	[dreg:$0x18] =	wrdreg s26  }
0x1a: {  	s25 =	smul.u32 $0x32000, s9;
	s9 =	simm.s32 $0x8F0;
	[dreg:$0x19] =	wrdreg s28  }
0x1b: {  	s16 =	smul.u32 $0x3400, s5;
	s11 =	simm.s32 $0x958;
	[dreg:$0x1b] =	wrdreg s9  }
0x1c: {  	s23 =	smul.u32 $0x64000, s5;
	s14 =	simm.s32 $0xA28;
	[dreg:$0x1d] =	wrdreg s11  }
0x1d: {  	s5 =	smul.u32 $0x19000, s5;
	s15 =	simm.s32 $0x14580;
	[dreg:$0x1f] =	wrdreg s14  }
0x1e: {  	s3 =	simm.s32 $0xD00;
	[smem:$0x7F1] =	sst s15;
	s17 =	simm.s32 $0x15200  }
0x1f: {  	s7 =	sshrl.u32 s6, $0x1;
	s19 =	simm.s32 $0x15E80;
	[smem:$0x7F3] =	sst s17  }
0x20: {  	s8 =	smul.u32 $0x3400, s8;
	s20 =	simm.s32 $0xB60;
	[smem:$0x7F5] =	sst s19  }
0x21: {  	s11 =	simm.s32 $0x9;
	s22 =	simm.s32 $0xBC8;
	[smem:$0x7F6] =	sst s20  }
0x22: {  	s24 =	simm.s32 $0xC30;
	s26 =	simm.s32 $0xC98;
	[smem:$0x7F8] =	sst s22  }
0x23: {  	s28 =	simm.s32 $0x19080;
	s9 =	simm.s32 $0xD500;
	[smem:$0x7FA] =	sst s24  }
0x24: {  	s14 =	simm.s32 $0x2;
	s15 =	simm.s32 $0xD500;
	[smem:$0x7FC] =	sst s26  }
0x25: {  	s6 =	ssub.s32 s6, s7;
	s7 =	simm.s32 $0x11380;
	[smem:$0x7FD] =	sst s28  }
0x26: {  	s21 =	sadd.s32 s18, s0;
	s18 =	simm.s32 $0xAF8;
	[dreg:$0x1a] =	wrdreg s7  }
0x27: {  	s17 =	simm.s32 $0x2;
	s10 =	sadd.s32 s4, s8;
	[smem:$0x7F4] =	sst s18  }
0x28: {  	s6 =	smax.u32 s6, $0x1;
	s4 =	sadd.s32 s12, s4;
	[smem:$0x7EB] =	sst s10  }
0x29: {  	s8 =	sadd.s32 s5, s25;
	s12 =	simm.s32 $0x12C80;
	[smem:$0x7EC] =	sst s6  }
0x2a: {  	s25 =	simm.s32 $0x18400;
	s7 =	simm.s32 $0x680;
	[dreg:$0x1e] =	wrdreg s12  }
0x2b: {  	s6 =	sadd.s32 s16, s4;
	s4 =	sadd.s32 s23, s21;
	[smem:$0x7FB] =	sst s25  }
0x2c: {  	s18 =	simm.s32 $0x13900;
	s10 =	simm.s32 $0x12000;
	[smem:$0x7ED] =	sst s4  }
0x2d: {  	s16 =	simm.s32 $0xA90;
	s12 =	simm.s32 $0x64;
	[dreg:$0x1c] =	wrdreg s10  }
0x2e: {  	s21 =	simm.s32 $0x16B00;
	s4 =	sshll.u32 s8, $0x2;
	[smem:$0x7F2] =	sst s16  }
0x2f: {  	s23 =	simm.s32 $0x17780;
	[smem:$0x7F7] =	sst s21;
	s0 =	sadd.s32 s4, s0  }
0x30: {  	[smem:$0x7F9] =	sst s23;
	s10 =	simm.s32 $0x9C0;
	s4 =	sadd.s32 $0x2580, s0  }
0x31: {  	s16 =	simm.s32 $0x3;
	s13 =	sadd.s32 $0x1900, s0;
	[smem:$0x7EE] =	sst s4  }
0x32: {  	s23 =	simm.s32 $0x4;
	s0 =	sadd.s32 $0xC80, s0;
	[smem:$0x7EF] =	sst s13  }
0x33: {  	[smem:$0x7F0] =	sst s0;
	s13 =	simm.s32 $0x1;
	s4 =	simm.s32 $0x0  }
.LBB2_1:
0x34: {  	s0 =	sld [smem:$0x7EB];
	_ =	sdelay $0x1  }
0x35: {  	[smem:$0x7EA] =	sst s4  }
0x36: {  	[tilespmem:s2], [sflag:$0x9] =	stream.linear.gather [hbm4b:s0+s2], $0x340, $0x38;
	[tilespmem:$0x19D00] =	vst v63  }
0x37: {  	_ =	swait.ge [sflag:s11], $0x340  }
0x38: {  	[sflag:s11] =	ssyncset.done $0x0  }
0x39: {  	[sflag:s11] =	ssyncadd.s32 $0xFFFFFCC0  }
0x3a: {  	[tilespmem:s3], [sflag:$0x1] =	stream.indirect.gather [hbm4b:s1+s12], $0x20, s2, s12, $0xb8;
	[tilespmem:$0x19D00] =	vst v63  }
0x3b: {  	s8 =	simm.s32 $0x68;
	s19 =	simm.s32 $0x1980  }
0x3c: {  	[tilespmem:s19], [sflag:$0x1] =	stream.indirect.gather [hbm4b:s1+s12], $0x20, s8, s12, $0xb8;
	[tilespmem:$0x19D00] =	vst v63  }
0x3d: {  	s20 =	simm.s32 $0xD0;
	s21 =	simm.s32 $0x2600  }
0x3e: {  	[tilespmem:s21], [sflag:$0x1] =	stream.indirect.gather [hbm4b:s1+s12], $0x20, s20, s12, $0xb8;
	[tilespmem:$0x19D00] =	vst v63  }
0x3f: {  	s22 =	simm.s32 $0x138;
	s24 =	simm.s32 $0x3280  }
0x40: {  	[tilespmem:s24], [sflag:$0x1] =	stream.indirect.gather [hbm4b:s1+s12], $0x20, s22, s12, $0xb8;
	[tilespmem:$0x19D00] =	vst v63  }
0x41: {  	s25 =	simm.s32 $0x1A0;
	s26 =	simm.s32 $0x3F00  }
0x42: {  	[tilespmem:s26], [sflag:$0x1] =	stream.indirect.gather [hbm4b:s1+s12], $0x20, s25, s12, $0xb8;
	[tilespmem:$0x19D00] =	vst v63  }
0x43: {  	s5 =	simm.s32 $0x208;
	s8 =	simm.s32 $0x4B80  }
0x44: {  	[tilespmem:s8], [sflag:$0x1] =	stream.indirect.gather [hbm4b:s1+s12], $0x20, s5, s12, $0xb8;
	[tilespmem:$0x19D00] =	vst v63  }
0x45: {  	p0 =	por $0x1, $0x1;
	s19 =	simm.s32 $0x270;
	s20 =	simm.s32 $0x5800  }
0x46: {  	[tilespmem:s20], [sflag:$0x1] =	stream.indirect.gather [hbm4b:s1+s12], $0x20, s19, s12, $0xb8;
	[tilespmem:$0x19D00] =	vst v63  }
0x47: {  	s21 =	simm.s32 $0x2D8;
	s22 =	simm.s32 $0x6480;
	s5 =	simm.s32 @!p0 $0x6  }
0x48: {  	[tilespmem:s22], [sflag:$0x1] =	stream.indirect.gather [hbm4b:s1+s12], $0x20, s21, s12, $0xb8;
	[tilespmem:$0x19D00] =	vst v63  }
0x49: {  	_ =	swait.ge @!p0 [sflag:s5], $0x6400  }
0x4a: {  	s4 =	sadd.s32 $0x0, s6;
	[sflag:s5] =	ssyncset.done @!p0 $0x0  }
0x4b: {  	s8 =	sadd.s32 $0x68, s4;
	[sflag:s5] =	ssyncadd.s32 @!p0 $0xFFFF9C00  }
0x4c: {  	[tilespmem:s29], [sflag:$0x9] =	stream.linear.gather [hbm4b:s8+s2], $0x340, $0x38;
	[tilespmem:$0x19D00] =	vst v63  }
0x4d: {  	_ =	swait.ge [sflag:s11], $0x340  }
0x4e: {  	s5 =	rddreg [dreg:$0x9]  }
0x4f: {  	s24 =	rddreg [dreg:$0x8]  }
0x50: {  	s19 =	rddreg [dreg:$0xe]  }
0x51: {  	s20 =	rddreg [dreg:$0xa]  }
0x52: {  	s21 =	rddreg [dreg:$0x7]  }
0x53: {  	s22 =	rddreg [dreg:$0x5];
	[sflag:s11] =	ssyncset.done $0x0  }
0x54: {  	s25 =	rddreg [dreg:$0x3];
	[sflag:s11] =	ssyncadd.s32 $0xFFFFFCC0  }
0x55: {  	[tilespmem:s30], [sflag:$0x2] =	stream.indirect.gather [hbm4b:s1+s12], $0x20, s29, s12, $0xb8;
	[tilespmem:$0x19D00] =	vst v63  }
0x56: {  	s26 =	rddreg [dreg:$0x4]  }
0x57: {  	[tilespmem:s26], [sflag:$0x2] =	stream.indirect.gather [hbm4b:s1+s12], $0x20, s25, s12, $0xb8;
	[tilespmem:$0x19D00] =	vst v63  }
0x58: {  	s28 =	rddreg [dreg:$0x6]  }
0x59: {  	[tilespmem:s28], [sflag:$0x2] =	stream.indirect.gather [hbm4b:s1+s12], $0x20, s22, s12, $0xb8;
	[tilespmem:$0x19D00] =	vst v63  }
0x5a: {  	s0 =	rddreg [dreg:$0xc]  }
0x5b: {  	[tilespmem:s24], [sflag:$0x2] =	stream.indirect.gather [hbm4b:s1+s12], $0x20, s21, s12, $0xb8;
	[tilespmem:$0x19D00] =	vst v63  }
0x5c: {  	s26 =	rddreg [dreg:$0xd]  }
0x5d: {  	[tilespmem:s20], [sflag:$0x2] =	stream.indirect.gather [hbm4b:s1+s12], $0x20, s5, s12, $0xb8;
	[tilespmem:$0x19D00] =	vst v63  }
0x5e: {  	s24 =	rddreg [dreg:$0xb]  }
0x5f: {  	[tilespmem:s0], [sflag:$0x2] =	stream.indirect.gather [hbm4b:s1+s12], $0x20, s24, s12, $0xb8;
	[tilespmem:$0x19D00] =	vst v63  }
0x60: {  	s22 =	rddreg [dreg:$0x10]  }
0x61: {  	[tilespmem:s19], [sflag:$0x2] =	stream.indirect.gather [hbm4b:s1+s12], $0x20, s26, s12, $0xb8;
	[tilespmem:$0x19D00] =	vst v63  }
0x62: {  	s0 =	rddreg [dreg:$0xf]  }
0x63: {  	[tilespmem:s22], [sflag:$0x2] =	stream.indirect.gather [hbm4b:s1+s12], $0x20, s0, s12, $0xb8;
	[tilespmem:$0x19D00] =	vst v63  }
0x64: {  	_ =	swait.ge [sflag:s13], $0x6400  }
0x65: {  	s0 =	sld [smem:$0x7ED]  }
0x66: {  	p1 =	por $0x1, $0x1;
	[sflag:s13] =	ssyncset.done $0x0  }
0x67: {  	s5 =	simm.s32 @!p1 $0x7;
	[sflag:s13] =	ssyncadd.s32 $0xFFFF9C00  }
0x68: {  	[hbm4b:s0+s2] =	stream.linear.scatter [tilespmem:s3], [sflag:$0x5], $0x6400, $0x38;
	[tilespmem:$0x19D00] =	vst v63  }
0x69: {  	_ =	swait.ge @!p1 [sflag:s5], $0x6400  }
0x6a: {  	[sflag:s5] =	ssyncset.done @!p1 $0x0  }
0x6b: {  	s20 =	sadd.s32 $0xD0, s4;
	[sflag:s5] =	ssyncadd.s32 @!p1 $0xFFFF9C00  }
0x6c: {  	[tilespmem:s7], [sflag:$0x9] =	stream.linear.gather [hbm4b:s20+s2], $0x340, $0x38;
	[tilespmem:$0x19D00] =	vst v63  }
0x6d: {  	_ =	swait.ge [sflag:s11], $0x340  }
0x6e: {  	s21 =	rddreg [dreg:$0x14]  }
0x6f: {  	s8 =	rddreg [dreg:$0x18]  }
0x70: {  	s19 =	rddreg [dreg:$0x1e]  }
0x71: {  	s20 =	rddreg [dreg:$0x1a]  }
0x72: {  	s26 =	rddreg [dreg:$0x13]  }
0x73: {  	[sflag:s11] =	ssyncset.done $0x0;
	s13 =	rddreg [dreg:$0x12]  }
0x74: {  	s24 =	rddreg [dreg:$0x15];
	[sflag:s11] =	ssyncadd.s32 $0xFFFFFCC0  }
0x75: {  	[tilespmem:s9], [sflag:$0x3] =	stream.indirect.gather [hbm4b:s1+s12], $0x20, s7, s12, $0xb8;
	[tilespmem:$0x19D00] =	vst v63  }
0x76: {  	s7 =	rddreg [dreg:$0x11]  }
0x77: {  	[tilespmem:s13], [sflag:$0x3] =	stream.indirect.gather [hbm4b:s1+s12], $0x20, s7, s12, $0xb8;
	[tilespmem:$0x19D00] =	vst v63  }
0x78: {  	s28 =	rddreg [dreg:$0x16]  }
0x79: {  	[tilespmem:s21], [sflag:$0x3] =	stream.indirect.gather [hbm4b:s1+s12], $0x20, s26, s12, $0xb8;
	[tilespmem:$0x19D00] =	vst v63  }
0x7a: {  	s3 =	rddreg [dreg:$0x17]  }
0x7b: {  	[tilespmem:s28], [sflag:$0x3] =	stream.indirect.gather [hbm4b:s1+s12], $0x20, s24, s12, $0xb8;
	[tilespmem:$0x19D00] =	vst v63  }
0x7c: {  	s22 =	rddreg [dreg:$0x1b]  }
0x7d: {  	[tilespmem:s8], [sflag:$0x3] =	stream.indirect.gather [hbm4b:s1+s12], $0x20, s3, s12, $0xb8;
	[tilespmem:$0x19D00] =	vst v63  }
0x7e: {  	s7 =	rddreg [dreg:$0x19]  }
0x7f: {  	[tilespmem:s20], [sflag:$0x3] =	stream.indirect.gather [hbm4b:s1+s12], $0x20, s7, s12, $0xb8;
	[tilespmem:$0x19D00] =	vst v63  }
0x80: {  	s13 =	rddreg [dreg:$0x1c]  }
0x81: {  	[tilespmem:s13], [sflag:$0x3] =	stream.indirect.gather [hbm4b:s1+s12], $0x20, s22, s12, $0xb8;
	[tilespmem:$0x19D00] =	vst v63  }
0x82: {  	s24 =	rddreg [dreg:$0x1d]  }
0x83: {  	[tilespmem:s19], [sflag:$0x3] =	stream.indirect.gather [hbm4b:s1+s12], $0x20, s24, s12, $0xb8;
	[tilespmem:$0x19D00] =	vst v63  }
0x84: {  	_ =	swait.ge [sflag:s14], $0x6400  }
0x85: {  	s3 =	sld [smem:$0x7F0]  }
0x86: {  	[sflag:s14] =	ssyncset.done $0x0  }
0x87: {  	s5 =	simm.s32 @!p0 $0x8;
	[sflag:s14] =	ssyncadd.s32 $0xFFFF9C00  }
0x88: {  	[hbm4b:s3+s2] =	stream.linear.scatter [tilespmem:s30], [sflag:$0x6], $0x6400, $0x38;
	[tilespmem:$0x19D00] =	vst v63  }
0x89: {  	_ =	swait.ge @!p0 [sflag:s5], $0x6400  }
0x8a: {  	[sflag:s5] =	ssyncset.done @!p0 $0x0  }
0x8b: {  	s4 =	sadd.s32 $0x138, s4;
	[sflag:s5] =	ssyncadd.s32 @!p0 $0xFFFF9C00  }
0x8c: {  	[tilespmem:s10], [sflag:$0x9] =	stream.linear.gather [hbm4b:s4+s2], $0x340, $0x38;
	[tilespmem:$0x19D00] =	vst v63  }
0x8d: {  	_ =	swait.ge [sflag:s11], $0x340  }
0x8e: {  	s4 =	sld [smem:$0x7FB]  }
0x8f: {  	s25 =	sld [smem:$0x7F4]  }
0x90: {  	s26 =	sld [smem:$0x7F2]  }
0x91: {  	s19 =	sld [smem:$0x7F9]  }
0x92: {  	s13 =	rddreg [dreg:$0x1f]  }
0x93: {  	s14 =	sld [smem:$0x7F1]  }
0x94: {  	[sflag:s11] =	ssyncset.done $0x0;
	s24 =	sld [smem:$0x7F7]  }
0x95: {  	s7 =	sld [smem:$0x7F5];
	[sflag:s11] =	ssyncadd.s32 $0xFFFFFCC0  }
0x96: {  	[tilespmem:s18], [sflag:$0x4] =	stream.indirect.gather [hbm4b:s1+s12], $0x20, s10, s12, $0xb8;
	[tilespmem:$0x19D00] =	vst v63  }
0x97: {  	s18 =	sld [smem:$0x7F3]  }
0x98: {  	[tilespmem:s14], [sflag:$0x4] =	stream.indirect.gather [hbm4b:s1+s12], $0x20, s13, s12, $0xb8;
	[tilespmem:$0x19D00] =	vst v63  }
0x99: {  	s21 =	sld [smem:$0x7FC]  }
0x9a: {  	[tilespmem:s18], [sflag:$0x4] =	stream.indirect.gather [hbm4b:s1+s12], $0x20, s26, s12, $0xb8;
	[tilespmem:$0x19D00] =	vst v63  }
0x9b: {  	s10 =	sld [smem:$0x7F6]  }
0x9c: {  	[tilespmem:s7], [sflag:$0x4] =	stream.indirect.gather [hbm4b:s1+s12], $0x20, s25, s12, $0xb8;
	[tilespmem:$0x19D00] =	vst v63  }
0x9d: {  	s13 =	sld [smem:$0x7F8]  }
0x9e: {  	[tilespmem:s24], [sflag:$0x4] =	stream.indirect.gather [hbm4b:s1+s12], $0x20, s10, s12, $0xb8;
	[tilespmem:$0x19D00] =	vst v63  }
0x9f: {  	s14 =	sld [smem:$0x7FA]  }
0xa0: {  	[tilespmem:s19], [sflag:$0x4] =	stream.indirect.gather [hbm4b:s1+s12], $0x20, s13, s12, $0xb8;
	[tilespmem:$0x19D00] =	vst v63  }
0xa1: {  	s18 =	sld [smem:$0x7FD]  }
0xa2: {  	[tilespmem:s4], [sflag:$0x4] =	stream.indirect.gather [hbm4b:s1+s12], $0x20, s14, s12, $0xb8;
	[tilespmem:$0x19D00] =	vst v63  }
0xa3: {  	_ = 	snop  }
0xa4: {  	[tilespmem:s18], [sflag:$0x4] =	stream.indirect.gather [hbm4b:s1+s12], $0x20, s21, s12, $0xb8;
	[tilespmem:$0x19D00] =	vst v63  }
0xa5: {  	_ =	swait.ge [sflag:s16], $0x6400  }
0xa6: {  	s22 =	sld [smem:$0x7EF]  }
0xa7: {  	p1 =	por $0x0, $0x0;
	[sflag:s16] =	ssyncset.done $0x0  }
0xa8: {  	s8 =	simm.s32 @!p1 $0x5;
	s26 =	sadd.s32 $0x3200, s3;
	[sflag:s16] =	ssyncadd.s32 $0xFFFF9C00  }
0xa9: {  	[hbm4b:s22+s2] =	stream.linear.scatter [tilespmem:s9], [sflag:$0x7], $0x6400, $0x38;
	[tilespmem:$0x19D00] =	vst v63  }
0xaa: {  	s25 =	simm.s32 $0x1A0;
	s19 =	sadd.s32 $0x3200, s0;
	_ =	swait.ge @!p1 [sflag:s8], $0x6400  }
0xab: {  	s4 =	sadd.s32 @!p1 $0x0, s6;
	s14 =	simm.s32 $0x1;
	s24 =	sld [smem:$0x7EE]  }
0xac: {  	s20 =	sadd.s32 @!p1 $0x1A0, s4;
	s4 =	simm.s32 $0x0;
	s21 =	simm.s32 @!p1 $0x0  }
0xad: {  	s28 =	sadd.s32 $0x3200, s22;
	s22 =	simm.s32 @!p1 $0x9;
	[sflag:s8] =	ssyncset.done @!p1 $0x0  }
0xae: {  	[sflag:s8] =	ssyncadd.s32 @!p1 $0xFFFF9C00;
	s5 =	sadd.s32 $0x3200, s24;
	s8 =	smov.u32 s24  }
.LBB2_2:
0xaf: {  	[tilespmem:s21], [sflag:$0x9] =	stream.linear.gather @!p1 [hbm4b:s20+s21], $0x340, $0x38;
	[tilespmem:$0x19D00] =	vst v63  }
0xb0: {  	_ =	swait.ge @!p1 [sflag:s22], $0x340  }
0xb1: {  	[sflag:s22] =	ssyncset.done @!p1 $0x0  }
0xb2: {  	s7 =	simm.s32 @!p1 $0x64;
	s9 =	simm.s32 @!p1 $0xD00;
	[sflag:s22] =	ssyncadd.s32 @!p1 $0xFFFFFCC0  }
0xb3: {  	[tilespmem:s9], [sflag:$0x1] =	stream.indirect.gather @!p1 [hbm4b:s1+s7], $0x20, s21, s7, $0xb8;
	[tilespmem:$0x19D00] =	vst v63  }
0xb4: {  	s24 =	simm.s32 @!p1 $0x1980;
	s22 =	simm.s32 @!p1 $0x68  }
0xb5: {  	[tilespmem:s24], [sflag:$0x1] =	stream.indirect.gather @!p1 [hbm4b:s1+s7], $0x20, s22, s7, $0xb8;
	[tilespmem:$0x19D00] =	vst v63  }
0xb6: {  	s10 =	simm.s32 @!p1 $0x2600;
	s9 =	simm.s32 @!p1 $0xD0  }
0xb7: {  	[tilespmem:s10], [sflag:$0x1] =	stream.indirect.gather @!p1 [hbm4b:s1+s7], $0x20, s9, s7, $0xb8;
	[tilespmem:$0x19D00] =	vst v63  }
0xb8: {  	s22 =	simm.s32 @!p1 $0x138;
	s24 =	simm.s32 @!p1 $0x3280  }
0xb9: {  	[tilespmem:s24], [sflag:$0x1] =	stream.indirect.gather @!p1 [hbm4b:s1+s7], $0x20, s22, s7, $0xb8;
	[tilespmem:$0x19D00] =	vst v63  }
0xba: {  	s9 =	simm.s32 @!p1 $0x1A0;
	s10 =	simm.s32 @!p1 $0x3F00  }
0xbb: {  	[tilespmem:s10], [sflag:$0x1] =	stream.indirect.gather @!p1 [hbm4b:s1+s7], $0x20, s9, s7, $0xb8;
	[tilespmem:$0x19D00] =	vst v63  }
0xbc: {  	s9 =	simm.s32 @!p1 $0x208;
	s10 =	simm.s32 @!p1 $0x4B80  }
0xbd: {  	[tilespmem:s10], [sflag:$0x1] =	stream.indirect.gather @!p1 [hbm4b:s1+s7], $0x20, s9, s7, $0xb8;
	[tilespmem:$0x19D00] =	vst v63  }
0xbe: {  	s9 =	simm.s32 @!p1 $0x270;
	s10 =	simm.s32 @!p1 $0x5800  }
0xbf: {  	[tilespmem:s10], [sflag:$0x1] =	stream.indirect.gather @!p1 [hbm4b:s1+s7], $0x20, s9, s7, $0xb8;
	[tilespmem:$0x19D00] =	vst v63  }
0xc0: {  	s9 =	simm.s32 @!p1 $0x2D8;
	s10 =	simm.s32 @!p1 $0x6480  }
0xc1: {  	[tilespmem:s10], [sflag:$0x1] =	stream.indirect.gather @!p1 [hbm4b:s1+s7], $0x20, s9, s7, $0xb8;
	[tilespmem:$0x19D00] =	vst v63  }
0xc2: {  	s20 =	smov.u32 s25;
	_ =	swait.ge [sflag:s23], $0x6400  }
0xc3: {  	p1 =	seq.s32 s20, $0x0;
	[sflag:s23] =	ssyncset.done $0x0  }
0xc4: {  	s16 =	simm.s32 $0x13900;
	s7 =	simm.s32 @!p1 $0x6;
	[sflag:s23] =	ssyncadd.s32 $0xFFFF9C00  }
0xc5: {  	[hbm4b:s8+s2] =	stream.linear.scatter [tilespmem:s16], [sflag:$0x8], $0x6400, $0x38;
	[tilespmem:$0x19D00] =	vst v63  }
0xc6: {  	_ =	swait.ge @!p1 [sflag:s7], $0x6400  }
0xc7: {  	s22 =	sadd.s32 s20, s6;
	[sflag:s7] =	ssyncset.done @!p1 $0x0  }
0xc8: {  	s13 =	sadd.s32 $0x68, s22;
	[sflag:s7] =	ssyncadd.s32 @!p1 $0xFFFF9C00  }
0xc9: {  	[tilespmem:s29], [sflag:$0x9] =	stream.linear.gather [hbm4b:s13+s2], $0x340, $0x38;
	[tilespmem:$0x19D00] =	vst v63  }
0xca: {  	_ =	swait.ge [sflag:s11], $0x340  }
0xcb: {  	s7 =	rddreg [dreg:$0x9]  }
0xcc: {  	s9 =	rddreg [dreg:$0x8]  }
0xcd: {  	s10 =	rddreg [dreg:$0xe]  }
0xce: {  	s24 =	rddreg [dreg:$0xa]  }
0xcf: {  	[sflag:s11] =	ssyncset.done $0x0;
	s23 =	rddreg [dreg:$0x7]  }
0xd0: {  	s13 =	rddreg [dreg:$0x5];
	[sflag:s11] =	ssyncadd.s32 $0xFFFFFCC0  }
0xd1: {  	[tilespmem:s30], [sflag:$0x2] =	stream.indirect.gather [hbm4b:s1+s12], $0x20, s29, s12, $0xb8;
	[tilespmem:$0x19D00] =	vst v63  }
0xd2: {  	s29 =	rddreg [dreg:$0x3]  }
0xd3: {  	s30 =	rddreg [dreg:$0x4]  }
0xd4: {  	[tilespmem:s30], [sflag:$0x2] =	stream.indirect.gather [hbm4b:s1+s12], $0x20, s29, s12, $0xb8;
	[tilespmem:$0x19D00] =	vst v63  }
0xd5: {  	s3 =	rddreg [dreg:$0x6]  }
0xd6: {  	[tilespmem:s3], [sflag:$0x2] =	stream.indirect.gather [hbm4b:s1+s12], $0x20, s13, s12, $0xb8;
	[tilespmem:$0x19D00] =	vst v63  }
0xd7: {  	s0 =	rddreg [dreg:$0xc]  }
0xd8: {  	[tilespmem:s9], [sflag:$0x2] =	stream.indirect.gather [hbm4b:s1+s12], $0x20, s23, s12, $0xb8;
	[tilespmem:$0x19D00] =	vst v63  }
0xd9: {  	s18 =	rddreg [dreg:$0x10]  }
0xda: {  	[tilespmem:s24], [sflag:$0x2] =	stream.indirect.gather [hbm4b:s1+s12], $0x20, s7, s12, $0xb8;
	[tilespmem:$0x19D00] =	vst v63  }
0xdb: {  	s23 =	rddreg [dreg:$0xb]  }
0xdc: {  	[tilespmem:s0], [sflag:$0x2] =	stream.indirect.gather [hbm4b:s1+s12], $0x20, s23, s12, $0xb8;
	[tilespmem:$0x19D00] =	vst v63  }
0xdd: {  	s24 =	rddreg [dreg:$0xd]  }
0xde: {  	[tilespmem:s10], [sflag:$0x2] =	stream.indirect.gather [hbm4b:s1+s12], $0x20, s24, s12, $0xb8;
	[tilespmem:$0x19D00] =	vst v63  }
0xdf: {  	s9 =	rddreg [dreg:$0xf]  }
0xe0: {  	[tilespmem:s18], [sflag:$0x2] =	stream.indirect.gather [hbm4b:s1+s12], $0x20, s9, s12, $0xb8;
	[tilespmem:$0x19D00] =	vst v63  }
0xe1: {  	_ =	swait.ge [sflag:s14], $0x6400  }
0xe2: {  	p2 =	sgt.u32 s4, $0x7B;
	[sflag:s14] =	ssyncset.done $0x0  }
0xe3: {  	s0 =	simm.s32 @!p2 $0x7;
	s10 =	simm.s32 $0xD00;
	[sflag:s14] =	ssyncadd.s32 $0xFFFF9C00  }
0xe4: {  	[hbm4b:s19+s2] =	stream.linear.scatter [tilespmem:s10], [sflag:$0x5], $0x6400, $0x38;
	[tilespmem:$0x19D00] =	vst v63  }
0xe5: {  	_ =	swait.ge @!p2 [sflag:s0], $0x6400  }
0xe6: {  	[sflag:s0] =	ssyncset.done @!p2 $0x0  }
0xe7: {  	s13 =	sadd.s32 $0xD0, s22;
	s18 =	simm.s32 $0x680;
	[sflag:s0] =	ssyncadd.s32 @!p2 $0xFFFF9C00  }
0xe8: {  	[tilespmem:s18], [sflag:$0x9] =	stream.linear.gather [hbm4b:s13+s2], $0x340, $0x38;
	[tilespmem:$0x19D00] =	vst v63  }
0xe9: {  	_ =	swait.ge [sflag:s11], $0x340  }
0xea: {  	s0 =	rddreg [dreg:$0x14]  }
0xeb: {  	s3 =	rddreg [dreg:$0x18]  }
0xec: {  	s7 =	rddreg [dreg:$0x1e]  }
0xed: {  	s9 =	rddreg [dreg:$0x1a]  }
0xee: {  	s10 =	rddreg [dreg:$0x13]  }
0xef: {  	[sflag:s11] =	ssyncset.done $0x0;
	s23 =	rddreg [dreg:$0x11]  }
0xf0: {  	s24 =	rddreg [dreg:$0x15];
	[sflag:s11] =	ssyncadd.s32 $0xFFFFFCC0  }
0xf1: {  	[tilespmem:s15], [sflag:$0x3] =	stream.indirect.gather [hbm4b:s1+s12], $0x20, s18, s12, $0xb8;
	[tilespmem:$0x19D00] =	vst v63  }
0xf2: {  	s18 =	rddreg [dreg:$0x12]  }
0xf3: {  	[tilespmem:s18], [sflag:$0x3] =	stream.indirect.gather [hbm4b:s1+s12], $0x20, s23, s12, $0xb8;
	[tilespmem:$0x19D00] =	vst v63  }
0xf4: {  	s29 =	rddreg [dreg:$0x16]  }
0xf5: {  	[tilespmem:s0], [sflag:$0x3] =	stream.indirect.gather [hbm4b:s1+s12], $0x20, s10, s12, $0xb8;
	[tilespmem:$0x19D00] =	vst v63  }
0xf6: {  	s30 =	rddreg [dreg:$0x17]  }
0xf7: {  	[tilespmem:s29], [sflag:$0x3] =	stream.indirect.gather [hbm4b:s1+s12], $0x20, s24, s12, $0xb8;
	[tilespmem:$0x19D00] =	vst v63  }
0xf8: {  	s13 =	rddreg [dreg:$0x19]  }
0xf9: {  	[tilespmem:s3], [sflag:$0x3] =	stream.indirect.gather [hbm4b:s1+s12], $0x20, s30, s12, $0xb8;
	[tilespmem:$0x19D00] =	vst v63  }
0xfa: {  	s18 =	rddreg [dreg:$0x1c]  }
0xfb: {  	[tilespmem:s9], [sflag:$0x3] =	stream.indirect.gather [hbm4b:s1+s12], $0x20, s13, s12, $0xb8;
	[tilespmem:$0x19D00] =	vst v63  }
0xfc: {  	s23 =	rddreg [dreg:$0x1b]  }
0xfd: {  	[tilespmem:s18], [sflag:$0x3] =	stream.indirect.gather [hbm4b:s1+s12], $0x20, s23, s12, $0xb8;
	[tilespmem:$0x19D00] =	vst v63  }
0xfe: {  	s24 =	rddreg [dreg:$0x1d]  }
0xff: {  	[tilespmem:s7], [sflag:$0x3] =	stream.indirect.gather [hbm4b:s1+s12], $0x20, s24, s12, $0xb8;
	[tilespmem:$0x19D00] =	vst v63  }
0x100: {  	_ =	swait.ge [sflag:s17], $0x6400  }
0x101: {  	[sflag:s17] =	ssyncset.done $0x0  }
0x102: {  	s0 =	simm.s32 @!p1 $0x8;
	s30 =	simm.s32 $0x7100;
	[sflag:s17] =	ssyncadd.s32 $0xFFFF9C00  }
0x103: {  	[hbm4b:s26+s2] =	stream.linear.scatter [tilespmem:s30], [sflag:$0x6], $0x6400, $0x38;
	[tilespmem:$0x19D00] =	vst v63  }
0x104: {  	_ =	swait.ge @!p1 [sflag:s0], $0x6400  }
0x105: {  	[sflag:s0] =	ssyncset.done @!p1 $0x0  }
0x106: {  	s10 =	sadd.s32 $0x138, s22;
	[sflag:s0] =	ssyncadd.s32 @!p1 $0xFFFF9C00  }
0x107: {  	[tilespmem:s31], [sflag:$0x9] =	stream.linear.gather [hbm4b:s10+s2], $0x340, $0x38;
	[tilespmem:$0x19D00] =	vst v63  }
0x108: {  	_ =	swait.ge [sflag:s11], $0x340  }
0x109: {  	s0 =	sld [smem:$0x7FB]  }
0x10a: {  	s3 =	sld [smem:$0x7F4]  }
0x10b: {  	s7 =	sld [smem:$0x7F2]  }
0x10c: {  	s9 =	sld [smem:$0x7F9]  }
0x10d: {  	s10 =	rddreg [dreg:$0x1f]  }
0x10e: {  	s13 =	sld [smem:$0x7F1]  }
0x10f: {  	[sflag:s11] =	ssyncset.done $0x0;
	s22 =	sld [smem:$0x7F3]  }
0x110: {  	s23 =	sld [smem:$0x7F7];
	[sflag:s11] =	ssyncadd.s32 $0xFFFFFCC0  }
0x111: {  	[tilespmem:s16], [sflag:$0x4] =	stream.indirect.gather [hbm4b:s1+s12], $0x20, s31, s12, $0xb8;
	[tilespmem:$0x19D00] =	vst v63  }
0x112: {  	s24 =	sld [smem:$0x7F5]  }
0x113: {  	[tilespmem:s13], [sflag:$0x4] =	stream.indirect.gather [hbm4b:s1+s12], $0x20, s10, s12, $0xb8;
	[tilespmem:$0x19D00] =	vst v63  }
0x114: {  	s10 =	sld [smem:$0x7F6]  }
0x115: {  	[tilespmem:s22], [sflag:$0x4] =	stream.indirect.gather [hbm4b:s1+s12], $0x20, s7, s12, $0xb8;
	[tilespmem:$0x19D00] =	vst v63  }
0x116: {  	s13 =	sld [smem:$0x7FA]  }
0x117: {  	[tilespmem:s24], [sflag:$0x4] =	stream.indirect.gather [hbm4b:s1+s12], $0x20, s3, s12, $0xb8;
	[tilespmem:$0x19D00] =	vst v63  }
0x118: {  	s25 =	sadd.s32 $0x1A0, s25;
	s7 =	sld [smem:$0x7F8]  }
0x119: {  	[tilespmem:s23], [sflag:$0x4] =	stream.indirect.gather [hbm4b:s1+s12], $0x20, s10, s12, $0xb8;
	[tilespmem:$0x19D00] =	vst v63  }
0x11a: {  	s4 =	sadd.s32 $0x4, s4;
	p0 =	sne.s32 s25, $0x3400;
	s22 =	sld [smem:$0x7FD]  }
0x11b: {  	[tilespmem:s9], [sflag:$0x4] =	stream.indirect.gather [hbm4b:s1+s12], $0x20, s7, s12, $0xb8;
	[tilespmem:$0x19D00] =	vst v63  }
0x11c: {  	s21 =	smov.u32 s28;
	s28 =	sadd.s32 $0x3200, s28;
	s24 =	sld [smem:$0x7FC]  }
0x11d: {  	[tilespmem:s0], [sflag:$0x4] =	stream.indirect.gather [hbm4b:s1+s12], $0x20, s13, s12, $0xb8;
	[tilespmem:$0x19D00] =	vst v63  }
0x11e: {  	s8 =	smov.u32 s5;
	s5 =	sadd.s32 $0x3200, s5;
	s16 =	simm.s32 $0x3  }
0x11f: {  	[tilespmem:s22], [sflag:$0x4] =	stream.indirect.gather [hbm4b:s1+s12], $0x20, s24, s12, $0xb8;
	[tilespmem:$0x19D00] =	vst v63  }
0x120: {  	s19 =	sadd.s32 $0x3200, s19;
	s29 =	simm.s32 $0x340;
	_ =	swait.ge [sflag:s16], $0x6400  }
0x121: {  	s18 =	simm.s32 $0x13900;
	p1 =	seq.s32 s20, $0x3260;
	[sflag:s16] =	ssyncset.done $0x0  }
.Ltmp0:
0x122: {  	s0 =	simm.s32 @!p1 $0x5;
	[sflag:s16] =	ssyncadd.s32 $0xFFFF9C00;
	(pc) =	sbr.rel @p0 .LBB2_2-.Ltmp0, $4  }
0x123: {  	[hbm4b:s21+s2] =	stream.linear.scatter [tilespmem:s15], [sflag:$0x7], $0x6400, $0x38;
	[tilespmem:$0x19D00] =	vst v63  }
0x124: {  	s26 =	sadd.s32 $0x3200, s26;
	s3 =	sadd.s32 @!p1 s20, s6;
	_ =	swait.ge @!p1 [sflag:s0], $0x6400  }
0x125: {  	s20 =	sadd.s32 @!p1 $0x1A0, s3;
	s23 =	simm.s32 $0x4;
	[sflag:s0] =	ssyncset.done @!p1 $0x0  }
0x126: {  	s22 =	simm.s32 @!p1 $0x9;
	s21 =	simm.s32 @!p1 $0x0;
	[sflag:s0] =	ssyncadd.s32 @!p1 $0xFFFF9C00  }
0x127: {  	[tilespmem:s21], [sflag:$0x9] =	stream.linear.gather @!p1 [hbm4b:s20+s21], $0x340, $0x38;
	[tilespmem:$0x19D00] =	vst v63  }
0x128: {  	_ =	swait.ge @!p1 [sflag:s22], $0x340  }
0x129: {  	[sflag:s22] =	ssyncset.done @!p1 $0x0  }
0x12a: {  	s0 =	simm.s32 @!p1 $0x64;
	s3 =	simm.s32 @!p1 $0xD00;
	[sflag:s22] =	ssyncadd.s32 @!p1 $0xFFFFFCC0  }
0x12b: {  	[tilespmem:s3], [sflag:$0x1] =	stream.indirect.gather @!p1 [hbm4b:s1+s0], $0x20, s21, s0, $0xb8;
	[tilespmem:$0x19D00] =	vst v63  }
0x12c: {  	s4 =	simm.s32 @!p1 $0x1980;
	s3 =	simm.s32 @!p1 $0x68  }
0x12d: {  	[tilespmem:s4], [sflag:$0x1] =	stream.indirect.gather @!p1 [hbm4b:s1+s0], $0x20, s3, s0, $0xb8;
	[tilespmem:$0x19D00] =	vst v63  }
0x12e: {  	s3 =	simm.s32 @!p1 $0xD0;
	s4 =	simm.s32 @!p1 $0x2600  }
0x12f: {  	[tilespmem:s4], [sflag:$0x1] =	stream.indirect.gather @!p1 [hbm4b:s1+s0], $0x20, s3, s0, $0xb8;
	[tilespmem:$0x19D00] =	vst v63  }
0x130: {  	s3 =	simm.s32 @!p1 $0x138;
	s4 =	simm.s32 @!p1 $0x3280  }
0x131: {  	[tilespmem:s4], [sflag:$0x1] =	stream.indirect.gather @!p1 [hbm4b:s1+s0], $0x20, s3, s0, $0xb8;
	[tilespmem:$0x19D00] =	vst v63  }
0x132: {  	s3 =	simm.s32 @!p1 $0x1A0;
	s4 =	simm.s32 @!p1 $0x3F00  }
0x133: {  	[tilespmem:s4], [sflag:$0x1] =	stream.indirect.gather @!p1 [hbm4b:s1+s0], $0x20, s3, s0, $0xb8;
	[tilespmem:$0x19D00] =	vst v63  }
0x134: {  	s3 =	simm.s32 @!p1 $0x208;
	s4 =	simm.s32 @!p1 $0x4B80  }
0x135: {  	[tilespmem:s4], [sflag:$0x1] =	stream.indirect.gather @!p1 [hbm4b:s1+s0], $0x20, s3, s0, $0xb8;
	[tilespmem:$0x19D00] =	vst v63  }
0x136: {  	s3 =	simm.s32 @!p1 $0x270;
	s4 =	simm.s32 @!p1 $0x5800  }
0x137: {  	[tilespmem:s4], [sflag:$0x1] =	stream.indirect.gather @!p1 [hbm4b:s1+s0], $0x20, s3, s0, $0xb8;
	[tilespmem:$0x19D00] =	vst v63  }
0x138: {  	s3 =	simm.s32 @!p1 $0x2D8;
	s4 =	simm.s32 @!p1 $0x6480  }
0x139: {  	[tilespmem:s4], [sflag:$0x1] =	stream.indirect.gather @!p1 [hbm4b:s1+s0], $0x20, s3, s0, $0xb8;
	[tilespmem:$0x19D00] =	vst v63  }
0x13a: {  	_ =	swait.ge [sflag:s23], $0x6400  }
0x13b: {  	[sflag:s23] =	ssyncset.done $0x0  }
0x13c: {  	s21 =	simm.s32 $0x5;
	[sflag:s23] =	ssyncadd.s32 $0xFFFF9C00  }
0x13d: {  	[hbm4b:s8+s2] =	stream.linear.scatter [tilespmem:s18], [sflag:$0x8], $0x6400, $0x38;
	[tilespmem:$0x19D00] =	vst v63  }
0x13e: {  	_ =	swait.ge [sflag:s21], $0x6400  }
0x13f: {  	[sflag:s21] =	ssyncset.done $0x0  }
0x140: {  	s22 =	simm.s32 $0x6;
	[sflag:s21] =	ssyncadd.s32 $0xFFFF9C00  }
0x141: {  	_ =	swait.ge [sflag:s22], $0x6400  }
0x142: {  	[sflag:s22] =	ssyncset.done $0x0  }
0x143: {  	s24 =	simm.s32 $0x7;
	[sflag:s22] =	ssyncadd.s32 $0xFFFF9C00  }
0x144: {  	_ =	swait.ge [sflag:s24], $0x6400  }
0x145: {  	[sflag:s24] =	ssyncset.done $0x0  }
0x146: {  	s25 =	simm.s32 $0x8;
	[sflag:s24] =	ssyncadd.s32 $0xFFFF9C00  }
0x147: {  	_ =	swait.ge [sflag:s25], $0x6400  }
0x148: {  	s26 =	sld [smem:$0x7EA]  }
0x149: {  	s28 =	sld [smem:$0x7EC];
	_ =	sdelay $0x1  }
0x14a: {  	s4 =	sadd.s32 $0x1, s26  }
0x14b: {  	p0 =	sne.s32 s4, s28  }
.Ltmp1:
0x14c: {  	_ = 	snop;
	(pc) =	sbr.rel @p0 .LBB2_1-.Ltmp1, $4  }
0x14d: {  	_ = 	snop  }
0x14e: {  	s7 =	simm.s32 $0x680;
	s9 =	simm.s32 $0xD500  }
0x14f: {  	s10 =	simm.s32 $0x9C0;
	s13 =	simm.s32 $0x1;
	[sflag:s25] =	ssyncset.done $0x0  }
0x150: {  	s14 =	simm.s32 $0x2;
	s3 =	simm.s32 $0xD00;
	[sflag:s25] =	ssyncadd.s32 $0xFFFF9C00  }
0x151: {  	_ =	sfence.sel $0x180000  }
0x152: {  	[bflag:$0x0] =	sbarrier.arrive $0xFFFF  }
0x153: {  	_ =	strace $0x90000047  }
0x154: {  	s0 =	stileid.u32;
	[bflag:$0x2] =	sbarrier.arrive $0xFFFF  }
0x155: {  	p0 =	sne.s32 s0, $0x0;
	s0 =	rddreg [dreg:$0x2]  }
0x156: {  	s0 =	sadd.s32 @!p0 $0x100000, s0  }
0x157: {  	[sflag:s0] =	ssyncadd.tile.s32 @!p0 $0x1;
	_ =	shalt  }
.Lfunc_end2:
_tile_overlayer_lowered:
.L_overlay_start_2:
0x158: {  	(tag) =	ssettag $0x2  }
0x159: {  	s0 =	rddreg [dreg:$0x0];
	s2 =	stileid.u32  }
0x15a: {  	s1 =	rddreg [dreg:$0x1];
	p0 =	sne.s32 s2, $0x0  }
0x15b: {  	s3 =	rddreg [dreg:$0x2];
	[bflag:$0x3] =	sbarrier.arrive $0xFFFF;
	s2 =	simm.s32 @!p0 $0x1C09  }
0x15c: {  	[timem:s3], [sflag:s2] =	dma.local @!p0 [hbm:s0], s1  }
0x15d: {  	s0 =	simm.s32 @!p0 $0x9  }
0x15e: {  	_ =	swait.ge @!p0 [sflag:s0], s1  }
0x15f: {  	s1 =	ssub.s32 @!p0 $0x0, s1;
	[sflag:s0] =	ssyncset.done @!p0 $0x0  }
0x160: {  	[sflag:s0] =	ssyncadd.s32 @!p0 s1  }
0x161: {  	[bflag:$0x3] =	sbarrier.arrive $0xFFFF  }
0x162: {  	_ =	shalt  }

</sc_bundles>
